<compile_context>
chip_gen: v7x
topology: tpu7x:2x2x1
jax: 0.10.2.dev20260603
libtpu: 0.0.44.dev20260713+nightly
codegen_flags: <defaults>
</compile_context>

<pallas_src>
import functools

import jax
import jax.numpy as jnp
from jax import lax
from jax.experimental import pallas as pl
from jax.experimental.pallas import tpu as pltpu
from jax.experimental.pallas import tpu_sc as plsc

N = 10000
E = 320000
D_IN = 128
H = 20
HP = 32
DEC_H = 64
N_PAD = 10240
NC = 2
NS = 16
NW = NC * NS
CHUNK = 128
NCH = 80
SUP = 4
TOT_CHUNKS = NW * NCH
E_PAD = TOT_CHUNKS * CHUNK
NE4 = E_PAD // 4
ROWS_PER_TILE = N_PAD // NS

def _make_noise_u4():
    import numpy as np

    def rotl(x, r):
        return ((x << np.uint32(r)) | (x >> np.uint32(32 - r))).astype(np.uint32)

    rotations = ((13, 15, 26, 6), (17, 29, 16, 24))
    ks0, ks1 = np.uint32(0), np.uint32(42)
    ks2 = np.uint32(ks0 ^ ks1 ^ np.uint32(0x1BD11BDA))
    ks = (ks0, ks1, ks2)
    i = np.arange(E, dtype=np.uint64)
    x0 = (i >> np.uint64(32)).astype(np.uint32)
    x1 = (i & np.uint64(0xFFFFFFFF)).astype(np.uint32)
    x0 = (x0 + ks0).astype(np.uint32)
    x1 = (x1 + ks1).astype(np.uint32)
    for r in range(5):
        for rot in rotations[r % 2]:
            x0 = (x0 + x1).astype(np.uint32)
            x1 = rotl(x1, rot)
            x1 = (x1 ^ x0).astype(np.uint32)
        x0 = (x0 + ks[(r + 1) % 3]).astype(np.uint32)
        x1 = (x1 + ks[(r + 2) % 3] + np.uint32(r + 1)).astype(np.uint32)
    bits = (x0 ^ x1).astype(np.uint32)
    floats = (bits >> np.uint32(9)) | np.uint32(0x3F800000)
    u = floats.view(np.float32) - np.float32(1.0)
    u_pad = np.full((E_PAD,), 0.5, np.float32)
    u_pad[:E] = u
    return np.ascontiguousarray(u_pad.reshape(NE4, 4).T)


_U4 = _make_noise_u4()


def _f32(*shape):
    return jax.ShapeDtypeStruct(shape, jnp.float32)


@functools.lru_cache(maxsize=None)
def _mesh():
    return plsc.VectorSubcoreMesh(core_axis_name="c", subcore_axis_name="s",
                                  num_cores=NC, num_subcores=NS)


def _pipe2(nch, start_fn, finish_fn):
    start_fn(0, 0)

    def body(i, _):
        j0 = 2 * i
        j1 = j0 + 1
        start_fn(j1, 1)
        finish_fn(j0, 0)

        @pl.when(j1 + 1 < nch)
        def _():
            start_fn(j1 + 1, 0)

        finish_fn(j1, 1)
        return 0

    lax.fori_loop(0, nch // 2, body, 0)


def _sc_degree(col3, ones_t, zeros_t):
    return _sc_degree_kernel()(col3, ones_t, zeros_t)


@functools.lru_cache(maxsize=None)
def _sc_degree_kernel():
    return functools.partial(
        pl.kernel,
        out_type=_f32(NC, N_PAD, HP),
        mesh=_mesh(),
        compiler_params=pltpu.CompilerParams(use_tc_tiling_on_sc=False),
        scratch_types=[
            pltpu.VMEM((NCH, CHUNK), jnp.int32),
            pltpu.VMEM((CHUNK, HP), jnp.float32),
            pltpu.VMEM_SHARED((N_PAD, HP), jnp.float32),
        ],
    )(_sc_degree_body)





def _sc_degree_body(col_hbm, ones_hbm, zeros_hbm, out_hbm, cidx, ones_v, hist_sh):
    cid = lax.axis_index("c")
    sid = lax.axis_index("s")
    wid = cid * NS + sid
    pltpu.sync_copy(zeros_hbm.at[pl.ds(sid * ROWS_PER_TILE, ROWS_PER_TILE)],
                    hist_sh.at[pl.ds(sid * ROWS_PER_TILE, ROWS_PER_TILE)])
    pltpu.sync_copy(ones_hbm, ones_v)
    pltpu.sync_copy(col_hbm.at[wid], cidx)
    plsc.subcore_barrier()

    def body(j, _):
        pltpu.sync_copy(ones_v, hist_sh.at[cidx.at[j]], add=True)
        return 0

    lax.fori_loop(0, NCH, body, 0)
    plsc.subcore_barrier()
    pltpu.sync_copy(hist_sh.at[pl.ds(sid * ROWS_PER_TILE, ROWS_PER_TILE)],
                    out_hbm.at[cid, pl.ds(sid * ROWS_PER_TILE, ROWS_PER_TILE)])


def _sc_scatter(row3, col3, y, zeros_t):
    return _sc_scatter_kernel()(row3, col3, y, zeros_t)


@functools.lru_cache(maxsize=None)
def _sc_scatter_kernel():
    return functools.partial(
        pl.kernel,
        out_type=_f32(NC, N_PAD, HP),
        mesh=_mesh(),
        compiler_params=pltpu.CompilerParams(use_tc_tiling_on_sc=False),
        scratch_types=[
            pltpu.VMEM((NCH, CHUNK), jnp.int32),
            pltpu.VMEM((NCH, CHUNK), jnp.int32),
            pltpu.VMEM((SUP * CHUNK, HP), jnp.float32),
            pltpu.VMEM((SUP * CHUNK, HP), jnp.float32),
            pltpu.VMEM_SHARED((N_PAD, HP), jnp.float32),
            pltpu.SemaphoreType.DMA,
            pltpu.SemaphoreType.DMA,
        ],
    )(_sc_scatter_body)


def _sc_scatter_body(row_hbm, col_hbm, y_hbm, zeros_hbm, out_hbm,
                     ridx, cidx, m0, m1, acc_sh, sg0, sg1):
    cid = lax.axis_index("c")
    sid = lax.axis_index("s")
    wid = cid * NS + sid
    pltpu.sync_copy(zeros_hbm.at[pl.ds(sid * ROWS_PER_TILE, ROWS_PER_TILE)],
                    acc_sh.at[pl.ds(sid * ROWS_PER_TILE, ROWS_PER_TILE)])
    pltpu.sync_copy(row_hbm.at[wid], ridx)
    pltpu.sync_copy(col_hbm.at[wid], cidx)
    plsc.subcore_barrier()

    bufs = (m0, m1)
    sems = (sg0, sg1)

    def start(su, slot):
        for c in range(SUP):
            pltpu.async_copy(y_hbm.at[ridx.at[su * SUP + c]],
                             bufs[slot].at[pl.ds(c * CHUNK, CHUNK)],
                             sems[slot])

    def finish(su, slot):
        pltpu.make_async_copy(y_hbm, bufs[slot], sems[slot]).wait()
        for c in range(SUP):
            pltpu.sync_copy(bufs[slot].at[pl.ds(c * CHUNK, CHUNK)],
                            acc_sh.at[cidx.at[su * SUP + c]], add=True)

    _pipe2(NCH // SUP, start, finish)
    plsc.subcore_barrier()
    pltpu.sync_copy(acc_sh.at[pl.ds(sid * ROWS_PER_TILE, ROWS_PER_TILE)],
                    out_hbm.at[cid, pl.ds(sid * ROWS_PER_TILE, ROWS_PER_TILE)])


def _sc_gather(row3, col3, x1):
    return _sc_gather_kernel()(row3, col3, x1)


@functools.lru_cache(maxsize=None)
def _sc_gather_kernel():
    return functools.partial(
        pl.kernel,
        out_type=(_f32(E_PAD, HP), _f32(E_PAD, HP)),
        mesh=_mesh(),
        compiler_params=pltpu.CompilerParams(use_tc_tiling_on_sc=False),
        scratch_types=[
            pltpu.VMEM((NCH, CHUNK), jnp.int32),
            pltpu.VMEM((NCH, CHUNK), jnp.int32),
            pltpu.VMEM((SUP * CHUNK, HP), jnp.float32),
            pltpu.VMEM((SUP * CHUNK, HP), jnp.float32),
            pltpu.VMEM((SUP * CHUNK, HP), jnp.float32),
            pltpu.VMEM((SUP * CHUNK, HP), jnp.float32),
            pltpu.SemaphoreType.DMA,
            pltpu.SemaphoreType.DMA,
            pltpu.SemaphoreType.DMA,
            pltpu.SemaphoreType.DMA,
            pltpu.SemaphoreType.DMA,
            pltpu.SemaphoreType.DMA,
            pltpu.SemaphoreType.DMA,
            pltpu.SemaphoreType.DMA,
        ],
    )(_sc_gather_body)


def _sc_gather_body(row_hbm, col_hbm, x1_hbm, za_hbm, zb_hbm,
                    ridx, cidx, a0, a1, b0, b1,
                    sa0, sa1, sb0, sb1, swa0, swa1, swb0, swb1):
    cid = lax.axis_index("c")
    sid = lax.axis_index("s")
    wid = cid * NS + sid
    pltpu.sync_copy(row_hbm.at[wid], ridx)
    pltpu.sync_copy(col_hbm.at[wid], cidx)

    abufs = (a0, a1)
    bbufs = (b0, b1)
    asems = (sa0, sa1)
    bsems = (sb0, sb1)
    wasems = (swa0, swa1)
    wbsems = (swb0, swb1)
    sup_rows = SUP * CHUNK

    def start(su, slot):
        @pl.when(su >= 2)
        def _():
            pltpu.make_async_copy(abufs[slot], za_hbm.at[pl.ds(0, sup_rows)],
                                  wasems[slot]).wait()
            pltpu.make_async_copy(bbufs[slot], zb_hbm.at[pl.ds(0, sup_rows)],
                                  wbsems[slot]).wait()
        for c in range(SUP):
            pltpu.async_copy(x1_hbm.at[ridx.at[su * SUP + c]],
                             abufs[slot].at[pl.ds(c * CHUNK, CHUNK)],
                             asems[slot])
            pltpu.async_copy(x1_hbm.at[cidx.at[su * SUP + c]],
                             bbufs[slot].at[pl.ds(c * CHUNK, CHUNK)],
                             bsems[slot])

    def finish(su, slot):
        pltpu.make_async_copy(x1_hbm, abufs[slot], asems[slot]).wait()
        pltpu.make_async_copy(x1_hbm, bbufs[slot], bsems[slot]).wait()
        base = wid * NCH * CHUNK + su * sup_rows
        pltpu.async_copy(abufs[slot], za_hbm.at[pl.ds(base, sup_rows)],
                         wasems[slot])
        pltpu.async_copy(bbufs[slot], zb_hbm.at[pl.ds(base, sup_rows)],
                         wbsems[slot])

    _pipe2(NCH // SUP, start, finish)
    for slot in (0, 1):
        pltpu.make_async_copy(abufs[slot], za_hbm.at[pl.ds(0, sup_rows)],
                              wasems[slot]).wait()
        pltpu.make_async_copy(bbufs[slot], zb_hbm.at[pl.ds(0, sup_rows)],
                              wbsems[slot]).wait()


def _tc_y_body(x_ref, w_ref, deg_ref, y_ref):
    deg = deg_ref[0, :, 0:1] + deg_ref[1, :, 0:1] + 1.0
    s = lax.rsqrt(deg)
    xw = jnp.dot(x_ref[...], w_ref[...], preferred_element_type=jnp.float32)
    y_ref[...] = xw * s


def _tc_y(x_pad, wgc_pad, degp):
    R = 1280
    return pl.pallas_call(
        _tc_y_body,
        grid=(N_PAD // R,),
        in_specs=[
            pl.BlockSpec((R, D_IN), lambda i: (i, 0)),
            pl.BlockSpec((D_IN, HP), lambda i: (0, 0)),
            pl.BlockSpec((NC, R, HP), lambda i: (0, i, 0)),
        ],
        out_specs=pl.BlockSpec((R, HP), lambda i: (i, 0)),
        out_shape=_f32(N_PAD, HP),
    )(x_pad, wgc_pad, degp)


def _tc_x1_body(nid_ref, deg_ref, acc_ref, y_ref, bgc_ref, w1c_ref, bd1_ref,
                x1_ref, cvec_ref):
    R = 1280
    i = pl.program_id(0)
    nid = nid_ref[0]
    deg = deg_ref[0, :, 0:1] + deg_ref[1, :, 0:1] + 1.0
    s = lax.rsqrt(deg)
    acc = acc_ref[0] + acc_ref[1]
    x1 = jnp.maximum(s * (acc + y_ref[...]) + bgc_ref[...], 0.0)
    x1_ref[...] = x1
    q = jnp.dot(x1, w1c_ref[...], preferred_element_type=jnp.float32)

    @pl.when(i == nid // R)
    def _():
        lid = nid - (nid // R) * R
        rowids = lax.broadcasted_iota(jnp.int32, (R, 1), 0)
        sel = jnp.where(rowids == lid, 1.0, 0.0)
        cvec_ref[...] = jnp.sum(q * sel, axis=0, keepdims=True) + bd1_ref[...]


def _tc_x1(nid_arr, degp, accp, y, bgc_pad, w1c_pad, bd1):
    R = 1280
    grid_spec = pltpu.PrefetchScalarGridSpec(
        num_scalar_prefetch=1,
        grid=(N_PAD // R,),
        in_specs=[
            pl.BlockSpec((NC, R, HP), lambda i, nid: (0, i, 0)),
            pl.BlockSpec((NC, R, HP), lambda i, nid: (0, i, 0)),
            pl.BlockSpec((R, HP), lambda i, nid: (i, 0)),
            pl.BlockSpec((1, HP), lambda i, nid: (0, 0)),
            pl.BlockSpec((HP, DEC_H), lambda i, nid: (0, 0)),
            pl.BlockSpec((1, DEC_H), lambda i, nid: (0, 0)),
        ],
        out_specs=[
            pl.BlockSpec((R, HP), lambda i, nid: (i, 0)),
            pl.BlockSpec((1, DEC_H), lambda i, nid: (0, 0)),
        ],
    )
    return pl.pallas_call(
        _tc_x1_body,
        grid_spec=grid_spec,
        out_shape=[_f32(N_PAD, HP), _f32(1, DEC_H)],
    )(nid_arr, degp, accp, y, bgc_pad, w1c_pad, bd1)


def _tc_dec_body(za_ref, zb_ref, cvec_ref, w1a_ref, w1b_ref, w2s_ref, b2_ref,
                 u_ref, out_ref):
    cv = cvec_ref[...]
    cv4 = jnp.concatenate([cv, cv, cv, cv], axis=1)
    h = (jnp.dot(za_ref[...], w1a_ref[...], preferred_element_type=jnp.float32)
         + jnp.dot(zb_ref[...], w1b_ref[...], preferred_element_type=jnp.float32)
         + cv4)
    h = jnp.maximum(h, 0.0)
    wt = lax.dot_general(w2s_ref[...], h, (((1,), (1,)), ((), ())),
                         preferred_element_type=jnp.float32)
    w = wt + b2_ref[0, 0]
    bias = 0.0001
    u = u_ref[...]
    eps = (bias - (1.0 - bias)) * u + (1.0 - bias)
    gate = jnp.log(eps) - jnp.log(1.0 - eps) + w
    out_ref[...] = jax.nn.sigmoid(gate)


def _tc_decoder(za, zb, cvec, w1a4, w1b4, w2s, b2r, u4):
    BR = 512
    return pl.pallas_call(
        _tc_dec_body,
        grid=(NE4 // BR,),
        in_specs=[
            pl.BlockSpec((BR, D_IN), lambda i: (i, 0)),
            pl.BlockSpec((BR, D_IN), lambda i: (i, 0)),
            pl.BlockSpec((1, DEC_H), lambda i: (0, 0)),
            pl.BlockSpec((D_IN, 4 * DEC_H), lambda i: (0, 0)),
            pl.BlockSpec((D_IN, 4 * DEC_H), lambda i: (0, 0)),
            pl.BlockSpec((4, 4 * DEC_H), lambda i: (0, 0)),
            pl.BlockSpec((1, 1), lambda i: (0, 0)),
            pl.BlockSpec((4, BR), lambda i: (0, i)),
        ],
        out_specs=pl.BlockSpec((4, BR), lambda i: (0, i)),
        out_shape=_f32(4, NE4),
    )(za, zb, cvec, w1a4, w1b4, w2s, b2r, u4)


def kernel(x, edge_index, node_id, W_gc, b_gc, W_d1, b_d1, W_d2, b_d2):
    f32 = jnp.float32
    x_pad = jnp.zeros((N_PAD, D_IN), f32).at[:N].set(x)
    wgc_pad = jnp.zeros((D_IN, HP), f32).at[:, :H].set(W_gc)
    bgc_pad = jnp.zeros((1, HP), f32).at[0, :H].set(b_gc)
    w1a4 = jnp.zeros((D_IN, 4 * DEC_H), f32)
    w1b4 = jnp.zeros((D_IN, 4 * DEC_H), f32)
    w2s = jnp.zeros((4, 4 * DEC_H), f32)
    for j in range(4):
        w1a4 = w1a4.at[j * HP:j * HP + H, j * DEC_H:(j + 1) * DEC_H].set(W_d1[:H])
        w1b4 = w1b4.at[j * HP:j * HP + H, j * DEC_H:(j + 1) * DEC_H].set(W_d1[H:2 * H])
        w2s = w2s.at[j, j * DEC_H:(j + 1) * DEC_H].set(W_d2[:, 0])
    w1c_pad = jnp.zeros((HP, DEC_H), f32).at[:H].set(W_d1[2 * H:])
    bd1 = b_d1.reshape(1, DEC_H).astype(f32)
    b2r = b_d2.reshape(1, 1).astype(f32)
    row3 = jnp.full((E_PAD,), N, jnp.int32).at[:E].set(
        edge_index[0]).reshape(NW, NCH, CHUNK)
    col3 = jnp.full((E_PAD,), N, jnp.int32).at[:E].set(
        edge_index[1]).reshape(NW, NCH, CHUNK)
    ones_t = jnp.zeros((CHUNK, HP), f32).at[:, 0].set(1.0)
    zeros_t = jnp.zeros((N_PAD, HP), f32)
    u4 = jnp.asarray(_U4)
    nid_arr = jnp.asarray(node_id, jnp.int32).reshape(1)

    degp = _sc_degree(col3, ones_t, zeros_t)
    y = _tc_y(x_pad, wgc_pad, degp)
    accp = _sc_scatter(row3, col3, y, zeros_t)
    x1, cvec = _tc_x1(nid_arr, degp, accp, y, bgc_pad, w1c_pad, bd1)
    za, zb = _sc_gather(row3, col3, x1)
    za4 = za.reshape(NE4, D_IN)
    zb4 = zb.reshape(NE4, D_IN)
    out4 = _tc_decoder(za4, zb4, cvec, w1a4, w1b4, w2s, b2r, u4)
    return out4.T.reshape(E_PAD, 1)[:E]

# --- scband reference (transcript-rebuilt; emitter-appended) ---
"""Pipeline reference for scband-cfpgv2-expl-module-47485158425174 (READ-ONLY COPY).

The authoritative reference and input builder live on the scoring server;
editing this copy changes nothing except your own understanding.
"""

import jax, jax.numpy as jnp
import numpy as np

N = 10000
E = 320000
D_IN = 128
ENC_H = 20
DEC_H = 64
LATENT = ENC_H * 3


def setup_inputs(seed: int = 0) -> dict:
    key = jax.random.key(seed)
    ks = jax.random.split(key, 8)
    x = jax.random.normal(ks[0], (N, D_IN), dtype=jnp.float32)
    edge_index = jax.random.randint(ks[1], (2, E), 0, N, dtype=jnp.int32)
    node_id = 5000
    # GCNConv params (glorot-ish init)
    W_gc = jax.random.normal(ks[2], (D_IN, ENC_H), dtype=jnp.float32) * (1.0 / np.sqrt(D_IN))
    b_gc = jnp.zeros((ENC_H,), dtype=jnp.float32)
    # decoder: Linear(60,64) -> ReLU -> Linear(64,1)
    W_d1 = jax.random.normal(ks[3], (LATENT, DEC_H), dtype=jnp.float32) * (1.0 / np.sqrt(LATENT))
    b_d1 = jnp.zeros((DEC_H,), dtype=jnp.float32)
    W_d2 = jax.random.normal(ks[4], (DEC_H, 1), dtype=jnp.float32) * (1.0 / np.sqrt(DEC_H))
    b_d2 = jnp.zeros((1,), dtype=jnp.float32)
    return {"x": x, "edge_index": edge_index, "node_id": node_id,
            "W_gc": W_gc, "b_gc": b_gc, "W_d1": W_d1, "b_d1": b_d1,
            "W_d2": W_d2, "b_d2": b_d2}


def reference(x, edge_index, node_id, W_gc, b_gc, W_d1, b_d1, W_d2, b_d2):
    n = x.shape[0]
    # --- GCNConv with self-loops and symmetric normalization ---
    sl = jnp.arange(n, dtype=edge_index.dtype)
    row = jnp.concatenate([edge_index[0], sl])  # source j
    col = jnp.concatenate([edge_index[1], sl])  # target i
    deg = jnp.zeros((n,), dtype=x.dtype).at[col].add(1.0)
    deg_inv_sqrt = jnp.where(deg > 0, 1.0 / jnp.sqrt(deg), 0.0)
    norm = deg_inv_sqrt[row] * deg_inv_sqrt[col]
    xw = x @ W_gc
    msgs = xw[row] * norm[:, None]
    agg = jnp.zeros((n, xw.shape[1]), dtype=x.dtype).at[col].add(msgs)
    x1 = jax.nn.relu(agg + b_gc)
    # --- latent edge representation (gather + concat) ---
    rows = edge_index[0]
    cols = edge_index[1]
    row_emb = x1[rows]
    col_emb = x1[cols]
    node_emb = jnp.broadcast_to(x1[node_id], (rows.shape[0], x1.shape[1]))
    z = jnp.concatenate([row_emb, col_emb, node_emb], axis=1)
    # --- decoder MLP ---
    h = jax.nn.relu(z @ W_d1 + b_d1)
    w = h @ W_d2 + b_d2
    # --- concrete/gumbel-style edge sampling (training=True, bias=0.0) ---
    bias = 0.0 + 0.0001
    temperature = 1.0
    u = jax.random.uniform(jax.random.key(42), w.shape, dtype=w.dtype)
    eps = (bias - (1.0 - bias)) * u + (1.0 - bias)
    gate_inputs = jnp.log(eps) - jnp.log(1.0 - eps)
    gate_inputs = (gate_inputs + w) / temperature
    graph = jax.nn.sigmoid(gate_inputs)
    return graph

if __name__ == "__main__":
    import jax
    _d = setup_inputs()
    print(jax.jit(kernel)(*tuple(_d.values())))

</pallas_src>

<mosaic_0001>
#map = affine_map<(d0, d1) -> (0, 0, 0)>
#map1 = affine_map<(d0, d1) -> (0, 0)>
module attributes {stable_mosaic.version = 14 : i64} {
  func.func @_sc_gather_body(%arg0: i32, %arg1: i32, %arg2: memref<32x80x128xi32, #tpu.memory_space<hbm>>, %arg3: memref<32x80x128xi32, #tpu.memory_space<hbm>>, %arg4: memref<10240x32xf32, #tpu.memory_space<hbm>>, %arg5: memref<327680x32xf32, #tpu.memory_space<hbm>>, %arg6: memref<327680x32xf32, #tpu.memory_space<hbm>>, %arg7: memref<80x128xi32, #tpu.memory_space<vmem>>, %arg8: memref<80x128xi32, #tpu.memory_space<vmem>>, %arg9: memref<512x32xf32, #tpu.memory_space<vmem>>, %arg10: memref<512x32xf32, #tpu.memory_space<vmem>>, %arg11: memref<512x32xf32, #tpu.memory_space<vmem>>, %arg12: memref<512x32xf32, #tpu.memory_space<vmem>>, %arg13: memref<!tpu.dma_semaphore, #tpu.memory_space<semaphore_mem>>, %arg14: memref<!tpu.dma_semaphore, #tpu.memory_space<semaphore_mem>>, %arg15: memref<!tpu.dma_semaphore, #tpu.memory_space<semaphore_mem>>, %arg16: memref<!tpu.dma_semaphore, #tpu.memory_space<semaphore_mem>>, %arg17: memref<!tpu.dma_semaphore, #tpu.memory_space<semaphore_mem>>, %arg18: memref<!tpu.dma_semaphore, #tpu.memory_space<semaphore_mem>>, %arg19: memref<!tpu.dma_semaphore, #tpu.memory_space<semaphore_mem>>, %arg20: memref<!tpu.dma_semaphore, #tpu.memory_space<semaphore_mem>>) attributes {dimension_semantics = [#tpu.dimension_semantics<core_parallel>, #tpu.dimension_semantics<subcore_parallel>], iteration_bounds = array<i64: 2, 16>, scalar_prefetch = 0 : i64, scratch_operands = 14 : i64, tpu.core_type = #tpu.core_type<sc_vector_subcore>, window_params = [{transform_indices = #map}, {transform_indices = #map}, {transform_indices = #map1}, {transform_indices = #map1}, {transform_indices = #map1}]} {
    %mul3A = arith.constant 16 : i32
    %mul3A_0 = arith.muli %arg0, %mul3A : i32
    %add3A = arith.addi %mul3A_0, %arg1 : i32
    "tpu.region"() ({
      %run_scoped3A = tpu.sem_alloc : memref<!tpu.dma_semaphore, #tpu.memory_space<semaphore_mem>>
      %dma_start3A_109 = arith.constant 0 : i32
      %dma_start3A_110 = arith.constant 0 : i32
      %dma_start3A_111 = tpu.memref_slice %arg2[%add3A, %dma_start3A_109, %dma_start3A_110] : memref<32x80x128xi32, #tpu.memory_space<hbm>> -> memref<1x80x128xi32, #tpu.memory_space<hbm>>
      %dma_start3A_112 = tpu.memref_squeeze %dma_start3A_111 : memref<1x80x128xi32, #tpu.memory_space<hbm>> -> memref<80x128xi32, #tpu.memory_space<hbm>>
      %dma_start3A_113 = arith.constant 0 : i32
      %dma_start3A_114 = arith.constant 0 : i32
      %dma_start3A_115 = tpu.memref_slice %arg2[%add3A, %dma_start3A_113, %dma_start3A_114] : memref<32x80x128xi32, #tpu.memory_space<hbm>> -> memref<1x80x128xi32, #tpu.memory_space<hbm>>
      %dma_start3A_116 = tpu.memref_squeeze %dma_start3A_115 : memref<1x80x128xi32, #tpu.memory_space<hbm>> -> memref<80x128xi32, #tpu.memory_space<hbm>>
      tpu.enqueue_dma source(%dma_start3A_116 : memref<80x128xi32, #tpu.memory_space<hbm>>) target(%arg7 : memref<80x128xi32, #tpu.memory_space<vmem>>) target_semaphore(%run_scoped3A : memref<!tpu.dma_semaphore, #tpu.memory_space<semaphore_mem>>)
      %dma_wait3A_117 = arith.constant 0 : i32
      %dma_wait3A_118 = arith.constant 0 : i32
      %dma_wait3A_119 = tpu.memref_slice %arg2[%add3A, %dma_wait3A_117, %dma_wait3A_118] : memref<32x80x128xi32, #tpu.memory_space<hbm>> -> memref<1x80x128xi32, #tpu.memory_space<hbm>>
      %dma_wait3A_120 = tpu.memref_squeeze %dma_wait3A_119 : memref<1x80x128xi32, #tpu.memory_space<hbm>> -> memref<80x128xi32, #tpu.memory_space<hbm>>
      %dma_wait3A_121 = arith.constant 0 : i32
      %dma_wait3A_122 = arith.constant 0 : i32
      %dma_wait3A_123 = tpu.memref_slice %arg2[%add3A, %dma_wait3A_121, %dma_wait3A_122] : memref<32x80x128xi32, #tpu.memory_space<hbm>> -> memref<1x80x128xi32, #tpu.memory_space<hbm>>
      %dma_wait3A_124 = tpu.memref_squeeze %dma_wait3A_123 : memref<1x80x128xi32, #tpu.memory_space<hbm>> -> memref<80x128xi32, #tpu.memory_space<hbm>>
      tpu.wait_dma2 semaphore(%run_scoped3A : memref<!tpu.dma_semaphore, #tpu.memory_space<semaphore_mem>>) src(%dma_wait3A_124 : memref<80x128xi32, #tpu.memory_space<hbm>>) dst(%arg7 : memref<80x128xi32, #tpu.memory_space<vmem>>)
      tpu.yield
    }) : () -> ()
    "tpu.region"() ({
      %run_scoped3A = tpu.sem_alloc : memref<!tpu.dma_semaphore, #tpu.memory_space<semaphore_mem>>
      %dma_start3A_109 = arith.constant 0 : i32
      %dma_start3A_110 = arith.constant 0 : i32
      %dma_start3A_111 = tpu.memref_slice %arg3[%add3A, %dma_start3A_109, %dma_start3A_110] : memref<32x80x128xi32, #tpu.memory_space<hbm>> -> memref<1x80x128xi32, #tpu.memory_space<hbm>>
      %dma_start3A_112 = tpu.memref_squeeze %dma_start3A_111 : memref<1x80x128xi32, #tpu.memory_space<hbm>> -> memref<80x128xi32, #tpu.memory_space<hbm>>
      %dma_start3A_113 = arith.constant 0 : i32
      %dma_start3A_114 = arith.constant 0 : i32
      %dma_start3A_115 = tpu.memref_slice %arg3[%add3A, %dma_start3A_113, %dma_start3A_114] : memref<32x80x128xi32, #tpu.memory_space<hbm>> -> memref<1x80x128xi32, #tpu.memory_space<hbm>>
      %dma_start3A_116 = tpu.memref_squeeze %dma_start3A_115 : memref<1x80x128xi32, #tpu.memory_space<hbm>> -> memref<80x128xi32, #tpu.memory_space<hbm>>
      tpu.enqueue_dma source(%dma_start3A_116 : memref<80x128xi32, #tpu.memory_space<hbm>>) target(%arg8 : memref<80x128xi32, #tpu.memory_space<vmem>>) target_semaphore(%run_scoped3A : memref<!tpu.dma_semaphore, #tpu.memory_space<semaphore_mem>>)
      %dma_wait3A_117 = arith.constant 0 : i32
      %dma_wait3A_118 = arith.constant 0 : i32
      %dma_wait3A_119 = tpu.memref_slice %arg3[%add3A, %dma_wait3A_117, %dma_wait3A_118] : memref<32x80x128xi32, #tpu.memory_space<hbm>> -> memref<1x80x128xi32, #tpu.memory_space<hbm>>
      %dma_wait3A_120 = tpu.memref_squeeze %dma_wait3A_119 : memref<1x80x128xi32, #tpu.memory_space<hbm>> -> memref<80x128xi32, #tpu.memory_space<hbm>>
      %dma_wait3A_121 = arith.constant 0 : i32
      %dma_wait3A_122 = arith.constant 0 : i32
      %dma_wait3A_123 = tpu.memref_slice %arg3[%add3A, %dma_wait3A_121, %dma_wait3A_122] : memref<32x80x128xi32, #tpu.memory_space<hbm>> -> memref<1x80x128xi32, #tpu.memory_space<hbm>>
      %dma_wait3A_124 = tpu.memref_squeeze %dma_wait3A_123 : memref<1x80x128xi32, #tpu.memory_space<hbm>> -> memref<80x128xi32, #tpu.memory_space<hbm>>
      tpu.wait_dma2 semaphore(%run_scoped3A : memref<!tpu.dma_semaphore, #tpu.memory_space<semaphore_mem>>) src(%dma_wait3A_124 : memref<80x128xi32, #tpu.memory_space<hbm>>) dst(%arg8 : memref<80x128xi32, #tpu.memory_space<vmem>>)
      tpu.yield
    }) : () -> ()
    %dma_start3A = arith.constant 0 : i32
    %dma_start3A_1 = arith.constant 0 : i32
    %dma_start3A_2 = arith.constant 0 : i32
    %dma_start3A_3 = tpu.memref_slice %arg9[%dma_start3A_1, %dma_start3A_2] : memref<512x32xf32, #tpu.memory_space<vmem>> -> memref<128x32xf32, #tpu.memory_space<vmem>>
    %dma_start3A_4 = arith.constant 0 : i32
    %dma_start3A_5 = tpu.memref_slice %arg7[%dma_start3A, %dma_start3A_4] : memref<80x128xi32, #tpu.memory_space<vmem>> -> memref<1x128xi32, #tpu.memory_space<vmem>>
    %dma_start3A_6 = tpu.memref_squeeze %dma_start3A_5 : memref<1x128xi32, #tpu.memory_space<vmem>> -> memref<128xi32, #tpu.memory_space<vmem>>
    %dma_start3A_7 = arith.constant 0 : i32
    %dma_start3A_8 = arith.constant 0 : i32
    %dma_start3A_9 = tpu.memref_slice %arg4[%dma_start3A_7, %dma_start3A_8] : memref<10240x32xf32, #tpu.memory_space<hbm>> -> memref<10240x32xf32, #tpu.memory_space<hbm>>
    tpu.enqueue_indirect_dma source(%dma_start3A_9 : memref<10240x32xf32, #tpu.memory_space<hbm>>) target(%dma_start3A_3 : memref<128x32xf32, #tpu.memory_space<vmem>>) offsets(%dma_start3A_6 : memref<128xi32, #tpu.memory_space<vmem>>) semaphore(%arg13 : memref<!tpu.dma_semaphore, #tpu.memory_space<semaphore_mem>>)
    %dma_start3A_10 = arith.constant 0 : i32
    %dma_start3A_11 = arith.constant 0 : i32
    %dma_start3A_12 = arith.constant 0 : i32
    %dma_start3A_13 = tpu.memref_slice %arg11[%dma_start3A_11, %dma_start3A_12] : memref<512x32xf32, #tpu.memory_space<vmem>> -> memref<128x32xf32, #tpu.memory_space<vmem>>
    %dma_start3A_14 = arith.constant 0 : i32
    %dma_start3A_15 = tpu.memref_slice %arg8[%dma_start3A_10, %dma_start3A_14] : memref<80x128xi32, #tpu.memory_space<vmem>> -> memref<1x128xi32, #tpu.memory_space<vmem>>
    %dma_start3A_16 = tpu.memref_squeeze %dma_start3A_15 : memref<1x128xi32, #tpu.memory_space<vmem>> -> memref<128xi32, #tpu.memory_space<vmem>>
    %dma_start3A_17 = arith.constant 0 : i32
    %dma_start3A_18 = arith.constant 0 : i32
    %dma_start3A_19 = tpu.memref_slice %arg4[%dma_start3A_17, %dma_start3A_18] : memref<10240x32xf32, #tpu.memory_space<hbm>> -> memref<10240x32xf32, #tpu.memory_space<hbm>>
    tpu.enqueue_indirect_dma source(%dma_start3A_19 : memref<10240x32xf32, #tpu.memory_space<hbm>>) target(%dma_start3A_13 : memref<128x32xf32, #tpu.memory_space<vmem>>) offsets(%dma_start3A_16 : memref<128xi32, #tpu.memory_space<vmem>>) semaphore(%arg15 : memref<!tpu.dma_semaphore, #tpu.memory_space<semaphore_mem>>)
    %dma_start3A_20 = arith.constant 1 : i32
    %dma_start3A_21 = arith.constant 128 : i32
    %dma_start3A_22 = arith.constant 0 : i32
    %dma_start3A_23 = tpu.memref_slice %arg9[%dma_start3A_21, %dma_start3A_22] : memref<512x32xf32, #tpu.memory_space<vmem>> -> memref<128x32xf32, #tpu.memory_space<vmem>>
    %dma_start3A_24 = arith.constant 0 : i32
    %dma_start3A_25 = tpu.memref_slice %arg7[%dma_start3A_20, %dma_start3A_24] : memref<80x128xi32, #tpu.memory_space<vmem>> -> memref<1x128xi32, #tpu.memory_space<vmem>>
    %dma_start3A_26 = tpu.memref_squeeze %dma_start3A_25 : memref<1x128xi32, #tpu.memory_space<vmem>> -> memref<128xi32, #tpu.memory_space<vmem>>
    %dma_start3A_27 = arith.constant 0 : i32
    %dma_start3A_28 = arith.constant 0 : i32
    %dma_start3A_29 = tpu.memref_slice %arg4[%dma_start3A_27, %dma_start3A_28] : memref<10240x32xf32, #tpu.memory_space<hbm>> -> memref<10240x32xf32, #tpu.memory_space<hbm>>
    tpu.enqueue_indirect_dma source(%dma_start3A_29 : memref<10240x32xf32, #tpu.memory_space<hbm>>) target(%dma_start3A_23 : memref<128x32xf32, #tpu.memory_space<vmem>>) offsets(%dma_start3A_26 : memref<128xi32, #tpu.memory_space<vmem>>) semaphore(%arg13 : memref<!tpu.dma_semaphore, #tpu.memory_space<semaphore_mem>>)
    %dma_start3A_30 = arith.constant 1 : i32
    %dma_start3A_31 = arith.constant 128 : i32
    %dma_start3A_32 = arith.constant 0 : i32
    %dma_start3A_33 = tpu.memref_slice %arg11[%dma_start3A_31, %dma_start3A_32] : memref<512x32xf32, #tpu.memory_space<vmem>> -> memref<128x32xf32, #tpu.memory_space<vmem>>
    %dma_start3A_34 = arith.constant 0 : i32
    %dma_start3A_35 = tpu.memref_slice %arg8[%dma_start3A_30, %dma_start3A_34] : memref<80x128xi32, #tpu.memory_space<vmem>> -> memref<1x128xi32, #tpu.memory_space<vmem>>
    %dma_start3A_36 = tpu.memref_squeeze %dma_start3A_35 : memref<1x128xi32, #tpu.memory_space<vmem>> -> memref<128xi32, #tpu.memory_space<vmem>>
    %dma_start3A_37 = arith.constant 0 : i32
    %dma_start3A_38 = arith.constant 0 : i32
    %dma_start3A_39 = tpu.memref_slice %arg4[%dma_start3A_37, %dma_start3A_38] : memref<10240x32xf32, #tpu.memory_space<hbm>> -> memref<10240x32xf32, #tpu.memory_space<hbm>>
    tpu.enqueue_indirect_dma source(%dma_start3A_39 : memref<10240x32xf32, #tpu.memory_space<hbm>>) target(%dma_start3A_33 : memref<128x32xf32, #tpu.memory_space<vmem>>) offsets(%dma_start3A_36 : memref<128xi32, #tpu.memory_space<vmem>>) semaphore(%arg15 : memref<!tpu.dma_semaphore, #tpu.memory_space<semaphore_mem>>)
    %dma_start3A_40 = arith.constant 2 : i32
    %dma_start3A_41 = arith.constant 256 : i32
    %dma_start3A_42 = arith.constant 0 : i32
    %dma_start3A_43 = tpu.memref_slice %arg9[%dma_start3A_41, %dma_start3A_42] : memref<512x32xf32, #tpu.memory_space<vmem>> -> memref<128x32xf32, #tpu.memory_space<vmem>>
    %dma_start3A_44 = arith.constant 0 : i32
    %dma_start3A_45 = tpu.memref_slice %arg7[%dma_start3A_40, %dma_start3A_44] : memref<80x128xi32, #tpu.memory_space<vmem>> -> memref<1x128xi32, #tpu.memory_space<vmem>>
    %dma_start3A_46 = tpu.memref_squeeze %dma_start3A_45 : memref<1x128xi32, #tpu.memory_space<vmem>> -> memref<128xi32, #tpu.memory_space<vmem>>
    %dma_start3A_47 = arith.constant 0 : i32
    %dma_start3A_48 = arith.constant 0 : i32
    %dma_start3A_49 = tpu.memref_slice %arg4[%dma_start3A_47, %dma_start3A_48] : memref<10240x32xf32, #tpu.memory_space<hbm>> -> memref<10240x32xf32, #tpu.memory_space<hbm>>
    tpu.enqueue_indirect_dma source(%dma_start3A_49 : memref<10240x32xf32, #tpu.memory_space<hbm>>) target(%dma_start3A_43 : memref<128x32xf32, #tpu.memory_space<vmem>>) offsets(%dma_start3A_46 : memref<128xi32, #tpu.memory_space<vmem>>) semaphore(%arg13 : memref<!tpu.dma_semaphore, #tpu.memory_space<semaphore_mem>>)
    %dma_start3A_50 = arith.constant 2 : i32
    %dma_start3A_51 = arith.constant 256 : i32
    %dma_start3A_52 = arith.constant 0 : i32
    %dma_start3A_53 = tpu.memref_slice %arg11[%dma_start3A_51, %dma_start3A_52] : memref<512x32xf32, #tpu.memory_space<vmem>> -> memref<128x32xf32, #tpu.memory_space<vmem>>
    %dma_start3A_54 = arith.constant 0 : i32
    %dma_start3A_55 = tpu.memref_slice %arg8[%dma_start3A_50, %dma_start3A_54] : memref<80x128xi32, #tpu.memory_space<vmem>> -> memref<1x128xi32, #tpu.memory_space<vmem>>
    %dma_start3A_56 = tpu.memref_squeeze %dma_start3A_55 : memref<1x128xi32, #tpu.memory_space<vmem>> -> memref<128xi32, #tpu.memory_space<vmem>>
    %dma_start3A_57 = arith.constant 0 : i32
    %dma_start3A_58 = arith.constant 0 : i32
    %dma_start3A_59 = tpu.memref_slice %arg4[%dma_start3A_57, %dma_start3A_58] : memref<10240x32xf32, #tpu.memory_space<hbm>> -> memref<10240x32xf32, #tpu.memory_space<hbm>>
    tpu.enqueue_indirect_dma source(%dma_start3A_59 : memref<10240x32xf32, #tpu.memory_space<hbm>>) target(%dma_start3A_53 : memref<128x32xf32, #tpu.memory_space<vmem>>) offsets(%dma_start3A_56 : memref<128xi32, #tpu.memory_space<vmem>>) semaphore(%arg15 : memref<!tpu.dma_semaphore, #tpu.memory_space<semaphore_mem>>)
    %dma_start3A_60 = arith.constant 3 : i32
    %dma_start3A_61 = arith.constant 384 : i32
    %dma_start3A_62 = arith.constant 0 : i32
    %dma_start3A_63 = tpu.memref_slice %arg9[%dma_start3A_61, %dma_start3A_62] : memref<512x32xf32, #tpu.memory_space<vmem>> -> memref<128x32xf32, #tpu.memory_space<vmem>>
    %dma_start3A_64 = arith.constant 0 : i32
    %dma_start3A_65 = tpu.memref_slice %arg7[%dma_start3A_60, %dma_start3A_64] : memref<80x128xi32, #tpu.memory_space<vmem>> -> memref<1x128xi32, #tpu.memory_space<vmem>>
    %dma_start3A_66 = tpu.memref_squeeze %dma_start3A_65 : memref<1x128xi32, #tpu.memory_space<vmem>> -> memref<128xi32, #tpu.memory_space<vmem>>
    %dma_start3A_67 = arith.constant 0 : i32
    %dma_start3A_68 = arith.constant 0 : i32
    %dma_start3A_69 = tpu.memref_slice %arg4[%dma_start3A_67, %dma_start3A_68] : memref<10240x32xf32, #tpu.memory_space<hbm>> -> memref<10240x32xf32, #tpu.memory_space<hbm>>
    tpu.enqueue_indirect_dma source(%dma_start3A_69 : memref<10240x32xf32, #tpu.memory_space<hbm>>) target(%dma_start3A_63 : memref<128x32xf32, #tpu.memory_space<vmem>>) offsets(%dma_start3A_66 : memref<128xi32, #tpu.memory_space<vmem>>) semaphore(%arg13 : memref<!tpu.dma_semaphore, #tpu.memory_space<semaphore_mem>>)
    %dma_start3A_70 = arith.constant 3 : i32
    %dma_start3A_71 = arith.constant 384 : i32
    %dma_start3A_72 = arith.constant 0 : i32
    %dma_start3A_73 = tpu.memref_slice %arg11[%dma_start3A_71, %dma_start3A_72] : memref<512x32xf32, #tpu.memory_space<vmem>> -> memref<128x32xf32, #tpu.memory_space<vmem>>
    %dma_start3A_74 = arith.constant 0 : i32
    %dma_start3A_75 = tpu.memref_slice %arg8[%dma_start3A_70, %dma_start3A_74] : memref<80x128xi32, #tpu.memory_space<vmem>> -> memref<1x128xi32, #tpu.memory_space<vmem>>
    %dma_start3A_76 = tpu.memref_squeeze %dma_start3A_75 : memref<1x128xi32, #tpu.memory_space<vmem>> -> memref<128xi32, #tpu.memory_space<vmem>>
    %dma_start3A_77 = arith.constant 0 : i32
    %dma_start3A_78 = arith.constant 0 : i32
    %dma_start3A_79 = tpu.memref_slice %arg4[%dma_start3A_77, %dma_start3A_78] : memref<10240x32xf32, #tpu.memory_space<hbm>> -> memref<10240x32xf32, #tpu.memory_space<hbm>>
    tpu.enqueue_indirect_dma source(%dma_start3A_79 : memref<10240x32xf32, #tpu.memory_space<hbm>>) target(%dma_start3A_73 : memref<128x32xf32, #tpu.memory_space<vmem>>) offsets(%dma_start3A_76 : memref<128xi32, #tpu.memory_space<vmem>>) semaphore(%arg15 : memref<!tpu.dma_semaphore, #tpu.memory_space<semaphore_mem>>)
    %scan3A = arith.constant 0 : i32
    %scan3A_80 = arith.constant 0 : i32
    %scan3A_81 = arith.constant 10 : i32
    %scan3A_82 = arith.addi %scan3A_80, %scan3A_81 : i32
    %scan3A_83 = arith.constant 1 : i32
    %scan3A_84 = scf.for %scan3A_109 = %scan3A_80 to %scan3A_82 step %scan3A_83 iter_args(%scan3A_110 = %scan3A) -> (i32)  : i32 {
      %mul3A_111 = arith.constant 2 : i32
      %mul3A_112 = arith.muli %mul3A_111, %scan3A_109 : i32
      %add3A_113 = arith.constant 1 : i32
      %add3A_114 = arith.addi %mul3A_112, %add3A_113 : i32
      %ge3A = arith.constant 2 : i32
      %ge3A_115 = arith.cmpi sge, %add3A_114, %ge3A : i32
      %convert_element_type3A = arith.extui %ge3A_115 : i1 to i32
      %cond3A = arith.constant 0 : i32
      %cond3A_116 = arith.cmpi ne, %convert_element_type3A, %cond3A : i32
      scf.if %cond3A_116 {
        %dma_wait3A_258 = arith.constant 0 : i32
        %dma_wait3A_259 = arith.constant 0 : i32
        %dma_wait3A_260 = tpu.memref_slice %arg5[%dma_wait3A_258, %dma_wait3A_259] : memref<327680x32xf32, #tpu.memory_space<hbm>> -> memref<512x32xf32, #tpu.memory_space<hbm>>
        %dma_wait3A_261 = arith.constant 0 : i32
        %dma_wait3A_262 = arith.constant 0 : i32
        %dma_wait3A_263 = tpu.memref_slice %arg5[%dma_wait3A_261, %dma_wait3A_262] : memref<327680x32xf32, #tpu.memory_space<hbm>> -> memref<512x32xf32, #tpu.memory_space<hbm>>
        tpu.wait_dma2 semaphore(%arg18 : memref<!tpu.dma_semaphore, #tpu.memory_space<semaphore_mem>>) src(%arg10 : memref<512x32xf32, #tpu.memory_space<vmem>>) dst(%dma_wait3A_263 : memref<512x32xf32, #tpu.memory_space<hbm>>)
        %dma_wait3A_264 = arith.constant 0 : i32
        %dma_wait3A_265 = arith.constant 0 : i32
        %dma_wait3A_266 = tpu.memref_slice %arg6[%dma_wait3A_264, %dma_wait3A_265] : memref<327680x32xf32, #tpu.memory_space<hbm>> -> memref<512x32xf32, #tpu.memory_space<hbm>>
        %dma_wait3A_267 = arith.constant 0 : i32
        %dma_wait3A_268 = arith.constant 0 : i32
        %dma_wait3A_269 = tpu.memref_slice %arg6[%dma_wait3A_267, %dma_wait3A_268] : memref<327680x32xf32, #tpu.memory_space<hbm>> -> memref<512x32xf32, #tpu.memory_space<hbm>>
        tpu.wait_dma2 semaphore(%arg20 : memref<!tpu.dma_semaphore, #tpu.memory_space<semaphore_mem>>) src(%arg12 : memref<512x32xf32, #tpu.memory_space<vmem>>) dst(%dma_wait3A_269 : memref<512x32xf32, #tpu.memory_space<hbm>>)
      } else {
      }
      %mul3A_117 = arith.constant 4 : i32
      %mul3A_118 = arith.muli %add3A_114, %mul3A_117 : i32
      %add3A_119 = arith.constant 0 : i32
      %add3A_120 = arith.addi %mul3A_118, %add3A_119 : i32
      %dma_start3A_121 = arith.constant 0 : i32
      %dma_start3A_122 = arith.constant 0 : i32
      %dma_start3A_123 = tpu.memref_slice %arg10[%dma_start3A_121, %dma_start3A_122] : memref<512x32xf32, #tpu.memory_space<vmem>> -> memref<128x32xf32, #tpu.memory_space<vmem>>
      %dma_start3A_124 = arith.constant 0 : i32
      %dma_start3A_125 = tpu.memref_slice %arg7[%add3A_120, %dma_start3A_124] : memref<80x128xi32, #tpu.memory_space<vmem>> -> memref<1x128xi32, #tpu.memory_space<vmem>>
      %dma_start3A_126 = tpu.memref_squeeze %dma_start3A_125 : memref<1x128xi32, #tpu.memory_space<vmem>> -> memref<128xi32, #tpu.memory_space<vmem>>
      %dma_start3A_127 = arith.constant 0 : i32
      %dma_start3A_128 = arith.constant 0 : i32
      %dma_start3A_129 = tpu.memref_slice %arg4[%dma_start3A_127, %dma_start3A_128] : memref<10240x32xf32, #tpu.memory_space<hbm>> -> memref<10240x32xf32, #tpu.memory_space<hbm>>
      tpu.enqueue_indirect_dma source(%dma_start3A_129 : memref<10240x32xf32, #tpu.memory_space<hbm>>) target(%dma_start3A_123 : memref<128x32xf32, #tpu.memory_space<vmem>>) offsets(%dma_start3A_126 : memref<128xi32, #tpu.memory_space<vmem>>) semaphore(%arg14 : memref<!tpu.dma_semaphore, #tpu.memory_space<semaphore_mem>>)
      %mul3A_130 = arith.constant 4 : i32
      %mul3A_131 = arith.muli %add3A_114, %mul3A_130 : i32
      %add3A_132 = arith.constant 0 : i32
      %add3A_133 = arith.addi %mul3A_131, %add3A_132 : i32
      %dma_start3A_134 = arith.constant 0 : i32
      %dma_start3A_135 = arith.constant 0 : i32
      %dma_start3A_136 = tpu.memref_slice %arg12[%dma_start3A_134, %dma_start3A_135] : memref<512x32xf32, #tpu.memory_space<vmem>> -> memref<128x32xf32, #tpu.memory_space<vmem>>
      %dma_start3A_137 = arith.constant 0 : i32
      %dma_start3A_138 = tpu.memref_slice %arg8[%add3A_133, %dma_start3A_137] : memref<80x128xi32, #tpu.memory_space<vmem>> -> memref<1x128xi32, #tpu.memory_space<vmem>>
      %dma_start3A_139 = tpu.memref_squeeze %dma_start3A_138 : memref<1x128xi32, #tpu.memory_space<vmem>> -> memref<128xi32, #tpu.memory_space<vmem>>
      %dma_start3A_140 = arith.constant 0 : i32
      %dma_start3A_141 = arith.constant 0 : i32
      %dma_start3A_142 = tpu.memref_slice %arg4[%dma_start3A_140, %dma_start3A_141] : memref<10240x32xf32, #tpu.memory_space<hbm>> -> memref<10240x32xf32, #tpu.memory_space<hbm>>
      tpu.enqueue_indirect_dma source(%dma_start3A_142 : memref<10240x32xf32, #tpu.memory_space<hbm>>) target(%dma_start3A_136 : memref<128x32xf32, #tpu.memory_space<vmem>>) offsets(%dma_start3A_139 : memref<128xi32, #tpu.memory_space<vmem>>) semaphore(%arg16 : memref<!tpu.dma_semaphore, #tpu.memory_space<semaphore_mem>>)
      %mul3A_143 = arith.constant 4 : i32
      %mul3A_144 = arith.muli %add3A_114, %mul3A_143 : i32
      %add3A_145 = arith.constant 1 : i32
      %add3A_146 = arith.addi %mul3A_144, %add3A_145 : i32
      %dma_start3A_147 = arith.constant 128 : i32
      %dma_start3A_148 = arith.constant 0 : i32
      %dma_start3A_149 = tpu.memref_slice %arg10[%dma_start3A_147, %dma_start3A_148] : memref<512x32xf32, #tpu.memory_space<vmem>> -> memref<128x32xf32, #tpu.memory_space<vmem>>
      %dma_start3A_150 = arith.constant 0 : i32
      %dma_start3A_151 = tpu.memref_slice %arg7[%add3A_146, %dma_start3A_150] : memref<80x128xi32, #tpu.memory_space<vmem>> -> memref<1x128xi32, #tpu.memory_space<vmem>>
      %dma_start3A_152 = tpu.memref_squeeze %dma_start3A_151 : memref<1x128xi32, #tpu.memory_space<vmem>> -> memref<128xi32, #tpu.memory_space<vmem>>
      %dma_start3A_153 = arith.constant 0 : i32
      %dma_start3A_154 = arith.constant 0 : i32
      %dma_start3A_155 = tpu.memref_slice %arg4[%dma_start3A_153, %dma_start3A_154] : memref<10240x32xf32, #tpu.memory_space<hbm>> -> memref<10240x32xf32, #tpu.memory_space<hbm>>
      tpu.enqueue_indirect_dma source(%dma_start3A_155 : memref<10240x32xf32, #tpu.memory_space<hbm>>) target(%dma_start3A_149 : memref<128x32xf32, #tpu.memory_space<vmem>>) offsets(%dma_start3A_152 : memref<128xi32, #tpu.memory_space<vmem>>) semaphore(%arg14 : memref<!tpu.dma_semaphore, #tpu.memory_space<semaphore_mem>>)
      %mul3A_156 = arith.constant 4 : i32
      %mul3A_157 = arith.muli %add3A_114, %mul3A_156 : i32
      %add3A_158 = arith.constant 1 : i32
      %add3A_159 = arith.addi %mul3A_157, %add3A_158 : i32
      %dma_start3A_160 = arith.constant 128 : i32
      %dma_start3A_161 = arith.constant 0 : i32
      %dma_start3A_162 = tpu.memref_slice %arg12[%dma_start3A_160, %dma_start3A_161] : memref<512x32xf32, #tpu.memory_space<vmem>> -> memref<128x32xf32, #tpu.memory_space<vmem>>
      %dma_start3A_163 = arith.constant 0 : i32
      %dma_start3A_164 = tpu.memref_slice %arg8[%add3A_159, %dma_start3A_163] : memref<80x128xi32, #tpu.memory_space<vmem>> -> memref<1x128xi32, #tpu.memory_space<vmem>>
      %dma_start3A_165 = tpu.memref_squeeze %dma_start3A_164 : memref<1x128xi32, #tpu.memory_space<vmem>> -> memref<128xi32, #tpu.memory_space<vmem>>
      %dma_start3A_166 = arith.constant 0 : i32
      %dma_start3A_167 = arith.constant 0 : i32
      %dma_start3A_168 = tpu.memref_slice %arg4[%dma_start3A_166, %dma_start3A_167] : memref<10240x32xf32, #tpu.memory_space<hbm>> -> memref<10240x32xf32, #tpu.memory_space<hbm>>
      tpu.enqueue_indirect_dma source(%dma_start3A_168 : memref<10240x32xf32, #tpu.memory_space<hbm>>) target(%dma_start3A_162 : memref<128x32xf32, #tpu.memory_space<vmem>>) offsets(%dma_start3A_165 : memref<128xi32, #tpu.memory_space<vmem>>) semaphore(%arg16 : memref<!tpu.dma_semaphore, #tpu.memory_space<semaphore_mem>>)
      %mul3A_169 = arith.constant 4 : i32
      %mul3A_170 = arith.muli %add3A_114, %mul3A_169 : i32
      %add3A_171 = arith.constant 2 : i32
      %add3A_172 = arith.addi %mul3A_170, %add3A_171 : i32
      %dma_start3A_173 = arith.constant 256 : i32
      %dma_start3A_174 = arith.constant 0 : i32
      %dma_start3A_175 = tpu.memref_slice %arg10[%dma_start3A_173, %dma_start3A_174] : memref<512x32xf32, #tpu.memory_space<vmem>> -> memref<128x32xf32, #tpu.memory_space<vmem>>
      %dma_start3A_176 = arith.constant 0 : i32
      %dma_start3A_177 = tpu.memref_slice %arg7[%add3A_172, %dma_start3A_176] : memref<80x128xi32, #tpu.memory_space<vmem>> -> memref<1x128xi32, #tpu.memory_space<vmem>>
      %dma_start3A_178 = tpu.memref_squeeze %dma_start3A_177 : memref<1x128xi32, #tpu.memory_space<vmem>> -> memref<128xi32, #tpu.memory_space<vmem>>
      %dma_start3A_179 = arith.constant 0 : i32
      %dma_start3A_180 = arith.constant 0 : i32
      %dma_start3A_181 = tpu.memref_slice %arg4[%dma_start3A_179, %dma_start3A_180] : memref<10240x32xf32, #tpu.memory_space<hbm>> -> memref<10240x32xf32, #tpu.memory_space<hbm>>
      tpu.enqueue_indirect_dma source(%dma_start3A_181 : memref<10240x32xf32, #tpu.memory_space<hbm>>) target(%dma_start3A_175 : memref<128x32xf32, #tpu.memory_space<vmem>>) offsets(%dma_start3A_178 : memref<128xi32, #tpu.memory_space<vmem>>) semaphore(%arg14 : memref<!tpu.dma_semaphore, #tpu.memory_space<semaphore_mem>>)
      %mul3A_182 = arith.constant 4 : i32
      %mul3A_183 = arith.muli %add3A_114, %mul3A_182 : i32
      %add3A_184 = arith.constant 2 : i32
      %add3A_185 = arith.addi %mul3A_183, %add3A_184 : i32
      %dma_start3A_186 = arith.constant 256 : i32
      %dma_start3A_187 = arith.constant 0 : i32
      %dma_start3A_188 = tpu.memref_slice %arg12[%dma_start3A_186, %dma_start3A_187] : memref<512x32xf32, #tpu.memory_space<vmem>> -> memref<128x32xf32, #tpu.memory_space<vmem>>
      %dma_start3A_189 = arith.constant 0 : i32
      %dma_start3A_190 = tpu.memref_slice %arg8[%add3A_185, %dma_start3A_189] : memref<80x128xi32, #tpu.memory_space<vmem>> -> memref<1x128xi32, #tpu.memory_space<vmem>>
      %dma_start3A_191 = tpu.memref_squeeze %dma_start3A_190 : memref<1x128xi32, #tpu.memory_space<vmem>> -> memref<128xi32, #tpu.memory_space<vmem>>
      %dma_start3A_192 = arith.constant 0 : i32
      %dma_start3A_193 = arith.constant 0 : i32
      %dma_start3A_194 = tpu.memref_slice %arg4[%dma_start3A_192, %dma_start3A_193] : memref<10240x32xf32, #tpu.memory_space<hbm>> -> memref<10240x32xf32, #tpu.memory_space<hbm>>
      tpu.enqueue_indirect_dma source(%dma_start3A_194 : memref<10240x32xf32, #tpu.memory_space<hbm>>) target(%dma_start3A_188 : memref<128x32xf32, #tpu.memory_space<vmem>>) offsets(%dma_start3A_191 : memref<128xi32, #tpu.memory_space<vmem>>) semaphore(%arg16 : memref<!tpu.dma_semaphore, #tpu.memory_space<semaphore_mem>>)
      %mul3A_195 = arith.constant 4 : i32
      %mul3A_196 = arith.muli %add3A_114, %mul3A_195 : i32
      %add3A_197 = arith.constant 3 : i32
      %add3A_198 = arith.addi %mul3A_196, %add3A_197 : i32
      %dma_start3A_199 = arith.constant 384 : i32
      %dma_start3A_200 = arith.constant 0 : i32
      %dma_start3A_201 = tpu.memref_slice %arg10[%dma_start3A_199, %dma_start3A_200] : memref<512x32xf32, #tpu.memory_space<vmem>> -> memref<128x32xf32, #tpu.memory_space<vmem>>
      %dma_start3A_202 = arith.constant 0 : i32
      %dma_start3A_203 = tpu.memref_slice %arg7[%add3A_198, %dma_start3A_202] : memref<80x128xi32, #tpu.memory_space<vmem>> -> memref<1x128xi32, #tpu.memory_space<vmem>>
      %dma_start3A_204 = tpu.memref_squeeze %dma_start3A_203 : memref<1x128xi32, #tpu.memory_space<vmem>> -> memref<128xi32, #tpu.memory_space<vmem>>
      %dma_start3A_205 = arith.constant 0 : i32
      %dma_start3A_206 = arith.constant 0 : i32
      %dma_start3A_207 = tpu.memref_slice %arg4[%dma_start3A_205, %dma_start3A_206] : memref<10240x32xf32, #tpu.memory_space<hbm>> -> memref<10240x32xf32, #tpu.memory_space<hbm>>
      tpu.enqueue_indirect_dma source(%dma_start3A_207 : memref<10240x32xf32, #tpu.memory_space<hbm>>) target(%dma_start3A_201 : memref<128x32xf32, #tpu.memory_space<vmem>>) offsets(%dma_start3A_204 : memref<128xi32, #tpu.memory_space<vmem>>) semaphore(%arg14 : memref<!tpu.dma_semaphore, #tpu.memory_space<semaphore_mem>>)
      %mul3A_208 = arith.constant 4 : i32
      %mul3A_209 = arith.muli %add3A_114, %mul3A_208 : i32
      %add3A_210 = arith.constant 3 : i32
      %add3A_211 = arith.addi %mul3A_209, %add3A_210 : i32
      %dma_start3A_212 = arith.constant 384 : i32
      %dma_start3A_213 = arith.constant 0 : i32
      %dma_start3A_214 = tpu.memref_slice %arg12[%dma_start3A_212, %dma_start3A_213] : memref<512x32xf32, #tpu.memory_space<vmem>> -> memref<128x32xf32, #tpu.memory_space<vmem>>
      %dma_start3A_215 = arith.constant 0 : i32
      %dma_start3A_216 = tpu.memref_slice %arg8[%add3A_211, %dma_start3A_215] : memref<80x128xi32, #tpu.memory_space<vmem>> -> memref<1x128xi32, #tpu.memory_space<vmem>>
      %dma_start3A_217 = tpu.memref_squeeze %dma_start3A_216 : memref<1x128xi32, #tpu.memory_space<vmem>> -> memref<128xi32, #tpu.memory_space<vmem>>
      %dma_start3A_218 = arith.constant 0 : i32
      %dma_start3A_219 = arith.constant 0 : i32
      %dma_start3A_220 = tpu.memref_slice %arg4[%dma_start3A_218, %dma_start3A_219] : memref<10240x32xf32, #tpu.memory_space<hbm>> -> memref<10240x32xf32, #tpu.memory_space<hbm>>
      tpu.enqueue_indirect_dma source(%dma_start3A_220 : memref<10240x32xf32, #tpu.memory_space<hbm>>) target(%dma_start3A_214 : memref<128x32xf32, #tpu.memory_space<vmem>>) offsets(%dma_start3A_217 : memref<128xi32, #tpu.memory_space<vmem>>) semaphore(%arg16 : memref<!tpu.dma_semaphore, #tpu.memory_space<semaphore_mem>>)
      tpu.wait_dma2 semaphore(%arg13 : memref<!tpu.dma_semaphore, #tpu.memory_space<semaphore_mem>>) src(%arg4 : memref<10240x32xf32, #tpu.memory_space<hbm>>) dst(%arg9 : memref<512x32xf32, #tpu.memory_space<vmem>>)
      tpu.wait_dma2 semaphore(%arg15 : memref<!tpu.dma_semaphore, #tpu.memory_space<semaphore_mem>>) src(%arg4 : memref<10240x32xf32, #tpu.memory_space<hbm>>) dst(%arg11 : memref<512x32xf32, #tpu.memory_space<vmem>>)
      %mul3A_221 = arith.constant 80 : i32
      %mul3A_222 = arith.muli %add3A, %mul3A_221 : i32
      %mul3A_223 = arith.constant 128 : i32
      %mul3A_224 = arith.muli %mul3A_222, %mul3A_223 : i32
      %mul3A_225 = arith.constant 512 : i32
      %mul3A_226 = arith.muli %mul3A_112, %mul3A_225 : i32
      %add3A_227 = arith.addi %mul3A_224, %mul3A_226 : i32
      %dma_start3A_228 = arith.constant 0 : i32
      %dma_start3A_229 = tpu.memref_slice %arg5[%add3A_227, %dma_start3A_228] : memref<327680x32xf32, #tpu.memory_space<hbm>> -> memref<512x32xf32, #tpu.memory_space<hbm>>
      %dma_start3A_230 = arith.constant 0 : i32
      %dma_start3A_231 = tpu.memref_slice %arg5[%add3A_227, %dma_start3A_230] : memref<327680x32xf32, #tpu.memory_space<hbm>> -> memref<512x32xf32, #tpu.memory_space<hbm>>
      tpu.enqueue_dma source(%arg9 : memref<512x32xf32, #tpu.memory_space<vmem>>) target(%dma_start3A_231 : memref<512x32xf32, #tpu.memory_space<hbm>>) target_semaphore(%arg17 : memref<!tpu.dma_semaphore, #tpu.memory_space<semaphore_mem>>)
      %dma_start3A_232 = arith.constant 0 : i32
      %dma_start3A_233 = tpu.memref_slice %arg6[%add3A_227, %dma_start3A_232] : memref<327680x32xf32, #tpu.memory_space<hbm>> -> memref<512x32xf32, #tpu.memory_space<hbm>>
      %dma_start3A_234 = arith.constant 0 : i32
      %dma_start3A_235 = tpu.memref_slice %arg6[%add3A_227, %dma_start3A_234] : memref<327680x32xf32, #tpu.memory_space<hbm>> -> memref<512x32xf32, #tpu.memory_space<hbm>>
      tpu.enqueue_dma source(%arg11 : memref<512x32xf32, #tpu.memory_space<vmem>>) target(%dma_start3A_235 : memref<512x32xf32, #tpu.memory_space<hbm>>) target_semaphore(%arg19 : memref<!tpu.dma_semaphore, #tpu.memory_space<semaphore_mem>>)
      %add3A_236 = arith.constant 1 : i32
      %add3A_237 = arith.addi %add3A_114, %add3A_236 : i32
      %lt3A = arith.constant 20 : i32
      %lt3A_238 = arith.cmpi slt, %add3A_237, %lt3A : i32
      %convert_element_type3A_239 = arith.extui %lt3A_238 : i1 to i32
      %cond3A_240 = arith.constant 0 : i32
      %cond3A_241 = arith.cmpi ne, %convert_element_type3A_239, %cond3A_240 : i32
      scf.if %cond3A_241 {
        %add3A_258 = arith.constant 1 : i32
        %add3A_259 = arith.addi %add3A_114, %add3A_258 : i32
        %ge3A_260 = arith.constant 2 : i32
        %ge3A_261 = arith.cmpi sge, %add3A_259, %ge3A_260 : i32
        %convert_element_type3A_262 = arith.extui %ge3A_261 : i1 to i32
        %cond3A_263 = arith.constant 0 : i32
        %cond3A_264 = arith.cmpi ne, %convert_element_type3A_262, %cond3A_263 : i32
        scf.if %cond3A_264 {
          %dma_wait3A_369 = arith.constant 0 : i32
          %dma_wait3A_370 = arith.constant 0 : i32
          %dma_wait3A_371 = tpu.memref_slice %arg5[%dma_wait3A_369, %dma_wait3A_370] : memref<327680x32xf32, #tpu.memory_space<hbm>> -> memref<512x32xf32, #tpu.memory_space<hbm>>
          %dma_wait3A_372 = arith.constant 0 : i32
          %dma_wait3A_373 = arith.constant 0 : i32
          %dma_wait3A_374 = tpu.memref_slice %arg5[%dma_wait3A_372, %dma_wait3A_373] : memref<327680x32xf32, #tpu.memory_space<hbm>> -> memref<512x32xf32, #tpu.memory_space<hbm>>
          tpu.wait_dma2 semaphore(%arg17 : memref<!tpu.dma_semaphore, #tpu.memory_space<semaphore_mem>>) src(%arg9 : memref<512x32xf32, #tpu.memory_space<vmem>>) dst(%dma_wait3A_374 : memref<512x32xf32, #tpu.memory_space<hbm>>)
          %dma_wait3A_375 = arith.constant 0 : i32
          %dma_wait3A_376 = arith.constant 0 : i32
          %dma_wait3A_377 = tpu.memref_slice %arg6[%dma_wait3A_375, %dma_wait3A_376] : memref<327680x32xf32, #tpu.memory_space<hbm>> -> memref<512x32xf32, #tpu.memory_space<hbm>>
          %dma_wait3A_378 = arith.constant 0 : i32
          %dma_wait3A_379 = arith.constant 0 : i32
          %dma_wait3A_380 = tpu.memref_slice %arg6[%dma_wait3A_378, %dma_wait3A_379] : memref<327680x32xf32, #tpu.memory_space<hbm>> -> memref<512x32xf32, #tpu.memory_space<hbm>>
          tpu.wait_dma2 semaphore(%arg19 : memref<!tpu.dma_semaphore, #tpu.memory_space<semaphore_mem>>) src(%arg11 : memref<512x32xf32, #tpu.memory_space<vmem>>) dst(%dma_wait3A_380 : memref<512x32xf32, #tpu.memory_space<hbm>>)
        } else {
        }
        %mul3A_265 = arith.constant 4 : i32
        %mul3A_266 = arith.muli %add3A_259, %mul3A_265 : i32
        %add3A_267 = arith.constant 0 : i32
        %add3A_268 = arith.addi %mul3A_266, %add3A_267 : i32
        %dma_start3A_269 = arith.constant 0 : i32
        %dma_start3A_270 = arith.constant 0 : i32
        %dma_start3A_271 = tpu.memref_slice %arg9[%dma_start3A_269, %dma_start3A_270] : memref<512x32xf32, #tpu.memory_space<vmem>> -> memref<128x32xf32, #tpu.memory_space<vmem>>
        %dma_start3A_272 = arith.constant 0 : i32
        %dma_start3A_273 = tpu.memref_slice %arg7[%add3A_268, %dma_start3A_272] : memref<80x128xi32, #tpu.memory_space<vmem>> -> memref<1x128xi32, #tpu.memory_space<vmem>>
        %dma_start3A_274 = tpu.memref_squeeze %dma_start3A_273 : memref<1x128xi32, #tpu.memory_space<vmem>> -> memref<128xi32, #tpu.memory_space<vmem>>
        %dma_start3A_275 = arith.constant 0 : i32
        %dma_start3A_276 = arith.constant 0 : i32
        %dma_start3A_277 = tpu.memref_slice %arg4[%dma_start3A_275, %dma_start3A_276] : memref<10240x32xf32, #tpu.memory_space<hbm>> -> memref<10240x32xf32, #tpu.memory_space<hbm>>
        tpu.enqueue_indirect_dma source(%dma_start3A_277 : memref<10240x32xf32, #tpu.memory_space<hbm>>) target(%dma_start3A_271 : memref<128x32xf32, #tpu.memory_space<vmem>>) offsets(%dma_start3A_274 : memref<128xi32, #tpu.memory_space<vmem>>) semaphore(%arg13 : memref<!tpu.dma_semaphore, #tpu.memory_space<semaphore_mem>>)
        %mul3A_278 = arith.constant 4 : i32
        %mul3A_279 = arith.muli %add3A_259, %mul3A_278 : i32
        %add3A_280 = arith.constant 0 : i32
        %add3A_281 = arith.addi %mul3A_279, %add3A_280 : i32
        %dma_start3A_282 = arith.constant 0 : i32
        %dma_start3A_283 = arith.constant 0 : i32
        %dma_start3A_284 = tpu.memref_slice %arg11[%dma_start3A_282, %dma_start3A_283] : memref<512x32xf32, #tpu.memory_space<vmem>> -> memref<128x32xf32, #tpu.memory_space<vmem>>
        %dma_start3A_285 = arith.constant 0 : i32
        %dma_start3A_286 = tpu.memref_slice %arg8[%add3A_281, %dma_start3A_285] : memref<80x128xi32, #tpu.memory_space<vmem>> -> memref<1x128xi32, #tpu.memory_space<vmem>>
        %dma_start3A_287 = tpu.memref_squeeze %dma_start3A_286 : memref<1x128xi32, #tpu.memory_space<vmem>> -> memref<128xi32, #tpu.memory_space<vmem>>
        %dma_start3A_288 = arith.constant 0 : i32
        %dma_start3A_289 = arith.constant 0 : i32
        %dma_start3A_290 = tpu.memref_slice %arg4[%dma_start3A_288, %dma_start3A_289] : memref<10240x32xf32, #tpu.memory_space<hbm>> -> memref<10240x32xf32, #tpu.memory_space<hbm>>
        tpu.enqueue_indirect_dma source(%dma_start3A_290 : memref<10240x32xf32, #tpu.memory_space<hbm>>) target(%dma_start3A_284 : memref<128x32xf32, #tpu.memory_space<vmem>>) offsets(%dma_start3A_287 : memref<128xi32, #tpu.memory_space<vmem>>) semaphore(%arg15 : memref<!tpu.dma_semaphore, #tpu.memory_space<semaphore_mem>>)
        %mul3A_291 = arith.constant 4 : i32
        %mul3A_292 = arith.muli %add3A_259, %mul3A_291 : i32
        %add3A_293 = arith.constant 1 : i32
        %add3A_294 = arith.addi %mul3A_292, %add3A_293 : i32
        %dma_start3A_295 = arith.constant 128 : i32
        %dma_start3A_296 = arith.constant 0 : i32
        %dma_start3A_297 = tpu.memref_slice %arg9[%dma_start3A_295, %dma_start3A_296] : memref<512x32xf32, #tpu.memory_space<vmem>> -> memref<128x32xf32, #tpu.memory_space<vmem>>
        %dma_start3A_298 = arith.constant 0 : i32
        %dma_start3A_299 = tpu.memref_slice %arg7[%add3A_294, %dma_start3A_298] : memref<80x128xi32, #tpu.memory_space<vmem>> -> memref<1x128xi32, #tpu.memory_space<vmem>>
        %dma_start3A_300 = tpu.memref_squeeze %dma_start3A_299 : memref<1x128xi32, #tpu.memory_space<vmem>> -> memref<128xi32, #tpu.memory_space<vmem>>
        %dma_start3A_301 = arith.constant 0 : i32
        %dma_start3A_302 = arith.constant 0 : i32
        %dma_start3A_303 = tpu.memref_slice %arg4[%dma_start3A_301, %dma_start3A_302] : memref<10240x32xf32, #tpu.memory_space<hbm>> -> memref<10240x32xf32, #tpu.memory_space<hbm>>
        tpu.enqueue_indirect_dma source(%dma_start3A_303 : memref<10240x32xf32, #tpu.memory_space<hbm>>) target(%dma_start3A_297 : memref<128x32xf32, #tpu.memory_space<vmem>>) offsets(%dma_start3A_300 : memref<128xi32, #tpu.memory_space<vmem>>) semaphore(%arg13 : memref<!tpu.dma_semaphore, #tpu.memory_space<semaphore_mem>>)
        %mul3A_304 = arith.constant 4 : i32
        %mul3A_305 = arith.muli %add3A_259, %mul3A_304 : i32
        %add3A_306 = arith.constant 1 : i32
        %add3A_307 = arith.addi %mul3A_305, %add3A_306 : i32
        %dma_start3A_308 = arith.constant 128 : i32
        %dma_start3A_309 = arith.constant 0 : i32
        %dma_start3A_310 = tpu.memref_slice %arg11[%dma_start3A_308, %dma_start3A_309] : memref<512x32xf32, #tpu.memory_space<vmem>> -> memref<128x32xf32, #tpu.memory_space<vmem>>
        %dma_start3A_311 = arith.constant 0 : i32
        %dma_start3A_312 = tpu.memref_slice %arg8[%add3A_307, %dma_start3A_311] : memref<80x128xi32, #tpu.memory_space<vmem>> -> memref<1x128xi32, #tpu.memory_space<vmem>>
        %dma_start3A_313 = tpu.memref_squeeze %dma_start3A_312 : memref<1x128xi32, #tpu.memory_space<vmem>> -> memref<128xi32, #tpu.memory_space<vmem>>
        %dma_start3A_314 = arith.constant 0 : i32
        %dma_start3A_315 = arith.constant 0 : i32
        %dma_start3A_316 = tpu.memref_slice %arg4[%dma_start3A_314, %dma_start3A_315] : memref<10240x32xf32, #tpu.memory_space<hbm>> -> memref<10240x32xf32, #tpu.memory_space<hbm>>
        tpu.enqueue_indirect_dma source(%dma_start3A_316 : memref<10240x32xf32, #tpu.memory_space<hbm>>) target(%dma_start3A_310 : memref<128x32xf32, #tpu.memory_space<vmem>>) offsets(%dma_start3A_313 : memref<128xi32, #tpu.memory_space<vmem>>) semaphore(%arg15 : memref<!tpu.dma_semaphore, #tpu.memory_space<semaphore_mem>>)
        %mul3A_317 = arith.constant 4 : i32
        %mul3A_318 = arith.muli %add3A_259, %mul3A_317 : i32
        %add3A_319 = arith.constant 2 : i32
        %add3A_320 = arith.addi %mul3A_318, %add3A_319 : i32
        %dma_start3A_321 = arith.constant 256 : i32
        %dma_start3A_322 = arith.constant 0 : i32
        %dma_start3A_323 = tpu.memref_slice %arg9[%dma_start3A_321, %dma_start3A_322] : memref<512x32xf32, #tpu.memory_space<vmem>> -> memref<128x32xf32, #tpu.memory_space<vmem>>
        %dma_start3A_324 = arith.constant 0 : i32
        %dma_start3A_325 = tpu.memref_slice %arg7[%add3A_320, %dma_start3A_324] : memref<80x128xi32, #tpu.memory_space<vmem>> -> memref<1x128xi32, #tpu.memory_space<vmem>>
        %dma_start3A_326 = tpu.memref_squeeze %dma_start3A_325 : memref<1x128xi32, #tpu.memory_space<vmem>> -> memref<128xi32, #tpu.memory_space<vmem>>
        %dma_start3A_327 = arith.constant 0 : i32
        %dma_start3A_328 = arith.constant 0 : i32
        %dma_start3A_329 = tpu.memref_slice %arg4[%dma_start3A_327, %dma_start3A_328] : memref<10240x32xf32, #tpu.memory_space<hbm>> -> memref<10240x32xf32, #tpu.memory_space<hbm>>
        tpu.enqueue_indirect_dma source(%dma_start3A_329 : memref<10240x32xf32, #tpu.memory_space<hbm>>) target(%dma_start3A_323 : memref<128x32xf32, #tpu.memory_space<vmem>>) offsets(%dma_start3A_326 : memref<128xi32, #tpu.memory_space<vmem>>) semaphore(%arg13 : memref<!tpu.dma_semaphore, #tpu.memory_space<semaphore_mem>>)
        %mul3A_330 = arith.constant 4 : i32
        %mul3A_331 = arith.muli %add3A_259, %mul3A_330 : i32
        %add3A_332 = arith.constant 2 : i32
        %add3A_333 = arith.addi %mul3A_331, %add3A_332 : i32
        %dma_start3A_334 = arith.constant 256 : i32
        %dma_start3A_335 = arith.constant 0 : i32
        %dma_start3A_336 = tpu.memref_slice %arg11[%dma_start3A_334, %dma_start3A_335] : memref<512x32xf32, #tpu.memory_space<vmem>> -> memref<128x32xf32, #tpu.memory_space<vmem>>
        %dma_start3A_337 = arith.constant 0 : i32
        %dma_start3A_338 = tpu.memref_slice %arg8[%add3A_333, %dma_start3A_337] : memref<80x128xi32, #tpu.memory_space<vmem>> -> memref<1x128xi32, #tpu.memory_space<vmem>>
        %dma_start3A_339 = tpu.memref_squeeze %dma_start3A_338 : memref<1x128xi32, #tpu.memory_space<vmem>> -> memref<128xi32, #tpu.memory_space<vmem>>
        %dma_start3A_340 = arith.constant 0 : i32
        %dma_start3A_341 = arith.constant 0 : i32
        %dma_start3A_342 = tpu.memref_slice %arg4[%dma_start3A_340, %dma_start3A_341] : memref<10240x32xf32, #tpu.memory_space<hbm>> -> memref<10240x32xf32, #tpu.memory_space<hbm>>
        tpu.enqueue_indirect_dma source(%dma_start3A_342 : memref<10240x32xf32, #tpu.memory_space<hbm>>) target(%dma_start3A_336 : memref<128x32xf32, #tpu.memory_space<vmem>>) offsets(%dma_start3A_339 : memref<128xi32, #tpu.memory_space<vmem>>) semaphore(%arg15 : memref<!tpu.dma_semaphore, #tpu.memory_space<semaphore_mem>>)
        %mul3A_343 = arith.constant 4 : i32
        %mul3A_344 = arith.muli %add3A_259, %mul3A_343 : i32
        %add3A_345 = arith.constant 3 : i32
        %add3A_346 = arith.addi %mul3A_344, %add3A_345 : i32
        %dma_start3A_347 = arith.constant 384 : i32
        %dma_start3A_348 = arith.constant 0 : i32
        %dma_start3A_349 = tpu.memref_slice %arg9[%dma_start3A_347, %dma_start3A_348] : memref<512x32xf32, #tpu.memory_space<vmem>> -> memref<128x32xf32, #tpu.memory_space<vmem>>
        %dma_start3A_350 = arith.constant 0 : i32
        %dma_start3A_351 = tpu.memref_slice %arg7[%add3A_346, %dma_start3A_350] : memref<80x128xi32, #tpu.memory_space<vmem>> -> memref<1x128xi32, #tpu.memory_space<vmem>>
        %dma_start3A_352 = tpu.memref_squeeze %dma_start3A_351 : memref<1x128xi32, #tpu.memory_space<vmem>> -> memref<128xi32, #tpu.memory_space<vmem>>
        %dma_start3A_353 = arith.constant 0 : i32
        %dma_start3A_354 = arith.constant 0 : i32
        %dma_start3A_355 = tpu.memref_slice %arg4[%dma_start3A_353, %dma_start3A_354] : memref<10240x32xf32, #tpu.memory_space<hbm>> -> memref<10240x32xf32, #tpu.memory_space<hbm>>
        tpu.enqueue_indirect_dma source(%dma_start3A_355 : memref<10240x32xf32, #tpu.memory_space<hbm>>) target(%dma_start3A_349 : memref<128x32xf32, #tpu.memory_space<vmem>>) offsets(%dma_start3A_352 : memref<128xi32, #tpu.memory_space<vmem>>) semaphore(%arg13 : memref<!tpu.dma_semaphore, #tpu.memory_space<semaphore_mem>>)
        %mul3A_356 = arith.constant 4 : i32
        %mul3A_357 = arith.muli %add3A_259, %mul3A_356 : i32
        %add3A_358 = arith.constant 3 : i32
        %add3A_359 = arith.addi %mul3A_357, %add3A_358 : i32
        %dma_start3A_360 = arith.constant 384 : i32
        %dma_start3A_361 = arith.constant 0 : i32
        %dma_start3A_362 = tpu.memref_slice %arg11[%dma_start3A_360, %dma_start3A_361] : memref<512x32xf32, #tpu.memory_space<vmem>> -> memref<128x32xf32, #tpu.memory_space<vmem>>
        %dma_start3A_363 = arith.constant 0 : i32
        %dma_start3A_364 = tpu.memref_slice %arg8[%add3A_359, %dma_start3A_363] : memref<80x128xi32, #tpu.memory_space<vmem>> -> memref<1x128xi32, #tpu.memory_space<vmem>>
        %dma_start3A_365 = tpu.memref_squeeze %dma_start3A_364 : memref<1x128xi32, #tpu.memory_space<vmem>> -> memref<128xi32, #tpu.memory_space<vmem>>
        %dma_start3A_366 = arith.constant 0 : i32
        %dma_start3A_367 = arith.constant 0 : i32
        %dma_start3A_368 = tpu.memref_slice %arg4[%dma_start3A_366, %dma_start3A_367] : memref<10240x32xf32, #tpu.memory_space<hbm>> -> memref<10240x32xf32, #tpu.memory_space<hbm>>
        tpu.enqueue_indirect_dma source(%dma_start3A_368 : memref<10240x32xf32, #tpu.memory_space<hbm>>) target(%dma_start3A_362 : memref<128x32xf32, #tpu.memory_space<vmem>>) offsets(%dma_start3A_365 : memref<128xi32, #tpu.memory_space<vmem>>) semaphore(%arg15 : memref<!tpu.dma_semaphore, #tpu.memory_space<semaphore_mem>>)
      } else {
      }
      tpu.wait_dma2 semaphore(%arg14 : memref<!tpu.dma_semaphore, #tpu.memory_space<semaphore_mem>>) src(%arg4 : memref<10240x32xf32, #tpu.memory_space<hbm>>) dst(%arg10 : memref<512x32xf32, #tpu.memory_space<vmem>>)
      tpu.wait_dma2 semaphore(%arg16 : memref<!tpu.dma_semaphore, #tpu.memory_space<semaphore_mem>>) src(%arg4 : memref<10240x32xf32, #tpu.memory_space<hbm>>) dst(%arg12 : memref<512x32xf32, #tpu.memory_space<vmem>>)
      %mul3A_242 = arith.constant 80 : i32
      %mul3A_243 = arith.muli %add3A, %mul3A_242 : i32
      %mul3A_244 = arith.constant 128 : i32
      %mul3A_245 = arith.muli %mul3A_243, %mul3A_244 : i32
      %mul3A_246 = arith.constant 512 : i32
      %mul3A_247 = arith.muli %add3A_114, %mul3A_246 : i32
      %add3A_248 = arith.addi %mul3A_245, %mul3A_247 : i32
      %dma_start3A_249 = arith.constant 0 : i32
      %dma_start3A_250 = tpu.memref_slice %arg5[%add3A_248, %dma_start3A_249] : memref<327680x32xf32, #tpu.memory_space<hbm>> -> memref<512x32xf32, #tpu.memory_space<hbm>>
      %dma_start3A_251 = arith.constant 0 : i32
      %dma_start3A_252 = tpu.memref_slice %arg5[%add3A_248, %dma_start3A_251] : memref<327680x32xf32, #tpu.memory_space<hbm>> -> memref<512x32xf32, #tpu.memory_space<hbm>>
      tpu.enqueue_dma source(%arg10 : memref<512x32xf32, #tpu.memory_space<vmem>>) target(%dma_start3A_252 : memref<512x32xf32, #tpu.memory_space<hbm>>) target_semaphore(%arg18 : memref<!tpu.dma_semaphore, #tpu.memory_space<semaphore_mem>>)
      %dma_start3A_253 = arith.constant 0 : i32
      %dma_start3A_254 = tpu.memref_slice %arg6[%add3A_248, %dma_start3A_253] : memref<327680x32xf32, #tpu.memory_space<hbm>> -> memref<512x32xf32, #tpu.memory_space<hbm>>
      %dma_start3A_255 = arith.constant 0 : i32
      %dma_start3A_256 = tpu.memref_slice %arg6[%add3A_248, %dma_start3A_255] : memref<327680x32xf32, #tpu.memory_space<hbm>> -> memref<512x32xf32, #tpu.memory_space<hbm>>
      tpu.enqueue_dma source(%arg12 : memref<512x32xf32, #tpu.memory_space<vmem>>) target(%dma_start3A_256 : memref<512x32xf32, #tpu.memory_space<hbm>>) target_semaphore(%arg20 : memref<!tpu.dma_semaphore, #tpu.memory_space<semaphore_mem>>)
      %scan3A_257 = arith.constant 0 : i32
      scf.yield %scan3A_257 : i32
    }
    %scan3A_85 = arith.constant 10 : i32
    %dma_wait3A = arith.constant 0 : i32
    %dma_wait3A_86 = arith.constant 0 : i32
    %dma_wait3A_87 = tpu.memref_slice %arg5[%dma_wait3A, %dma_wait3A_86] : memref<327680x32xf32, #tpu.memory_space<hbm>> -> memref<512x32xf32, #tpu.memory_space<hbm>>
    %dma_wait3A_88 = arith.constant 0 : i32
    %dma_wait3A_89 = arith.constant 0 : i32
    %dma_wait3A_90 = tpu.memref_slice %arg5[%dma_wait3A_88, %dma_wait3A_89] : memref<327680x32xf32, #tpu.memory_space<hbm>> -> memref<512x32xf32, #tpu.memory_space<hbm>>
    tpu.wait_dma2 semaphore(%arg17 : memref<!tpu.dma_semaphore, #tpu.memory_space<semaphore_mem>>) src(%arg9 : memref<512x32xf32, #tpu.memory_space<vmem>>) dst(%dma_wait3A_90 : memref<512x32xf32, #tpu.memory_space<hbm>>)
    %dma_wait3A_91 = arith.constant 0 : i32
    %dma_wait3A_92 = arith.constant 0 : i32
    %dma_wait3A_93 = tpu.memref_slice %arg6[%dma_wait3A_91, %dma_wait3A_92] : memref<327680x32xf32, #tpu.memory_space<hbm>> -> memref<512x32xf32, #tpu.memory_space<hbm>>
    %dma_wait3A_94 = arith.constant 0 : i32
    %dma_wait3A_95 = arith.constant 0 : i32
    %dma_wait3A_96 = tpu.memref_slice %arg6[%dma_wait3A_94, %dma_wait3A_95] : memref<327680x32xf32, #tpu.memory_space<hbm>> -> memref<512x32xf32, #tpu.memory_space<hbm>>
    tpu.wait_dma2 semaphore(%arg19 : memref<!tpu.dma_semaphore, #tpu.memory_space<semaphore_mem>>) src(%arg11 : memref<512x32xf32, #tpu.memory_space<vmem>>) dst(%dma_wait3A_96 : memref<512x32xf32, #tpu.memory_space<hbm>>)
    %dma_wait3A_97 = arith.constant 0 : i32
    %dma_wait3A_98 = arith.constant 0 : i32
    %dma_wait3A_99 = tpu.memref_slice %arg5[%dma_wait3A_97, %dma_wait3A_98] : memref<327680x32xf32, #tpu.memory_space<hbm>> -> memref<512x32xf32, #tpu.memory_space<hbm>>
    %dma_wait3A_100 = arith.constant 0 : i32
    %dma_wait3A_101 = arith.constant 0 : i32
    %dma_wait3A_102 = tpu.memref_slice %arg5[%dma_wait3A_100, %dma_wait3A_101] : memref<327680x32xf32, #tpu.memory_space<hbm>> -> memref<512x32xf32, #tpu.memory_space<hbm>>
    tpu.wait_dma2 semaphore(%arg18 : memref<!tpu.dma_semaphore, #tpu.memory_space<semaphore_mem>>) src(%arg10 : memref<512x32xf32, #tpu.memory_space<vmem>>) dst(%dma_wait3A_102 : memref<512x32xf32, #tpu.memory_space<hbm>>)
    %dma_wait3A_103 = arith.constant 0 : i32
    %dma_wait3A_104 = arith.constant 0 : i32
    %dma_wait3A_105 = tpu.memref_slice %arg6[%dma_wait3A_103, %dma_wait3A_104] : memref<327680x32xf32, #tpu.memory_space<hbm>> -> memref<512x32xf32, #tpu.memory_space<hbm>>
    %dma_wait3A_106 = arith.constant 0 : i32
    %dma_wait3A_107 = arith.constant 0 : i32
    %dma_wait3A_108 = tpu.memref_slice %arg6[%dma_wait3A_106, %dma_wait3A_107] : memref<327680x32xf32, #tpu.memory_space<hbm>> -> memref<512x32xf32, #tpu.memory_space<hbm>>
    tpu.wait_dma2 semaphore(%arg20 : memref<!tpu.dma_semaphore, #tpu.memory_space<semaphore_mem>>) src(%arg12 : memref<512x32xf32, #tpu.memory_space<vmem>>) dst(%dma_wait3A_108 : memref<512x32xf32, #tpu.memory_space<hbm>>)
    return
  }
}

#map = affine_map<(d0, d1) -> (0, 0, 0)>
#map1 = affine_map<(d0, d1) -> (0, 0)>
module attributes {stable_mosaic.version = 14 : i64} {
  func.func @_sc_degree_body(%arg0: i32, %arg1: i32, %arg2: memref<32x80x128xi32, #tpu.memory_space<hbm>>, %arg3: memref<128x32xf32, #tpu.memory_space<hbm>>, %arg4: memref<10240x32xf32, #tpu.memory_space<hbm>>, %arg5: memref<2x10240x32xf32, #tpu.memory_space<hbm>>, %arg6: memref<80x128xi32, #tpu.memory_space<vmem>>, %arg7: memref<128x32xf32, #tpu.memory_space<vmem>>, %arg8: memref<10240x32xf32, #tpu.memory_space<vmem_shared>>) attributes {dimension_semantics = [#tpu.dimension_semantics<core_parallel>, #tpu.dimension_semantics<subcore_parallel>], iteration_bounds = array<i64: 2, 16>, scalar_prefetch = 0 : i64, scratch_operands = 3 : i64, tpu.core_type = #tpu.core_type<sc_vector_subcore>, window_params = [{transform_indices = #map}, {transform_indices = #map1}, {transform_indices = #map1}, {transform_indices = #map}]} {
    %mul3A = arith.constant 16 : i32
    %mul3A_0 = arith.muli %arg0, %mul3A : i32
    %add3A = arith.addi %mul3A_0, %arg1 : i32
    %mul3A_1 = arith.constant 640 : i32
    %mul3A_2 = arith.muli %arg1, %mul3A_1 : i32
    %mul3A_3 = arith.constant 640 : i32
    %mul3A_4 = arith.muli %arg1, %mul3A_3 : i32
    "tpu.region"() ({
      %run_scoped3A = tpu.sem_alloc : memref<!tpu.dma_semaphore, #tpu.memory_space<semaphore_mem>>
      %dma_start3A = arith.constant 0 : i32
      %dma_start3A_16 = tpu.memref_slice %arg8[%mul3A_4, %dma_start3A] : memref<10240x32xf32, #tpu.memory_space<vmem_shared>> -> memref<640x32xf32, #tpu.memory_space<vmem_shared>>
      %dma_start3A_17 = arith.constant 0 : i32
      %dma_start3A_18 = tpu.memref_slice %arg4[%mul3A_2, %dma_start3A_17] : memref<10240x32xf32, #tpu.memory_space<hbm>> -> memref<640x32xf32, #tpu.memory_space<hbm>>
      tpu.enqueue_dma source(%dma_start3A_18 : memref<640x32xf32, #tpu.memory_space<hbm>>) target(%dma_start3A_16 : memref<640x32xf32, #tpu.memory_space<vmem_shared>>) target_semaphore(%run_scoped3A : memref<!tpu.dma_semaphore, #tpu.memory_space<semaphore_mem>>)
      %dma_wait3A = arith.constant 0 : i32
      %dma_wait3A_19 = tpu.memref_slice %arg8[%mul3A_4, %dma_wait3A] : memref<10240x32xf32, #tpu.memory_space<vmem_shared>> -> memref<640x32xf32, #tpu.memory_space<vmem_shared>>
      %dma_wait3A_20 = arith.constant 0 : i32
      %dma_wait3A_21 = tpu.memref_slice %arg4[%mul3A_2, %dma_wait3A_20] : memref<10240x32xf32, #tpu.memory_space<hbm>> -> memref<640x32xf32, #tpu.memory_space<hbm>>
      tpu.wait_dma2 semaphore(%run_scoped3A : memref<!tpu.dma_semaphore, #tpu.memory_space<semaphore_mem>>) src(%dma_wait3A_21 : memref<640x32xf32, #tpu.memory_space<hbm>>) dst(%dma_wait3A_19 : memref<640x32xf32, #tpu.memory_space<vmem_shared>>)
      tpu.yield
    }) : () -> ()
    "tpu.region"() ({
      %run_scoped3A = tpu.sem_alloc : memref<!tpu.dma_semaphore, #tpu.memory_space<semaphore_mem>>
      tpu.enqueue_dma source(%arg3 : memref<128x32xf32, #tpu.memory_space<hbm>>) target(%arg7 : memref<128x32xf32, #tpu.memory_space<vmem>>) target_semaphore(%run_scoped3A : memref<!tpu.dma_semaphore, #tpu.memory_space<semaphore_mem>>)
      tpu.wait_dma2 semaphore(%run_scoped3A : memref<!tpu.dma_semaphore, #tpu.memory_space<semaphore_mem>>) src(%arg3 : memref<128x32xf32, #tpu.memory_space<hbm>>) dst(%arg7 : memref<128x32xf32, #tpu.memory_space<vmem>>)
      tpu.yield
    }) : () -> ()
    "tpu.region"() ({
      %run_scoped3A = tpu.sem_alloc : memref<!tpu.dma_semaphore, #tpu.memory_space<semaphore_mem>>
      %dma_start3A = arith.constant 0 : i32
      %dma_start3A_16 = arith.constant 0 : i32
      %dma_start3A_17 = tpu.memref_slice %arg2[%add3A, %dma_start3A, %dma_start3A_16] : memref<32x80x128xi32, #tpu.memory_space<hbm>> -> memref<1x80x128xi32, #tpu.memory_space<hbm>>
      %dma_start3A_18 = tpu.memref_squeeze %dma_start3A_17 : memref<1x80x128xi32, #tpu.memory_space<hbm>> -> memref<80x128xi32, #tpu.memory_space<hbm>>
      %dma_start3A_19 = arith.constant 0 : i32
      %dma_start3A_20 = arith.constant 0 : i32
      %dma_start3A_21 = tpu.memref_slice %arg2[%add3A, %dma_start3A_19, %dma_start3A_20] : memref<32x80x128xi32, #tpu.memory_space<hbm>> -> memref<1x80x128xi32, #tpu.memory_space<hbm>>
      %dma_start3A_22 = tpu.memref_squeeze %dma_start3A_21 : memref<1x80x128xi32, #tpu.memory_space<hbm>> -> memref<80x128xi32, #tpu.memory_space<hbm>>
      tpu.enqueue_dma source(%dma_start3A_22 : memref<80x128xi32, #tpu.memory_space<hbm>>) target(%arg6 : memref<80x128xi32, #tpu.memory_space<vmem>>) target_semaphore(%run_scoped3A : memref<!tpu.dma_semaphore, #tpu.memory_space<semaphore_mem>>)
      %dma_wait3A = arith.constant 0 : i32
      %dma_wait3A_23 = arith.constant 0 : i32
      %dma_wait3A_24 = tpu.memref_slice %arg2[%add3A, %dma_wait3A, %dma_wait3A_23] : memref<32x80x128xi32, #tpu.memory_space<hbm>> -> memref<1x80x128xi32, #tpu.memory_space<hbm>>
      %dma_wait3A_25 = tpu.memref_squeeze %dma_wait3A_24 : memref<1x80x128xi32, #tpu.memory_space<hbm>> -> memref<80x128xi32, #tpu.memory_space<hbm>>
      %dma_wait3A_26 = arith.constant 0 : i32
      %dma_wait3A_27 = arith.constant 0 : i32
      %dma_wait3A_28 = tpu.memref_slice %arg2[%add3A, %dma_wait3A_26, %dma_wait3A_27] : memref<32x80x128xi32, #tpu.memory_space<hbm>> -> memref<1x80x128xi32, #tpu.memory_space<hbm>>
      %dma_wait3A_29 = tpu.memref_squeeze %dma_wait3A_28 : memref<1x80x128xi32, #tpu.memory_space<hbm>> -> memref<80x128xi32, #tpu.memory_space<hbm>>
      tpu.wait_dma2 semaphore(%run_scoped3A : memref<!tpu.dma_semaphore, #tpu.memory_space<semaphore_mem>>) src(%dma_wait3A_29 : memref<80x128xi32, #tpu.memory_space<hbm>>) dst(%arg6 : memref<80x128xi32, #tpu.memory_space<vmem>>)
      tpu.yield
    }) : () -> ()
    %barrier3A = arith.constant 0 : index
    tpu.barrier barrier_id(%barrier3A)
    %scan3A = arith.constant 0 : i32
    %scan3A_5 = arith.constant 0 : i32
    %scan3A_6 = arith.constant 80 : i32
    %scan3A_7 = arith.addi %scan3A_5, %scan3A_6 : i32
    %scan3A_8 = arith.constant 1 : i32
    %scan3A_9 = scf.for %scan3A_16 = %scan3A_5 to %scan3A_7 step %scan3A_8 iter_args(%scan3A_17 = %scan3A) -> (i32)  : i32 {
      "tpu.region"() ({
        %run_scoped3A = tpu.sem_alloc : memref<!tpu.dma_semaphore, #tpu.memory_space<semaphore_mem>>
        %dma_start3A = arith.constant 0 : i32
        %dma_start3A_19 = tpu.memref_slice %arg6[%scan3A_16, %dma_start3A] : memref<80x128xi32, #tpu.memory_space<vmem>> -> memref<1x128xi32, #tpu.memory_space<vmem>>
        %dma_start3A_20 = tpu.memref_squeeze %dma_start3A_19 : memref<1x128xi32, #tpu.memory_space<vmem>> -> memref<128xi32, #tpu.memory_space<vmem>>
        %dma_start3A_21 = arith.constant 0 : i32
        %dma_start3A_22 = arith.constant 0 : i32
        %dma_start3A_23 = tpu.memref_slice %arg8[%dma_start3A_21, %dma_start3A_22] : memref<10240x32xf32, #tpu.memory_space<vmem_shared>> -> memref<10240x32xf32, #tpu.memory_space<vmem_shared>>
        tpu.enqueue_indirect_dma source(%arg7 : memref<128x32xf32, #tpu.memory_space<vmem>>) target(%dma_start3A_23 : memref<10240x32xf32, #tpu.memory_space<vmem_shared>>) offsets(%dma_start3A_20 : memref<128xi32, #tpu.memory_space<vmem>>) semaphore(%run_scoped3A : memref<!tpu.dma_semaphore, #tpu.memory_space<semaphore_mem>>) {add = true}
        %dma_wait3A = arith.constant 0 : i32
        %dma_wait3A_24 = tpu.memref_slice %arg6[%scan3A_16, %dma_wait3A] : memref<80x128xi32, #tpu.memory_space<vmem>> -> memref<1x128xi32, #tpu.memory_space<vmem>>
        %dma_wait3A_25 = tpu.memref_squeeze %dma_wait3A_24 : memref<1x128xi32, #tpu.memory_space<vmem>> -> memref<128xi32, #tpu.memory_space<vmem>>
        %dma_wait3A_26 = arith.constant 0 : i32
        %dma_wait3A_27 = arith.constant 0 : i32
        %dma_wait3A_28 = tpu.memref_slice %arg8[%dma_wait3A_26, %dma_wait3A_27] : memref<10240x32xf32, #tpu.memory_space<vmem_shared>> -> memref<10240x32xf32, #tpu.memory_space<vmem_shared>>
        tpu.wait_indirect_dma semaphore(%run_scoped3A : memref<!tpu.dma_semaphore, #tpu.memory_space<semaphore_mem>>) src(%arg7 : memref<128x32xf32, #tpu.memory_space<vmem>>) dst(%dma_wait3A_28 : memref<10240x32xf32, #tpu.memory_space<vmem_shared>>)
        tpu.yield
      }) : () -> ()
      %scan3A_18 = arith.constant 0 : i32
      scf.yield %scan3A_18 : i32
    }
    %scan3A_10 = arith.constant 80 : i32
    %barrier3A_11 = arith.constant 0 : index
    tpu.barrier barrier_id(%barrier3A_11)
    %mul3A_12 = arith.constant 640 : i32
    %mul3A_13 = arith.muli %arg1, %mul3A_12 : i32
    %mul3A_14 = arith.constant 640 : i32
    %mul3A_15 = arith.muli %arg1, %mul3A_14 : i32
    "tpu.region"() ({
      %run_scoped3A = tpu.sem_alloc : memref<!tpu.dma_semaphore, #tpu.memory_space<semaphore_mem>>
      %dma_start3A = arith.constant 0 : i32
      %dma_start3A_16 = tpu.memref_slice %arg5[%arg0, %mul3A_15, %dma_start3A] : memref<2x10240x32xf32, #tpu.memory_space<hbm>> -> memref<1x640x32xf32, #tpu.memory_space<hbm>>
      %dma_start3A_17 = tpu.memref_squeeze %dma_start3A_16 : memref<1x640x32xf32, #tpu.memory_space<hbm>> -> memref<640x32xf32, #tpu.memory_space<hbm>>
      %dma_start3A_18 = arith.constant 0 : i32
      %dma_start3A_19 = tpu.memref_slice %arg8[%mul3A_13, %dma_start3A_18] : memref<10240x32xf32, #tpu.memory_space<vmem_shared>> -> memref<640x32xf32, #tpu.memory_space<vmem_shared>>
      tpu.enqueue_dma source(%dma_start3A_19 : memref<640x32xf32, #tpu.memory_space<vmem_shared>>) target(%dma_start3A_17 : memref<640x32xf32, #tpu.memory_space<hbm>>) target_semaphore(%run_scoped3A : memref<!tpu.dma_semaphore, #tpu.memory_space<semaphore_mem>>)
      %dma_wait3A = arith.constant 0 : i32
      %dma_wait3A_20 = tpu.memref_slice %arg5[%arg0, %mul3A_15, %dma_wait3A] : memref<2x10240x32xf32, #tpu.memory_space<hbm>> -> memref<1x640x32xf32, #tpu.memory_space<hbm>>
      %dma_wait3A_21 = tpu.memref_squeeze %dma_wait3A_20 : memref<1x640x32xf32, #tpu.memory_space<hbm>> -> memref<640x32xf32, #tpu.memory_space<hbm>>
      %dma_wait3A_22 = arith.constant 0 : i32
      %dma_wait3A_23 = tpu.memref_slice %arg8[%mul3A_13, %dma_wait3A_22] : memref<10240x32xf32, #tpu.memory_space<vmem_shared>> -> memref<640x32xf32, #tpu.memory_space<vmem_shared>>
      tpu.wait_dma2 semaphore(%run_scoped3A : memref<!tpu.dma_semaphore, #tpu.memory_space<semaphore_mem>>) src(%dma_wait3A_23 : memref<640x32xf32, #tpu.memory_space<vmem_shared>>) dst(%dma_wait3A_21 : memref<640x32xf32, #tpu.memory_space<hbm>>)
      tpu.yield
    }) : () -> ()
    return
  }
}

#map = affine_map<(d0, d1) -> (0, 0, 0)>
#map1 = affine_map<(d0, d1) -> (0, 0)>
module attributes {stable_mosaic.version = 14 : i64} {
  func.func @_sc_scatter_body(%arg0: i32, %arg1: i32, %arg2: memref<32x80x128xi32, #tpu.memory_space<hbm>>, %arg3: memref<32x80x128xi32, #tpu.memory_space<hbm>>, %arg4: memref<10240x32xf32, #tpu.memory_space<hbm>>, %arg5: memref<10240x32xf32, #tpu.memory_space<hbm>>, %arg6: memref<2x10240x32xf32, #tpu.memory_space<hbm>>, %arg7: memref<80x128xi32, #tpu.memory_space<vmem>>, %arg8: memref<80x128xi32, #tpu.memory_space<vmem>>, %arg9: memref<512x32xf32, #tpu.memory_space<vmem>>, %arg10: memref<512x32xf32, #tpu.memory_space<vmem>>, %arg11: memref<10240x32xf32, #tpu.memory_space<vmem_shared>>, %arg12: memref<!tpu.dma_semaphore, #tpu.memory_space<semaphore_mem>>, %arg13: memref<!tpu.dma_semaphore, #tpu.memory_space<semaphore_mem>>) attributes {dimension_semantics = [#tpu.dimension_semantics<core_parallel>, #tpu.dimension_semantics<subcore_parallel>], iteration_bounds = array<i64: 2, 16>, scalar_prefetch = 0 : i64, scratch_operands = 7 : i64, tpu.core_type = #tpu.core_type<sc_vector_subcore>, window_params = [{transform_indices = #map}, {transform_indices = #map}, {transform_indices = #map1}, {transform_indices = #map1}, {transform_indices = #map}]} {
    %mul3A = arith.constant 16 : i32
    %mul3A_0 = arith.muli %arg0, %mul3A : i32
    %add3A = arith.addi %mul3A_0, %arg1 : i32
    %mul3A_1 = arith.constant 640 : i32
    %mul3A_2 = arith.muli %arg1, %mul3A_1 : i32
    %mul3A_3 = arith.constant 640 : i32
    %mul3A_4 = arith.muli %arg1, %mul3A_3 : i32
    "tpu.region"() ({
      %run_scoped3A = tpu.sem_alloc : memref<!tpu.dma_semaphore, #tpu.memory_space<semaphore_mem>>
      %dma_start3A_55 = arith.constant 0 : i32
      %dma_start3A_56 = tpu.memref_slice %arg11[%mul3A_4, %dma_start3A_55] : memref<10240x32xf32, #tpu.memory_space<vmem_shared>> -> memref<640x32xf32, #tpu.memory_space<vmem_shared>>
      %dma_start3A_57 = arith.constant 0 : i32
      %dma_start3A_58 = tpu.memref_slice %arg5[%mul3A_2, %dma_start3A_57] : memref<10240x32xf32, #tpu.memory_space<hbm>> -> memref<640x32xf32, #tpu.memory_space<hbm>>
      tpu.enqueue_dma source(%dma_start3A_58 : memref<640x32xf32, #tpu.memory_space<hbm>>) target(%dma_start3A_56 : memref<640x32xf32, #tpu.memory_space<vmem_shared>>) target_semaphore(%run_scoped3A : memref<!tpu.dma_semaphore, #tpu.memory_space<semaphore_mem>>)
      %dma_wait3A = arith.constant 0 : i32
      %dma_wait3A_59 = tpu.memref_slice %arg11[%mul3A_4, %dma_wait3A] : memref<10240x32xf32, #tpu.memory_space<vmem_shared>> -> memref<640x32xf32, #tpu.memory_space<vmem_shared>>
      %dma_wait3A_60 = arith.constant 0 : i32
      %dma_wait3A_61 = tpu.memref_slice %arg5[%mul3A_2, %dma_wait3A_60] : memref<10240x32xf32, #tpu.memory_space<hbm>> -> memref<640x32xf32, #tpu.memory_space<hbm>>
      tpu.wait_dma2 semaphore(%run_scoped3A : memref<!tpu.dma_semaphore, #tpu.memory_space<semaphore_mem>>) src(%dma_wait3A_61 : memref<640x32xf32, #tpu.memory_space<hbm>>) dst(%dma_wait3A_59 : memref<640x32xf32, #tpu.memory_space<vmem_shared>>)
      tpu.yield
    }) : () -> ()
    "tpu.region"() ({
      %run_scoped3A = tpu.sem_alloc : memref<!tpu.dma_semaphore, #tpu.memory_space<semaphore_mem>>
      %dma_start3A_55 = arith.constant 0 : i32
      %dma_start3A_56 = arith.constant 0 : i32
      %dma_start3A_57 = tpu.memref_slice %arg2[%add3A, %dma_start3A_55, %dma_start3A_56] : memref<32x80x128xi32, #tpu.memory_space<hbm>> -> memref<1x80x128xi32, #tpu.memory_space<hbm>>
      %dma_start3A_58 = tpu.memref_squeeze %dma_start3A_57 : memref<1x80x128xi32, #tpu.memory_space<hbm>> -> memref<80x128xi32, #tpu.memory_space<hbm>>
      %dma_start3A_59 = arith.constant 0 : i32
      %dma_start3A_60 = arith.constant 0 : i32
      %dma_start3A_61 = tpu.memref_slice %arg2[%add3A, %dma_start3A_59, %dma_start3A_60] : memref<32x80x128xi32, #tpu.memory_space<hbm>> -> memref<1x80x128xi32, #tpu.memory_space<hbm>>
      %dma_start3A_62 = tpu.memref_squeeze %dma_start3A_61 : memref<1x80x128xi32, #tpu.memory_space<hbm>> -> memref<80x128xi32, #tpu.memory_space<hbm>>
      tpu.enqueue_dma source(%dma_start3A_62 : memref<80x128xi32, #tpu.memory_space<hbm>>) target(%arg7 : memref<80x128xi32, #tpu.memory_space<vmem>>) target_semaphore(%run_scoped3A : memref<!tpu.dma_semaphore, #tpu.memory_space<semaphore_mem>>)
      %dma_wait3A = arith.constant 0 : i32
      %dma_wait3A_63 = arith.constant 0 : i32
      %dma_wait3A_64 = tpu.memref_slice %arg2[%add3A, %dma_wait3A, %dma_wait3A_63] : memref<32x80x128xi32, #tpu.memory_space<hbm>> -> memref<1x80x128xi32, #tpu.memory_space<hbm>>
      %dma_wait3A_65 = tpu.memref_squeeze %dma_wait3A_64 : memref<1x80x128xi32, #tpu.memory_space<hbm>> -> memref<80x128xi32, #tpu.memory_space<hbm>>
      %dma_wait3A_66 = arith.constant 0 : i32
      %dma_wait3A_67 = arith.constant 0 : i32
      %dma_wait3A_68 = tpu.memref_slice %arg2[%add3A, %dma_wait3A_66, %dma_wait3A_67] : memref<32x80x128xi32, #tpu.memory_space<hbm>> -> memref<1x80x128xi32, #tpu.memory_space<hbm>>
      %dma_wait3A_69 = tpu.memref_squeeze %dma_wait3A_68 : memref<1x80x128xi32, #tpu.memory_space<hbm>> -> memref<80x128xi32, #tpu.memory_space<hbm>>
      tpu.wait_dma2 semaphore(%run_scoped3A : memref<!tpu.dma_semaphore, #tpu.memory_space<semaphore_mem>>) src(%dma_wait3A_69 : memref<80x128xi32, #tpu.memory_space<hbm>>) dst(%arg7 : memref<80x128xi32, #tpu.memory_space<vmem>>)
      tpu.yield
    }) : () -> ()
    "tpu.region"() ({
      %run_scoped3A = tpu.sem_alloc : memref<!tpu.dma_semaphore, #tpu.memory_space<semaphore_mem>>
      %dma_start3A_55 = arith.constant 0 : i32
      %dma_start3A_56 = arith.constant 0 : i32
      %dma_start3A_57 = tpu.memref_slice %arg3[%add3A, %dma_start3A_55, %dma_start3A_56] : memref<32x80x128xi32, #tpu.memory_space<hbm>> -> memref<1x80x128xi32, #tpu.memory_space<hbm>>
      %dma_start3A_58 = tpu.memref_squeeze %dma_start3A_57 : memref<1x80x128xi32, #tpu.memory_space<hbm>> -> memref<80x128xi32, #tpu.memory_space<hbm>>
      %dma_start3A_59 = arith.constant 0 : i32
      %dma_start3A_60 = arith.constant 0 : i32
      %dma_start3A_61 = tpu.memref_slice %arg3[%add3A, %dma_start3A_59, %dma_start3A_60] : memref<32x80x128xi32, #tpu.memory_space<hbm>> -> memref<1x80x128xi32, #tpu.memory_space<hbm>>
      %dma_start3A_62 = tpu.memref_squeeze %dma_start3A_61 : memref<1x80x128xi32, #tpu.memory_space<hbm>> -> memref<80x128xi32, #tpu.memory_space<hbm>>
      tpu.enqueue_dma source(%dma_start3A_62 : memref<80x128xi32, #tpu.memory_space<hbm>>) target(%arg8 : memref<80x128xi32, #tpu.memory_space<vmem>>) target_semaphore(%run_scoped3A : memref<!tpu.dma_semaphore, #tpu.memory_space<semaphore_mem>>)
      %dma_wait3A = arith.constant 0 : i32
      %dma_wait3A_63 = arith.constant 0 : i32
      %dma_wait3A_64 = tpu.memref_slice %arg3[%add3A, %dma_wait3A, %dma_wait3A_63] : memref<32x80x128xi32, #tpu.memory_space<hbm>> -> memref<1x80x128xi32, #tpu.memory_space<hbm>>
      %dma_wait3A_65 = tpu.memref_squeeze %dma_wait3A_64 : memref<1x80x128xi32, #tpu.memory_space<hbm>> -> memref<80x128xi32, #tpu.memory_space<hbm>>
      %dma_wait3A_66 = arith.constant 0 : i32
      %dma_wait3A_67 = arith.constant 0 : i32
      %dma_wait3A_68 = tpu.memref_slice %arg3[%add3A, %dma_wait3A_66, %dma_wait3A_67] : memref<32x80x128xi32, #tpu.memory_space<hbm>> -> memref<1x80x128xi32, #tpu.memory_space<hbm>>
      %dma_wait3A_69 = tpu.memref_squeeze %dma_wait3A_68 : memref<1x80x128xi32, #tpu.memory_space<hbm>> -> memref<80x128xi32, #tpu.memory_space<hbm>>
      tpu.wait_dma2 semaphore(%run_scoped3A : memref<!tpu.dma_semaphore, #tpu.memory_space<semaphore_mem>>) src(%dma_wait3A_69 : memref<80x128xi32, #tpu.memory_space<hbm>>) dst(%arg8 : memref<80x128xi32, #tpu.memory_space<vmem>>)
      tpu.yield
    }) : () -> ()
    %barrier3A = arith.constant 0 : index
    tpu.barrier barrier_id(%barrier3A)
    %dma_start3A = arith.constant 0 : i32
    %dma_start3A_5 = arith.constant 0 : i32
    %dma_start3A_6 = arith.constant 0 : i32
    %dma_start3A_7 = tpu.memref_slice %arg9[%dma_start3A_5, %dma_start3A_6] : memref<512x32xf32, #tpu.memory_space<vmem>> -> memref<128x32xf32, #tpu.memory_space<vmem>>
    %dma_start3A_8 = arith.constant 0 : i32
    %dma_start3A_9 = tpu.memref_slice %arg7[%dma_start3A, %dma_start3A_8] : memref<80x128xi32, #tpu.memory_space<vmem>> -> memref<1x128xi32, #tpu.memory_space<vmem>>
    %dma_start3A_10 = tpu.memref_squeeze %dma_start3A_9 : memref<1x128xi32, #tpu.memory_space<vmem>> -> memref<128xi32, #tpu.memory_space<vmem>>
    %dma_start3A_11 = arith.constant 0 : i32
    %dma_start3A_12 = arith.constant 0 : i32
    %dma_start3A_13 = tpu.memref_slice %arg4[%dma_start3A_11, %dma_start3A_12] : memref<10240x32xf32, #tpu.memory_space<hbm>> -> memref<10240x32xf32, #tpu.memory_space<hbm>>
    tpu.enqueue_indirect_dma source(%dma_start3A_13 : memref<10240x32xf32, #tpu.memory_space<hbm>>) target(%dma_start3A_7 : memref<128x32xf32, #tpu.memory_space<vmem>>) offsets(%dma_start3A_10 : memref<128xi32, #tpu.memory_space<vmem>>) semaphore(%arg12 : memref<!tpu.dma_semaphore, #tpu.memory_space<semaphore_mem>>)
    %dma_start3A_14 = arith.constant 1 : i32
    %dma_start3A_15 = arith.constant 128 : i32
    %dma_start3A_16 = arith.constant 0 : i32
    %dma_start3A_17 = tpu.memref_slice %arg9[%dma_start3A_15, %dma_start3A_16] : memref<512x32xf32, #tpu.memory_space<vmem>> -> memref<128x32xf32, #tpu.memory_space<vmem>>
    %dma_start3A_18 = arith.constant 0 : i32
    %dma_start3A_19 = tpu.memref_slice %arg7[%dma_start3A_14, %dma_start3A_18] : memref<80x128xi32, #tpu.memory_space<vmem>> -> memref<1x128xi32, #tpu.memory_space<vmem>>
    %dma_start3A_20 = tpu.memref_squeeze %dma_start3A_19 : memref<1x128xi32, #tpu.memory_space<vmem>> -> memref<128xi32, #tpu.memory_space<vmem>>
    %dma_start3A_21 = arith.constant 0 : i32
    %dma_start3A_22 = arith.constant 0 : i32
    %dma_start3A_23 = tpu.memref_slice %arg4[%dma_start3A_21, %dma_start3A_22] : memref<10240x32xf32, #tpu.memory_space<hbm>> -> memref<10240x32xf32, #tpu.memory_space<hbm>>
    tpu.enqueue_indirect_dma source(%dma_start3A_23 : memref<10240x32xf32, #tpu.memory_space<hbm>>) target(%dma_start3A_17 : memref<128x32xf32, #tpu.memory_space<vmem>>) offsets(%dma_start3A_20 : memref<128xi32, #tpu.memory_space<vmem>>) semaphore(%arg12 : memref<!tpu.dma_semaphore, #tpu.memory_space<semaphore_mem>>)
    %dma_start3A_24 = arith.constant 2 : i32
    %dma_start3A_25 = arith.constant 256 : i32
    %dma_start3A_26 = arith.constant 0 : i32
    %dma_start3A_27 = tpu.memref_slice %arg9[%dma_start3A_25, %dma_start3A_26] : memref<512x32xf32, #tpu.memory_space<vmem>> -> memref<128x32xf32, #tpu.memory_space<vmem>>
    %dma_start3A_28 = arith.constant 0 : i32
    %dma_start3A_29 = tpu.memref_slice %arg7[%dma_start3A_24, %dma_start3A_28] : memref<80x128xi32, #tpu.memory_space<vmem>> -> memref<1x128xi32, #tpu.memory_space<vmem>>
    %dma_start3A_30 = tpu.memref_squeeze %dma_start3A_29 : memref<1x128xi32, #tpu.memory_space<vmem>> -> memref<128xi32, #tpu.memory_space<vmem>>
    %dma_start3A_31 = arith.constant 0 : i32
    %dma_start3A_32 = arith.constant 0 : i32
    %dma_start3A_33 = tpu.memref_slice %arg4[%dma_start3A_31, %dma_start3A_32] : memref<10240x32xf32, #tpu.memory_space<hbm>> -> memref<10240x32xf32, #tpu.memory_space<hbm>>
    tpu.enqueue_indirect_dma source(%dma_start3A_33 : memref<10240x32xf32, #tpu.memory_space<hbm>>) target(%dma_start3A_27 : memref<128x32xf32, #tpu.memory_space<vmem>>) offsets(%dma_start3A_30 : memref<128xi32, #tpu.memory_space<vmem>>) semaphore(%arg12 : memref<!tpu.dma_semaphore, #tpu.memory_space<semaphore_mem>>)
    %dma_start3A_34 = arith.constant 3 : i32
    %dma_start3A_35 = arith.constant 384 : i32
    %dma_start3A_36 = arith.constant 0 : i32
    %dma_start3A_37 = tpu.memref_slice %arg9[%dma_start3A_35, %dma_start3A_36] : memref<512x32xf32, #tpu.memory_space<vmem>> -> memref<128x32xf32, #tpu.memory_space<vmem>>
    %dma_start3A_38 = arith.constant 0 : i32
    %dma_start3A_39 = tpu.memref_slice %arg7[%dma_start3A_34, %dma_start3A_38] : memref<80x128xi32, #tpu.memory_space<vmem>> -> memref<1x128xi32, #tpu.memory_space<vmem>>
    %dma_start3A_40 = tpu.memref_squeeze %dma_start3A_39 : memref<1x128xi32, #tpu.memory_space<vmem>> -> memref<128xi32, #tpu.memory_space<vmem>>
    %dma_start3A_41 = arith.constant 0 : i32
    %dma_start3A_42 = arith.constant 0 : i32
    %dma_start3A_43 = tpu.memref_slice %arg4[%dma_start3A_41, %dma_start3A_42] : memref<10240x32xf32, #tpu.memory_space<hbm>> -> memref<10240x32xf32, #tpu.memory_space<hbm>>
    tpu.enqueue_indirect_dma source(%dma_start3A_43 : memref<10240x32xf32, #tpu.memory_space<hbm>>) target(%dma_start3A_37 : memref<128x32xf32, #tpu.memory_space<vmem>>) offsets(%dma_start3A_40 : memref<128xi32, #tpu.memory_space<vmem>>) semaphore(%arg12 : memref<!tpu.dma_semaphore, #tpu.memory_space<semaphore_mem>>)
    %scan3A = arith.constant 0 : i32
    %scan3A_44 = arith.constant 0 : i32
    %scan3A_45 = arith.constant 10 : i32
    %scan3A_46 = arith.addi %scan3A_44, %scan3A_45 : i32
    %scan3A_47 = arith.constant 1 : i32
    %scan3A_48 = scf.for %scan3A_55 = %scan3A_44 to %scan3A_46 step %scan3A_47 iter_args(%scan3A_56 = %scan3A) -> (i32)  : i32 {
      %mul3A_57 = arith.constant 2 : i32
      %mul3A_58 = arith.muli %mul3A_57, %scan3A_55 : i32
      %add3A_59 = arith.constant 1 : i32
      %add3A_60 = arith.addi %mul3A_58, %add3A_59 : i32
      %mul3A_61 = arith.constant 4 : i32
      %mul3A_62 = arith.muli %add3A_60, %mul3A_61 : i32
      %add3A_63 = arith.constant 0 : i32
      %add3A_64 = arith.addi %mul3A_62, %add3A_63 : i32
      %dma_start3A_65 = arith.constant 0 : i32
      %dma_start3A_66 = arith.constant 0 : i32
      %dma_start3A_67 = tpu.memref_slice %arg10[%dma_start3A_65, %dma_start3A_66] : memref<512x32xf32, #tpu.memory_space<vmem>> -> memref<128x32xf32, #tpu.memory_space<vmem>>
      %dma_start3A_68 = arith.constant 0 : i32
      %dma_start3A_69 = tpu.memref_slice %arg7[%add3A_64, %dma_start3A_68] : memref<80x128xi32, #tpu.memory_space<vmem>> -> memref<1x128xi32, #tpu.memory_space<vmem>>
      %dma_start3A_70 = tpu.memref_squeeze %dma_start3A_69 : memref<1x128xi32, #tpu.memory_space<vmem>> -> memref<128xi32, #tpu.memory_space<vmem>>
      %dma_start3A_71 = arith.constant 0 : i32
      %dma_start3A_72 = arith.constant 0 : i32
      %dma_start3A_73 = tpu.memref_slice %arg4[%dma_start3A_71, %dma_start3A_72] : memref<10240x32xf32, #tpu.memory_space<hbm>> -> memref<10240x32xf32, #tpu.memory_space<hbm>>
      tpu.enqueue_indirect_dma source(%dma_start3A_73 : memref<10240x32xf32, #tpu.memory_space<hbm>>) target(%dma_start3A_67 : memref<128x32xf32, #tpu.memory_space<vmem>>) offsets(%dma_start3A_70 : memref<128xi32, #tpu.memory_space<vmem>>) semaphore(%arg13 : memref<!tpu.dma_semaphore, #tpu.memory_space<semaphore_mem>>)
      %mul3A_74 = arith.constant 4 : i32
      %mul3A_75 = arith.muli %add3A_60, %mul3A_74 : i32
      %add3A_76 = arith.constant 1 : i32
      %add3A_77 = arith.addi %mul3A_75, %add3A_76 : i32
      %dma_start3A_78 = arith.constant 128 : i32
      %dma_start3A_79 = arith.constant 0 : i32
      %dma_start3A_80 = tpu.memref_slice %arg10[%dma_start3A_78, %dma_start3A_79] : memref<512x32xf32, #tpu.memory_space<vmem>> -> memref<128x32xf32, #tpu.memory_space<vmem>>
      %dma_start3A_81 = arith.constant 0 : i32
      %dma_start3A_82 = tpu.memref_slice %arg7[%add3A_77, %dma_start3A_81] : memref<80x128xi32, #tpu.memory_space<vmem>> -> memref<1x128xi32, #tpu.memory_space<vmem>>
      %dma_start3A_83 = tpu.memref_squeeze %dma_start3A_82 : memref<1x128xi32, #tpu.memory_space<vmem>> -> memref<128xi32, #tpu.memory_space<vmem>>
      %dma_start3A_84 = arith.constant 0 : i32
      %dma_start3A_85 = arith.constant 0 : i32
      %dma_start3A_86 = tpu.memref_slice %arg4[%dma_start3A_84, %dma_start3A_85] : memref<10240x32xf32, #tpu.memory_space<hbm>> -> memref<10240x32xf32, #tpu.memory_space<hbm>>
      tpu.enqueue_indirect_dma source(%dma_start3A_86 : memref<10240x32xf32, #tpu.memory_space<hbm>>) target(%dma_start3A_80 : memref<128x32xf32, #tpu.memory_space<vmem>>) offsets(%dma_start3A_83 : memref<128xi32, #tpu.memory_space<vmem>>) semaphore(%arg13 : memref<!tpu.dma_semaphore, #tpu.memory_space<semaphore_mem>>)
      %mul3A_87 = arith.constant 4 : i32
      %mul3A_88 = arith.muli %add3A_60, %mul3A_87 : i32
      %add3A_89 = arith.constant 2 : i32
      %add3A_90 = arith.addi %mul3A_88, %add3A_89 : i32
      %dma_start3A_91 = arith.constant 256 : i32
      %dma_start3A_92 = arith.constant 0 : i32
      %dma_start3A_93 = tpu.memref_slice %arg10[%dma_start3A_91, %dma_start3A_92] : memref<512x32xf32, #tpu.memory_space<vmem>> -> memref<128x32xf32, #tpu.memory_space<vmem>>
      %dma_start3A_94 = arith.constant 0 : i32
      %dma_start3A_95 = tpu.memref_slice %arg7[%add3A_90, %dma_start3A_94] : memref<80x128xi32, #tpu.memory_space<vmem>> -> memref<1x128xi32, #tpu.memory_space<vmem>>
      %dma_start3A_96 = tpu.memref_squeeze %dma_start3A_95 : memref<1x128xi32, #tpu.memory_space<vmem>> -> memref<128xi32, #tpu.memory_space<vmem>>
      %dma_start3A_97 = arith.constant 0 : i32
      %dma_start3A_98 = arith.constant 0 : i32
      %dma_start3A_99 = tpu.memref_slice %arg4[%dma_start3A_97, %dma_start3A_98] : memref<10240x32xf32, #tpu.memory_space<hbm>> -> memref<10240x32xf32, #tpu.memory_space<hbm>>
      tpu.enqueue_indirect_dma source(%dma_start3A_99 : memref<10240x32xf32, #tpu.memory_space<hbm>>) target(%dma_start3A_93 : memref<128x32xf32, #tpu.memory_space<vmem>>) offsets(%dma_start3A_96 : memref<128xi32, #tpu.memory_space<vmem>>) semaphore(%arg13 : memref<!tpu.dma_semaphore, #tpu.memory_space<semaphore_mem>>)
      %mul3A_100 = arith.constant 4 : i32
      %mul3A_101 = arith.muli %add3A_60, %mul3A_100 : i32
      %add3A_102 = arith.constant 3 : i32
      %add3A_103 = arith.addi %mul3A_101, %add3A_102 : i32
      %dma_start3A_104 = arith.constant 384 : i32
      %dma_start3A_105 = arith.constant 0 : i32
      %dma_start3A_106 = tpu.memref_slice %arg10[%dma_start3A_104, %dma_start3A_105] : memref<512x32xf32, #tpu.memory_space<vmem>> -> memref<128x32xf32, #tpu.memory_space<vmem>>
      %dma_start3A_107 = arith.constant 0 : i32
      %dma_start3A_108 = tpu.memref_slice %arg7[%add3A_103, %dma_start3A_107] : memref<80x128xi32, #tpu.memory_space<vmem>> -> memref<1x128xi32, #tpu.memory_space<vmem>>
      %dma_start3A_109 = tpu.memref_squeeze %dma_start3A_108 : memref<1x128xi32, #tpu.memory_space<vmem>> -> memref<128xi32, #tpu.memory_space<vmem>>
      %dma_start3A_110 = arith.constant 0 : i32
      %dma_start3A_111 = arith.constant 0 : i32
      %dma_start3A_112 = tpu.memref_slice %arg4[%dma_start3A_110, %dma_start3A_111] : memref<10240x32xf32, #tpu.memory_space<hbm>> -> memref<10240x32xf32, #tpu.memory_space<hbm>>
      tpu.enqueue_indirect_dma source(%dma_start3A_112 : memref<10240x32xf32, #tpu.memory_space<hbm>>) target(%dma_start3A_106 : memref<128x32xf32, #tpu.memory_space<vmem>>) offsets(%dma_start3A_109 : memref<128xi32, #tpu.memory_space<vmem>>) semaphore(%arg13 : memref<!tpu.dma_semaphore, #tpu.memory_space<semaphore_mem>>)
      tpu.wait_dma2 semaphore(%arg12 : memref<!tpu.dma_semaphore, #tpu.memory_space<semaphore_mem>>) src(%arg4 : memref<10240x32xf32, #tpu.memory_space<hbm>>) dst(%arg9 : memref<512x32xf32, #tpu.memory_space<vmem>>)
      %mul3A_113 = arith.constant 4 : i32
      %mul3A_114 = arith.muli %mul3A_58, %mul3A_113 : i32
      %add3A_115 = arith.constant 0 : i32
      %add3A_116 = arith.addi %mul3A_114, %add3A_115 : i32
      "tpu.region"() ({
        %run_scoped3A = tpu.sem_alloc : memref<!tpu.dma_semaphore, #tpu.memory_space<semaphore_mem>>
        %dma_start3A_150 = arith.constant 0 : i32
        %dma_start3A_151 = arith.constant 0 : i32
        %dma_start3A_152 = tpu.memref_slice %arg9[%dma_start3A_150, %dma_start3A_151] : memref<512x32xf32, #tpu.memory_space<vmem>> -> memref<128x32xf32, #tpu.memory_space<vmem>>
        %dma_start3A_153 = arith.constant 0 : i32
        %dma_start3A_154 = tpu.memref_slice %arg8[%add3A_116, %dma_start3A_153] : memref<80x128xi32, #tpu.memory_space<vmem>> -> memref<1x128xi32, #tpu.memory_space<vmem>>
        %dma_start3A_155 = tpu.memref_squeeze %dma_start3A_154 : memref<1x128xi32, #tpu.memory_space<vmem>> -> memref<128xi32, #tpu.memory_space<vmem>>
        %dma_start3A_156 = arith.constant 0 : i32
        %dma_start3A_157 = arith.constant 0 : i32
        %dma_start3A_158 = tpu.memref_slice %arg11[%dma_start3A_156, %dma_start3A_157] : memref<10240x32xf32, #tpu.memory_space<vmem_shared>> -> memref<10240x32xf32, #tpu.memory_space<vmem_shared>>
        tpu.enqueue_indirect_dma source(%dma_start3A_152 : memref<128x32xf32, #tpu.memory_space<vmem>>) target(%dma_start3A_158 : memref<10240x32xf32, #tpu.memory_space<vmem_shared>>) offsets(%dma_start3A_155 : memref<128xi32, #tpu.memory_space<vmem>>) semaphore(%run_scoped3A : memref<!tpu.dma_semaphore, #tpu.memory_space<semaphore_mem>>) {add = true}
        %dma_wait3A = arith.constant 0 : i32
        %dma_wait3A_159 = arith.constant 0 : i32
        %dma_wait3A_160 = tpu.memref_slice %arg9[%dma_wait3A, %dma_wait3A_159] : memref<512x32xf32, #tpu.memory_space<vmem>> -> memref<128x32xf32, #tpu.memory_space<vmem>>
        %dma_wait3A_161 = arith.constant 0 : i32
        %dma_wait3A_162 = tpu.memref_slice %arg8[%add3A_116, %dma_wait3A_161] : memref<80x128xi32, #tpu.memory_space<vmem>> -> memref<1x128xi32, #tpu.memory_space<vmem>>
        %dma_wait3A_163 = tpu.memref_squeeze %dma_wait3A_162 : memref<1x128xi32, #tpu.memory_space<vmem>> -> memref<128xi32, #tpu.memory_space<vmem>>
        %dma_wait3A_164 = arith.constant 0 : i32
        %dma_wait3A_165 = arith.constant 0 : i32
        %dma_wait3A_166 = tpu.memref_slice %arg11[%dma_wait3A_164, %dma_wait3A_165] : memref<10240x32xf32, #tpu.memory_space<vmem_shared>> -> memref<10240x32xf32, #tpu.memory_space<vmem_shared>>
        tpu.wait_indirect_dma semaphore(%run_scoped3A : memref<!tpu.dma_semaphore, #tpu.memory_space<semaphore_mem>>) src(%dma_wait3A_160 : memref<128x32xf32, #tpu.memory_space<vmem>>) dst(%dma_wait3A_166 : memref<10240x32xf32, #tpu.memory_space<vmem_shared>>)
        tpu.yield
      }) : () -> ()
      %mul3A_117 = arith.constant 4 : i32
      %mul3A_118 = arith.muli %mul3A_58, %mul3A_117 : i32
      %add3A_119 = arith.constant 1 : i32
      %add3A_120 = arith.addi %mul3A_118, %add3A_119 : i32
      "tpu.region"() ({
        %run_scoped3A = tpu.sem_alloc : memref<!tpu.dma_semaphore, #tpu.memory_space<semaphore_mem>>
        %dma_start3A_150 = arith.constant 128 : i32
        %dma_start3A_151 = arith.constant 0 : i32
        %dma_start3A_152 = tpu.memref_slice %arg9[%dma_start3A_150, %dma_start3A_151] : memref<512x32xf32, #tpu.memory_space<vmem>> -> memref<128x32xf32, #tpu.memory_space<vmem>>
        %dma_start3A_153 = arith.constant 0 : i32
        %dma_start3A_154 = tpu.memref_slice %arg8[%add3A_120, %dma_start3A_153] : memref<80x128xi32, #tpu.memory_space<vmem>> -> memref<1x128xi32, #tpu.memory_space<vmem>>
        %dma_start3A_155 = tpu.memref_squeeze %dma_start3A_154 : memref<1x128xi32, #tpu.memory_space<vmem>> -> memref<128xi32, #tpu.memory_space<vmem>>
        %dma_start3A_156 = arith.constant 0 : i32
        %dma_start3A_157 = arith.constant 0 : i32
        %dma_start3A_158 = tpu.memref_slice %arg11[%dma_start3A_156, %dma_start3A_157] : memref<10240x32xf32, #tpu.memory_space<vmem_shared>> -> memref<10240x32xf32, #tpu.memory_space<vmem_shared>>
        tpu.enqueue_indirect_dma source(%dma_start3A_152 : memref<128x32xf32, #tpu.memory_space<vmem>>) target(%dma_start3A_158 : memref<10240x32xf32, #tpu.memory_space<vmem_shared>>) offsets(%dma_start3A_155 : memref<128xi32, #tpu.memory_space<vmem>>) semaphore(%run_scoped3A : memref<!tpu.dma_semaphore, #tpu.memory_space<semaphore_mem>>) {add = true}
        %dma_wait3A = arith.constant 128 : i32
        %dma_wait3A_159 = arith.constant 0 : i32
        %dma_wait3A_160 = tpu.memref_slice %arg9[%dma_wait3A, %dma_wait3A_159] : memref<512x32xf32, #tpu.memory_space<vmem>> -> memref<128x32xf32, #tpu.memory_space<vmem>>
        %dma_wait3A_161 = arith.constant 0 : i32
        %dma_wait3A_162 = tpu.memref_slice %arg8[%add3A_120, %dma_wait3A_161] : memref<80x128xi32, #tpu.memory_space<vmem>> -> memref<1x128xi32, #tpu.memory_space<vmem>>
        %dma_wait3A_163 = tpu.memref_squeeze %dma_wait3A_162 : memref<1x128xi32, #tpu.memory_space<vmem>> -> memref<128xi32, #tpu.memory_space<vmem>>
        %dma_wait3A_164 = arith.constant 0 : i32
        %dma_wait3A_165 = arith.constant 0 : i32
        %dma_wait3A_166 = tpu.memref_slice %arg11[%dma_wait3A_164, %dma_wait3A_165] : memref<10240x32xf32, #tpu.memory_space<vmem_shared>> -> memref<10240x32xf32, #tpu.memory_space<vmem_shared>>
        tpu.wait_indirect_dma semaphore(%run_scoped3A : memref<!tpu.dma_semaphore, #tpu.memory_space<semaphore_mem>>) src(%dma_wait3A_160 : memref<128x32xf32, #tpu.memory_space<vmem>>) dst(%dma_wait3A_166 : memref<10240x32xf32, #tpu.memory_space<vmem_shared>>)
        tpu.yield
      }) : () -> ()
      %mul3A_121 = arith.constant 4 : i32
      %mul3A_122 = arith.muli %mul3A_58, %mul3A_121 : i32
      %add3A_123 = arith.constant 2 : i32
      %add3A_124 = arith.addi %mul3A_122, %add3A_123 : i32
      "tpu.region"() ({
        %run_scoped3A = tpu.sem_alloc : memref<!tpu.dma_semaphore, #tpu.memory_space<semaphore_mem>>
        %dma_start3A_150 = arith.constant 256 : i32
        %dma_start3A_151 = arith.constant 0 : i32
        %dma_start3A_152 = tpu.memref_slice %arg9[%dma_start3A_150, %dma_start3A_151] : memref<512x32xf32, #tpu.memory_space<vmem>> -> memref<128x32xf32, #tpu.memory_space<vmem>>
        %dma_start3A_153 = arith.constant 0 : i32
        %dma_start3A_154 = tpu.memref_slice %arg8[%add3A_124, %dma_start3A_153] : memref<80x128xi32, #tpu.memory_space<vmem>> -> memref<1x128xi32, #tpu.memory_space<vmem>>
        %dma_start3A_155 = tpu.memref_squeeze %dma_start3A_154 : memref<1x128xi32, #tpu.memory_space<vmem>> -> memref<128xi32, #tpu.memory_space<vmem>>
        %dma_start3A_156 = arith.constant 0 : i32
        %dma_start3A_157 = arith.constant 0 : i32
        %dma_start3A_158 = tpu.memref_slice %arg11[%dma_start3A_156, %dma_start3A_157] : memref<10240x32xf32, #tpu.memory_space<vmem_shared>> -> memref<10240x32xf32, #tpu.memory_space<vmem_shared>>
        tpu.enqueue_indirect_dma source(%dma_start3A_152 : memref<128x32xf32, #tpu.memory_space<vmem>>) target(%dma_start3A_158 : memref<10240x32xf32, #tpu.memory_space<vmem_shared>>) offsets(%dma_start3A_155 : memref<128xi32, #tpu.memory_space<vmem>>) semaphore(%run_scoped3A : memref<!tpu.dma_semaphore, #tpu.memory_space<semaphore_mem>>) {add = true}
        %dma_wait3A = arith.constant 256 : i32
        %dma_wait3A_159 = arith.constant 0 : i32
        %dma_wait3A_160 = tpu.memref_slice %arg9[%dma_wait3A, %dma_wait3A_159] : memref<512x32xf32, #tpu.memory_space<vmem>> -> memref<128x32xf32, #tpu.memory_space<vmem>>
        %dma_wait3A_161 = arith.constant 0 : i32
        %dma_wait3A_162 = tpu.memref_slice %arg8[%add3A_124, %dma_wait3A_161] : memref<80x128xi32, #tpu.memory_space<vmem>> -> memref<1x128xi32, #tpu.memory_space<vmem>>
        %dma_wait3A_163 = tpu.memref_squeeze %dma_wait3A_162 : memref<1x128xi32, #tpu.memory_space<vmem>> -> memref<128xi32, #tpu.memory_space<vmem>>
        %dma_wait3A_164 = arith.constant 0 : i32
        %dma_wait3A_165 = arith.constant 0 : i32
        %dma_wait3A_166 = tpu.memref_slice %arg11[%dma_wait3A_164, %dma_wait3A_165] : memref<10240x32xf32, #tpu.memory_space<vmem_shared>> -> memref<10240x32xf32, #tpu.memory_space<vmem_shared>>
        tpu.wait_indirect_dma semaphore(%run_scoped3A : memref<!tpu.dma_semaphore, #tpu.memory_space<semaphore_mem>>) src(%dma_wait3A_160 : memref<128x32xf32, #tpu.memory_space<vmem>>) dst(%dma_wait3A_166 : memref<10240x32xf32, #tpu.memory_space<vmem_shared>>)
        tpu.yield
      }) : () -> ()
      %mul3A_125 = arith.constant 4 : i32
      %mul3A_126 = arith.muli %mul3A_58, %mul3A_125 : i32
      %add3A_127 = arith.constant 3 : i32
      %add3A_128 = arith.addi %mul3A_126, %add3A_127 : i32
      "tpu.region"() ({
        %run_scoped3A = tpu.sem_alloc : memref<!tpu.dma_semaphore, #tpu.memory_space<semaphore_mem>>
        %dma_start3A_150 = arith.constant 384 : i32
        %dma_start3A_151 = arith.constant 0 : i32
        %dma_start3A_152 = tpu.memref_slice %arg9[%dma_start3A_150, %dma_start3A_151] : memref<512x32xf32, #tpu.memory_space<vmem>> -> memref<128x32xf32, #tpu.memory_space<vmem>>
        %dma_start3A_153 = arith.constant 0 : i32
        %dma_start3A_154 = tpu.memref_slice %arg8[%add3A_128, %dma_start3A_153] : memref<80x128xi32, #tpu.memory_space<vmem>> -> memref<1x128xi32, #tpu.memory_space<vmem>>
        %dma_start3A_155 = tpu.memref_squeeze %dma_start3A_154 : memref<1x128xi32, #tpu.memory_space<vmem>> -> memref<128xi32, #tpu.memory_space<vmem>>
        %dma_start3A_156 = arith.constant 0 : i32
        %dma_start3A_157 = arith.constant 0 : i32
        %dma_start3A_158 = tpu.memref_slice %arg11[%dma_start3A_156, %dma_start3A_157] : memref<10240x32xf32, #tpu.memory_space<vmem_shared>> -> memref<10240x32xf32, #tpu.memory_space<vmem_shared>>
        tpu.enqueue_indirect_dma source(%dma_start3A_152 : memref<128x32xf32, #tpu.memory_space<vmem>>) target(%dma_start3A_158 : memref<10240x32xf32, #tpu.memory_space<vmem_shared>>) offsets(%dma_start3A_155 : memref<128xi32, #tpu.memory_space<vmem>>) semaphore(%run_scoped3A : memref<!tpu.dma_semaphore, #tpu.memory_space<semaphore_mem>>) {add = true}
        %dma_wait3A = arith.constant 384 : i32
        %dma_wait3A_159 = arith.constant 0 : i32
        %dma_wait3A_160 = tpu.memref_slice %arg9[%dma_wait3A, %dma_wait3A_159] : memref<512x32xf32, #tpu.memory_space<vmem>> -> memref<128x32xf32, #tpu.memory_space<vmem>>
        %dma_wait3A_161 = arith.constant 0 : i32
        %dma_wait3A_162 = tpu.memref_slice %arg8[%add3A_128, %dma_wait3A_161] : memref<80x128xi32, #tpu.memory_space<vmem>> -> memref<1x128xi32, #tpu.memory_space<vmem>>
        %dma_wait3A_163 = tpu.memref_squeeze %dma_wait3A_162 : memref<1x128xi32, #tpu.memory_space<vmem>> -> memref<128xi32, #tpu.memory_space<vmem>>
        %dma_wait3A_164 = arith.constant 0 : i32
        %dma_wait3A_165 = arith.constant 0 : i32
        %dma_wait3A_166 = tpu.memref_slice %arg11[%dma_wait3A_164, %dma_wait3A_165] : memref<10240x32xf32, #tpu.memory_space<vmem_shared>> -> memref<10240x32xf32, #tpu.memory_space<vmem_shared>>
        tpu.wait_indirect_dma semaphore(%run_scoped3A : memref<!tpu.dma_semaphore, #tpu.memory_space<semaphore_mem>>) src(%dma_wait3A_160 : memref<128x32xf32, #tpu.memory_space<vmem>>) dst(%dma_wait3A_166 : memref<10240x32xf32, #tpu.memory_space<vmem_shared>>)
        tpu.yield
      }) : () -> ()
      %add3A_129 = arith.constant 1 : i32
      %add3A_130 = arith.addi %add3A_60, %add3A_129 : i32
      %lt3A = arith.constant 20 : i32
      %lt3A_131 = arith.cmpi slt, %add3A_130, %lt3A : i32
      %convert_element_type3A = arith.extui %lt3A_131 : i1 to i32
      %cond3A = arith.constant 0 : i32
      %cond3A_132 = arith.cmpi ne, %convert_element_type3A, %cond3A : i32
      scf.if %cond3A_132 {
        %add3A_150 = arith.constant 1 : i32
        %add3A_151 = arith.addi %add3A_60, %add3A_150 : i32
        %mul3A_152 = arith.constant 4 : i32
        %mul3A_153 = arith.muli %add3A_151, %mul3A_152 : i32
        %add3A_154 = arith.constant 0 : i32
        %add3A_155 = arith.addi %mul3A_153, %add3A_154 : i32
        %dma_start3A_156 = arith.constant 0 : i32
        %dma_start3A_157 = arith.constant 0 : i32
        %dma_start3A_158 = tpu.memref_slice %arg9[%dma_start3A_156, %dma_start3A_157] : memref<512x32xf32, #tpu.memory_space<vmem>> -> memref<128x32xf32, #tpu.memory_space<vmem>>
        %dma_start3A_159 = arith.constant 0 : i32
        %dma_start3A_160 = tpu.memref_slice %arg7[%add3A_155, %dma_start3A_159] : memref<80x128xi32, #tpu.memory_space<vmem>> -> memref<1x128xi32, #tpu.memory_space<vmem>>
        %dma_start3A_161 = tpu.memref_squeeze %dma_start3A_160 : memref<1x128xi32, #tpu.memory_space<vmem>> -> memref<128xi32, #tpu.memory_space<vmem>>
        %dma_start3A_162 = arith.constant 0 : i32
        %dma_start3A_163 = arith.constant 0 : i32
        %dma_start3A_164 = tpu.memref_slice %arg4[%dma_start3A_162, %dma_start3A_163] : memref<10240x32xf32, #tpu.memory_space<hbm>> -> memref<10240x32xf32, #tpu.memory_space<hbm>>
        tpu.enqueue_indirect_dma source(%dma_start3A_164 : memref<10240x32xf32, #tpu.memory_space<hbm>>) target(%dma_start3A_158 : memref<128x32xf32, #tpu.memory_space<vmem>>) offsets(%dma_start3A_161 : memref<128xi32, #tpu.memory_space<vmem>>) semaphore(%arg12 : memref<!tpu.dma_semaphore, #tpu.memory_space<semaphore_mem>>)
        %mul3A_165 = arith.constant 4 : i32
        %mul3A_166 = arith.muli %add3A_151, %mul3A_165 : i32
        %add3A_167 = arith.constant 1 : i32
        %add3A_168 = arith.addi %mul3A_166, %add3A_167 : i32
        %dma_start3A_169 = arith.constant 128 : i32
        %dma_start3A_170 = arith.constant 0 : i32
        %dma_start3A_171 = tpu.memref_slice %arg9[%dma_start3A_169, %dma_start3A_170] : memref<512x32xf32, #tpu.memory_space<vmem>> -> memref<128x32xf32, #tpu.memory_space<vmem>>
        %dma_start3A_172 = arith.constant 0 : i32
        %dma_start3A_173 = tpu.memref_slice %arg7[%add3A_168, %dma_start3A_172] : memref<80x128xi32, #tpu.memory_space<vmem>> -> memref<1x128xi32, #tpu.memory_space<vmem>>
        %dma_start3A_174 = tpu.memref_squeeze %dma_start3A_173 : memref<1x128xi32, #tpu.memory_space<vmem>> -> memref<128xi32, #tpu.memory_space<vmem>>
        %dma_start3A_175 = arith.constant 0 : i32
        %dma_start3A_176 = arith.constant 0 : i32
        %dma_start3A_177 = tpu.memref_slice %arg4[%dma_start3A_175, %dma_start3A_176] : memref<10240x32xf32, #tpu.memory_space<hbm>> -> memref<10240x32xf32, #tpu.memory_space<hbm>>
        tpu.enqueue_indirect_dma source(%dma_start3A_177 : memref<10240x32xf32, #tpu.memory_space<hbm>>) target(%dma_start3A_171 : memref<128x32xf32, #tpu.memory_space<vmem>>) offsets(%dma_start3A_174 : memref<128xi32, #tpu.memory_space<vmem>>) semaphore(%arg12 : memref<!tpu.dma_semaphore, #tpu.memory_space<semaphore_mem>>)
        %mul3A_178 = arith.constant 4 : i32
        %mul3A_179 = arith.muli %add3A_151, %mul3A_178 : i32
        %add3A_180 = arith.constant 2 : i32
        %add3A_181 = arith.addi %mul3A_179, %add3A_180 : i32
        %dma_start3A_182 = arith.constant 256 : i32
        %dma_start3A_183 = arith.constant 0 : i32
        %dma_start3A_184 = tpu.memref_slice %arg9[%dma_start3A_182, %dma_start3A_183] : memref<512x32xf32, #tpu.memory_space<vmem>> -> memref<128x32xf32, #tpu.memory_space<vmem>>
        %dma_start3A_185 = arith.constant 0 : i32
        %dma_start3A_186 = tpu.memref_slice %arg7[%add3A_181, %dma_start3A_185] : memref<80x128xi32, #tpu.memory_space<vmem>> -> memref<1x128xi32, #tpu.memory_space<vmem>>
        %dma_start3A_187 = tpu.memref_squeeze %dma_start3A_186 : memref<1x128xi32, #tpu.memory_space<vmem>> -> memref<128xi32, #tpu.memory_space<vmem>>
        %dma_start3A_188 = arith.constant 0 : i32
        %dma_start3A_189 = arith.constant 0 : i32
        %dma_start3A_190 = tpu.memref_slice %arg4[%dma_start3A_188, %dma_start3A_189] : memref<10240x32xf32, #tpu.memory_space<hbm>> -> memref<10240x32xf32, #tpu.memory_space<hbm>>
        tpu.enqueue_indirect_dma source(%dma_start3A_190 : memref<10240x32xf32, #tpu.memory_space<hbm>>) target(%dma_start3A_184 : memref<128x32xf32, #tpu.memory_space<vmem>>) offsets(%dma_start3A_187 : memref<128xi32, #tpu.memory_space<vmem>>) semaphore(%arg12 : memref<!tpu.dma_semaphore, #tpu.memory_space<semaphore_mem>>)
        %mul3A_191 = arith.constant 4 : i32
        %mul3A_192 = arith.muli %add3A_151, %mul3A_191 : i32
        %add3A_193 = arith.constant 3 : i32
        %add3A_194 = arith.addi %mul3A_192, %add3A_193 : i32
        %dma_start3A_195 = arith.constant 384 : i32
        %dma_start3A_196 = arith.constant 0 : i32
        %dma_start3A_197 = tpu.memref_slice %arg9[%dma_start3A_195, %dma_start3A_196] : memref<512x32xf32, #tpu.memory_space<vmem>> -> memref<128x32xf32, #tpu.memory_space<vmem>>
        %dma_start3A_198 = arith.constant 0 : i32
        %dma_start3A_199 = tpu.memref_slice %arg7[%add3A_194, %dma_start3A_198] : memref<80x128xi32, #tpu.memory_space<vmem>> -> memref<1x128xi32, #tpu.memory_space<vmem>>
        %dma_start3A_200 = tpu.memref_squeeze %dma_start3A_199 : memref<1x128xi32, #tpu.memory_space<vmem>> -> memref<128xi32, #tpu.memory_space<vmem>>
        %dma_start3A_201 = arith.constant 0 : i32
        %dma_start3A_202 = arith.constant 0 : i32
        %dma_start3A_203 = tpu.memref_slice %arg4[%dma_start3A_201, %dma_start3A_202] : memref<10240x32xf32, #tpu.memory_space<hbm>> -> memref<10240x32xf32, #tpu.memory_space<hbm>>
        tpu.enqueue_indirect_dma source(%dma_start3A_203 : memref<10240x32xf32, #tpu.memory_space<hbm>>) target(%dma_start3A_197 : memref<128x32xf32, #tpu.memory_space<vmem>>) offsets(%dma_start3A_200 : memref<128xi32, #tpu.memory_space<vmem>>) semaphore(%arg12 : memref<!tpu.dma_semaphore, #tpu.memory_space<semaphore_mem>>)
      } else {
      }
      tpu.wait_dma2 semaphore(%arg13 : memref<!tpu.dma_semaphore, #tpu.memory_space<semaphore_mem>>) src(%arg4 : memref<10240x32xf32, #tpu.memory_space<hbm>>) dst(%arg10 : memref<512x32xf32, #tpu.memory_space<vmem>>)
      %mul3A_133 = arith.constant 4 : i32
      %mul3A_134 = arith.muli %add3A_60, %mul3A_133 : i32
      %add3A_135 = arith.constant 0 : i32
      %add3A_136 = arith.addi %mul3A_134, %add3A_135 : i32
      "tpu.region"() ({
        %run_scoped3A = tpu.sem_alloc : memref<!tpu.dma_semaphore, #tpu.memory_space<semaphore_mem>>
        %dma_start3A_150 = arith.constant 0 : i32
        %dma_start3A_151 = arith.constant 0 : i32
        %dma_start3A_152 = tpu.memref_slice %arg10[%dma_start3A_150, %dma_start3A_151] : memref<512x32xf32, #tpu.memory_space<vmem>> -> memref<128x32xf32, #tpu.memory_space<vmem>>
        %dma_start3A_153 = arith.constant 0 : i32
        %dma_start3A_154 = tpu.memref_slice %arg8[%add3A_136, %dma_start3A_153] : memref<80x128xi32, #tpu.memory_space<vmem>> -> memref<1x128xi32, #tpu.memory_space<vmem>>
        %dma_start3A_155 = tpu.memref_squeeze %dma_start3A_154 : memref<1x128xi32, #tpu.memory_space<vmem>> -> memref<128xi32, #tpu.memory_space<vmem>>
        %dma_start3A_156 = arith.constant 0 : i32
        %dma_start3A_157 = arith.constant 0 : i32
        %dma_start3A_158 = tpu.memref_slice %arg11[%dma_start3A_156, %dma_start3A_157] : memref<10240x32xf32, #tpu.memory_space<vmem_shared>> -> memref<10240x32xf32, #tpu.memory_space<vmem_shared>>
        tpu.enqueue_indirect_dma source(%dma_start3A_152 : memref<128x32xf32, #tpu.memory_space<vmem>>) target(%dma_start3A_158 : memref<10240x32xf32, #tpu.memory_space<vmem_shared>>) offsets(%dma_start3A_155 : memref<128xi32, #tpu.memory_space<vmem>>) semaphore(%run_scoped3A : memref<!tpu.dma_semaphore, #tpu.memory_space<semaphore_mem>>) {add = true}
        %dma_wait3A = arith.constant 0 : i32
        %dma_wait3A_159 = arith.constant 0 : i32
        %dma_wait3A_160 = tpu.memref_slice %arg10[%dma_wait3A, %dma_wait3A_159] : memref<512x32xf32, #tpu.memory_space<vmem>> -> memref<128x32xf32, #tpu.memory_space<vmem>>
        %dma_wait3A_161 = arith.constant 0 : i32
        %dma_wait3A_162 = tpu.memref_slice %arg8[%add3A_136, %dma_wait3A_161] : memref<80x128xi32, #tpu.memory_space<vmem>> -> memref<1x128xi32, #tpu.memory_space<vmem>>
        %dma_wait3A_163 = tpu.memref_squeeze %dma_wait3A_162 : memref<1x128xi32, #tpu.memory_space<vmem>> -> memref<128xi32, #tpu.memory_space<vmem>>
        %dma_wait3A_164 = arith.constant 0 : i32
        %dma_wait3A_165 = arith.constant 0 : i32
        %dma_wait3A_166 = tpu.memref_slice %arg11[%dma_wait3A_164, %dma_wait3A_165] : memref<10240x32xf32, #tpu.memory_space<vmem_shared>> -> memref<10240x32xf32, #tpu.memory_space<vmem_shared>>
        tpu.wait_indirect_dma semaphore(%run_scoped3A : memref<!tpu.dma_semaphore, #tpu.memory_space<semaphore_mem>>) src(%dma_wait3A_160 : memref<128x32xf32, #tpu.memory_space<vmem>>) dst(%dma_wait3A_166 : memref<10240x32xf32, #tpu.memory_space<vmem_shared>>)
        tpu.yield
      }) : () -> ()
      %mul3A_137 = arith.constant 4 : i32
      %mul3A_138 = arith.muli %add3A_60, %mul3A_137 : i32
      %add3A_139 = arith.constant 1 : i32
      %add3A_140 = arith.addi %mul3A_138, %add3A_139 : i32
      "tpu.region"() ({
        %run_scoped3A = tpu.sem_alloc : memref<!tpu.dma_semaphore, #tpu.memory_space<semaphore_mem>>
        %dma_start3A_150 = arith.constant 128 : i32
        %dma_start3A_151 = arith.constant 0 : i32
        %dma_start3A_152 = tpu.memref_slice %arg10[%dma_start3A_150, %dma_start3A_151] : memref<512x32xf32, #tpu.memory_space<vmem>> -> memref<128x32xf32, #tpu.memory_space<vmem>>
        %dma_start3A_153 = arith.constant 0 : i32
        %dma_start3A_154 = tpu.memref_slice %arg8[%add3A_140, %dma_start3A_153] : memref<80x128xi32, #tpu.memory_space<vmem>> -> memref<1x128xi32, #tpu.memory_space<vmem>>
        %dma_start3A_155 = tpu.memref_squeeze %dma_start3A_154 : memref<1x128xi32, #tpu.memory_space<vmem>> -> memref<128xi32, #tpu.memory_space<vmem>>
        %dma_start3A_156 = arith.constant 0 : i32
        %dma_start3A_157 = arith.constant 0 : i32
        %dma_start3A_158 = tpu.memref_slice %arg11[%dma_start3A_156, %dma_start3A_157] : memref<10240x32xf32, #tpu.memory_space<vmem_shared>> -> memref<10240x32xf32, #tpu.memory_space<vmem_shared>>
        tpu.enqueue_indirect_dma source(%dma_start3A_152 : memref<128x32xf32, #tpu.memory_space<vmem>>) target(%dma_start3A_158 : memref<10240x32xf32, #tpu.memory_space<vmem_shared>>) offsets(%dma_start3A_155 : memref<128xi32, #tpu.memory_space<vmem>>) semaphore(%run_scoped3A : memref<!tpu.dma_semaphore, #tpu.memory_space<semaphore_mem>>) {add = true}
        %dma_wait3A = arith.constant 128 : i32
        %dma_wait3A_159 = arith.constant 0 : i32
        %dma_wait3A_160 = tpu.memref_slice %arg10[%dma_wait3A, %dma_wait3A_159] : memref<512x32xf32, #tpu.memory_space<vmem>> -> memref<128x32xf32, #tpu.memory_space<vmem>>
        %dma_wait3A_161 = arith.constant 0 : i32
        %dma_wait3A_162 = tpu.memref_slice %arg8[%add3A_140, %dma_wait3A_161] : memref<80x128xi32, #tpu.memory_space<vmem>> -> memref<1x128xi32, #tpu.memory_space<vmem>>
        %dma_wait3A_163 = tpu.memref_squeeze %dma_wait3A_162 : memref<1x128xi32, #tpu.memory_space<vmem>> -> memref<128xi32, #tpu.memory_space<vmem>>
        %dma_wait3A_164 = arith.constant 0 : i32
        %dma_wait3A_165 = arith.constant 0 : i32
        %dma_wait3A_166 = tpu.memref_slice %arg11[%dma_wait3A_164, %dma_wait3A_165] : memref<10240x32xf32, #tpu.memory_space<vmem_shared>> -> memref<10240x32xf32, #tpu.memory_space<vmem_shared>>
        tpu.wait_indirect_dma semaphore(%run_scoped3A : memref<!tpu.dma_semaphore, #tpu.memory_space<semaphore_mem>>) src(%dma_wait3A_160 : memref<128x32xf32, #tpu.memory_space<vmem>>) dst(%dma_wait3A_166 : memref<10240x32xf32, #tpu.memory_space<vmem_shared>>)
        tpu.yield
      }) : () -> ()
      %mul3A_141 = arith.constant 4 : i32
      %mul3A_142 = arith.muli %add3A_60, %mul3A_141 : i32
      %add3A_143 = arith.constant 2 : i32
      %add3A_144 = arith.addi %mul3A_142, %add3A_143 : i32
      "tpu.region"() ({
        %run_scoped3A = tpu.sem_alloc : memref<!tpu.dma_semaphore, #tpu.memory_space<semaphore_mem>>
        %dma_start3A_150 = arith.constant 256 : i32
        %dma_start3A_151 = arith.constant 0 : i32
        %dma_start3A_152 = tpu.memref_slice %arg10[%dma_start3A_150, %dma_start3A_151] : memref<512x32xf32, #tpu.memory_space<vmem>> -> memref<128x32xf32, #tpu.memory_space<vmem>>
        %dma_start3A_153 = arith.constant 0 : i32
        %dma_start3A_154 = tpu.memref_slice %arg8[%add3A_144, %dma_start3A_153] : memref<80x128xi32, #tpu.memory_space<vmem>> -> memref<1x128xi32, #tpu.memory_space<vmem>>
        %dma_start3A_155 = tpu.memref_squeeze %dma_start3A_154 : memref<1x128xi32, #tpu.memory_space<vmem>> -> memref<128xi32, #tpu.memory_space<vmem>>
        %dma_start3A_156 = arith.constant 0 : i32
        %dma_start3A_157 = arith.constant 0 : i32
        %dma_start3A_158 = tpu.memref_slice %arg11[%dma_start3A_156, %dma_start3A_157] : memref<10240x32xf32, #tpu.memory_space<vmem_shared>> -> memref<10240x32xf32, #tpu.memory_space<vmem_shared>>
        tpu.enqueue_indirect_dma source(%dma_start3A_152 : memref<128x32xf32, #tpu.memory_space<vmem>>) target(%dma_start3A_158 : memref<10240x32xf32, #tpu.memory_space<vmem_shared>>) offsets(%dma_start3A_155 : memref<128xi32, #tpu.memory_space<vmem>>) semaphore(%run_scoped3A : memref<!tpu.dma_semaphore, #tpu.memory_space<semaphore_mem>>) {add = true}
        %dma_wait3A = arith.constant 256 : i32
        %dma_wait3A_159 = arith.constant 0 : i32
        %dma_wait3A_160 = tpu.memref_slice %arg10[%dma_wait3A, %dma_wait3A_159] : memref<512x32xf32, #tpu.memory_space<vmem>> -> memref<128x32xf32, #tpu.memory_space<vmem>>
        %dma_wait3A_161 = arith.constant 0 : i32
        %dma_wait3A_162 = tpu.memref_slice %arg8[%add3A_144, %dma_wait3A_161] : memref<80x128xi32, #tpu.memory_space<vmem>> -> memref<1x128xi32, #tpu.memory_space<vmem>>
        %dma_wait3A_163 = tpu.memref_squeeze %dma_wait3A_162 : memref<1x128xi32, #tpu.memory_space<vmem>> -> memref<128xi32, #tpu.memory_space<vmem>>
        %dma_wait3A_164 = arith.constant 0 : i32
        %dma_wait3A_165 = arith.constant 0 : i32
        %dma_wait3A_166 = tpu.memref_slice %arg11[%dma_wait3A_164, %dma_wait3A_165] : memref<10240x32xf32, #tpu.memory_space<vmem_shared>> -> memref<10240x32xf32, #tpu.memory_space<vmem_shared>>
        tpu.wait_indirect_dma semaphore(%run_scoped3A : memref<!tpu.dma_semaphore, #tpu.memory_space<semaphore_mem>>) src(%dma_wait3A_160 : memref<128x32xf32, #tpu.memory_space<vmem>>) dst(%dma_wait3A_166 : memref<10240x32xf32, #tpu.memory_space<vmem_shared>>)
        tpu.yield
      }) : () -> ()
      %mul3A_145 = arith.constant 4 : i32
      %mul3A_146 = arith.muli %add3A_60, %mul3A_145 : i32
      %add3A_147 = arith.constant 3 : i32
      %add3A_148 = arith.addi %mul3A_146, %add3A_147 : i32
      "tpu.region"() ({
        %run_scoped3A = tpu.sem_alloc : memref<!tpu.dma_semaphore, #tpu.memory_space<semaphore_mem>>
        %dma_start3A_150 = arith.constant 384 : i32
        %dma_start3A_151 = arith.constant 0 : i32
        %dma_start3A_152 = tpu.memref_slice %arg10[%dma_start3A_150, %dma_start3A_151] : memref<512x32xf32, #tpu.memory_space<vmem>> -> memref<128x32xf32, #tpu.memory_space<vmem>>
        %dma_start3A_153 = arith.constant 0 : i32
        %dma_start3A_154 = tpu.memref_slice %arg8[%add3A_148, %dma_start3A_153] : memref<80x128xi32, #tpu.memory_space<vmem>> -> memref<1x128xi32, #tpu.memory_space<vmem>>
        %dma_start3A_155 = tpu.memref_squeeze %dma_start3A_154 : memref<1x128xi32, #tpu.memory_space<vmem>> -> memref<128xi32, #tpu.memory_space<vmem>>
        %dma_start3A_156 = arith.constant 0 : i32
        %dma_start3A_157 = arith.constant 0 : i32
        %dma_start3A_158 = tpu.memref_slice %arg11[%dma_start3A_156, %dma_start3A_157] : memref<10240x32xf32, #tpu.memory_space<vmem_shared>> -> memref<10240x32xf32, #tpu.memory_space<vmem_shared>>
        tpu.enqueue_indirect_dma source(%dma_start3A_152 : memref<128x32xf32, #tpu.memory_space<vmem>>) target(%dma_start3A_158 : memref<10240x32xf32, #tpu.memory_space<vmem_shared>>) offsets(%dma_start3A_155 : memref<128xi32, #tpu.memory_space<vmem>>) semaphore(%run_scoped3A : memref<!tpu.dma_semaphore, #tpu.memory_space<semaphore_mem>>) {add = true}
        %dma_wait3A = arith.constant 384 : i32
        %dma_wait3A_159 = arith.constant 0 : i32
        %dma_wait3A_160 = tpu.memref_slice %arg10[%dma_wait3A, %dma_wait3A_159] : memref<512x32xf32, #tpu.memory_space<vmem>> -> memref<128x32xf32, #tpu.memory_space<vmem>>
        %dma_wait3A_161 = arith.constant 0 : i32
        %dma_wait3A_162 = tpu.memref_slice %arg8[%add3A_148, %dma_wait3A_161] : memref<80x128xi32, #tpu.memory_space<vmem>> -> memref<1x128xi32, #tpu.memory_space<vmem>>
        %dma_wait3A_163 = tpu.memref_squeeze %dma_wait3A_162 : memref<1x128xi32, #tpu.memory_space<vmem>> -> memref<128xi32, #tpu.memory_space<vmem>>
        %dma_wait3A_164 = arith.constant 0 : i32
        %dma_wait3A_165 = arith.constant 0 : i32
        %dma_wait3A_166 = tpu.memref_slice %arg11[%dma_wait3A_164, %dma_wait3A_165] : memref<10240x32xf32, #tpu.memory_space<vmem_shared>> -> memref<10240x32xf32, #tpu.memory_space<vmem_shared>>
        tpu.wait_indirect_dma semaphore(%run_scoped3A : memref<!tpu.dma_semaphore, #tpu.memory_space<semaphore_mem>>) src(%dma_wait3A_160 : memref<128x32xf32, #tpu.memory_space<vmem>>) dst(%dma_wait3A_166 : memref<10240x32xf32, #tpu.memory_space<vmem_shared>>)
        tpu.yield
      }) : () -> ()
      %scan3A_149 = arith.constant 0 : i32
      scf.yield %scan3A_149 : i32
    }
    %scan3A_49 = arith.constant 10 : i32
    %barrier3A_50 = arith.constant 0 : index
    tpu.barrier barrier_id(%barrier3A_50)
    %mul3A_51 = arith.constant 640 : i32
    %mul3A_52 = arith.muli %arg1, %mul3A_51 : i32
    %mul3A_53 = arith.constant 640 : i32
    %mul3A_54 = arith.muli %arg1, %mul3A_53 : i32
    "tpu.region"() ({
      %run_scoped3A = tpu.sem_alloc : memref<!tpu.dma_semaphore, #tpu.memory_space<semaphore_mem>>
      %dma_start3A_55 = arith.constant 0 : i32
      %dma_start3A_56 = tpu.memref_slice %arg6[%arg0, %mul3A_54, %dma_start3A_55] : memref<2x10240x32xf32, #tpu.memory_space<hbm>> -> memref<1x640x32xf32, #tpu.memory_space<hbm>>
      %dma_start3A_57 = tpu.memref_squeeze %dma_start3A_56 : memref<1x640x32xf32, #tpu.memory_space<hbm>> -> memref<640x32xf32, #tpu.memory_space<hbm>>
      %dma_start3A_58 = arith.constant 0 : i32
      %dma_start3A_59 = tpu.memref_slice %arg11[%mul3A_52, %dma_start3A_58] : memref<10240x32xf32, #tpu.memory_space<vmem_shared>> -> memref<640x32xf32, #tpu.memory_space<vmem_shared>>
      tpu.enqueue_dma source(%dma_start3A_59 : memref<640x32xf32, #tpu.memory_space<vmem_shared>>) target(%dma_start3A_57 : memref<640x32xf32, #tpu.memory_space<hbm>>) target_semaphore(%run_scoped3A : memref<!tpu.dma_semaphore, #tpu.memory_space<semaphore_mem>>)
      %dma_wait3A = arith.constant 0 : i32
      %dma_wait3A_60 = tpu.memref_slice %arg6[%arg0, %mul3A_54, %dma_wait3A] : memref<2x10240x32xf32, #tpu.memory_space<hbm>> -> memref<1x640x32xf32, #tpu.memory_space<hbm>>
      %dma_wait3A_61 = tpu.memref_squeeze %dma_wait3A_60 : memref<1x640x32xf32, #tpu.memory_space<hbm>> -> memref<640x32xf32, #tpu.memory_space<hbm>>
      %dma_wait3A_62 = arith.constant 0 : i32
      %dma_wait3A_63 = tpu.memref_slice %arg11[%mul3A_52, %dma_wait3A_62] : memref<10240x32xf32, #tpu.memory_space<vmem_shared>> -> memref<640x32xf32, #tpu.memory_space<vmem_shared>>
      tpu.wait_dma2 semaphore(%run_scoped3A : memref<!tpu.dma_semaphore, #tpu.memory_space<semaphore_mem>>) src(%dma_wait3A_63 : memref<640x32xf32, #tpu.memory_space<vmem_shared>>) dst(%dma_wait3A_61 : memref<640x32xf32, #tpu.memory_space<hbm>>)
      tpu.yield
    }) : () -> ()
    return
  }
}

module attributes {stable_mosaic.version = 14 : i64} {
  func.func @_tc_y_body(%arg0: i32, %arg1: memref<1280x128xf32, #tpu.memory_space<vmem>>, %arg2: memref<128x32xf32, #tpu.memory_space<vmem>>, %arg3: memref<2x1280x32xf32, #tpu.memory_space<vmem>>, %arg4: memref<1280x32xf32, #tpu.memory_space<vmem>>) attributes {dimension_semantics = [#tpu.dimension_semantics<arbitrary>], iteration_bounds = array<i64: 8>, scalar_prefetch = 0 : i64, scratch_operands = 0 : i64, tpu.core_type = #tpu.core_type<tc>, window_params = [{transform_indices = @transform_0, window_bounds = array<i64: 1280, 128>}, {pipeline_mode = #tpu.pipeline_mode<synchronous>, transform_indices = @transform_1, window_bounds = array<i64: 128, 32>}, {transform_indices = @transform_2, window_bounds = array<i64: 2, 1280, 32>}, {transform_indices = @transform_3, window_bounds = array<i64: 1280, 32>}]} {
    %get3A = arith.constant 0 : index
    %get3A_0 = arith.constant 0 : index
    %get3A_1 = arith.constant 0 : index
    %get3A_2 = vector.load %arg3[%get3A, %get3A_0, %get3A_1] : memref<2x1280x32xf32, #tpu.memory_space<vmem>>, vector<1x1280x1xf32>
    %get3A_3 = vector.shape_cast %get3A_2 : vector<1x1280x1xf32> to vector<1280x1xf32>
    %get3A_4 = arith.constant 1 : index
    %get3A_5 = arith.constant 0 : index
    %get3A_6 = arith.constant 0 : index
    %get3A_7 = vector.load %arg3[%get3A_4, %get3A_5, %get3A_6] : memref<2x1280x32xf32, #tpu.memory_space<vmem>>, vector<1x1280x1xf32>
    %get3A_8 = vector.shape_cast %get3A_7 : vector<1x1280x1xf32> to vector<1280x1xf32>
    %add3A = arith.addf %get3A_3, %get3A_8 : vector<1280x1xf32>
    %add3A_9 = arith.constant 1.000000e+00 : f32
    %add3A_10 = vector.broadcast %add3A_9 : f32 to vector<1280x1xf32>
    %add3A_11 = arith.addf %add3A, %add3A_10 : vector<1280x1xf32>
    %rsqrt3A = math.rsqrt %add3A_11 : vector<1280x1xf32>
    %get3A_12 = arith.constant 0 : index
    %get3A_13 = arith.constant 0 : index
    %get3A_14 = vector.load %arg1[%get3A_12, %get3A_13] : memref<1280x128xf32, #tpu.memory_space<vmem>>, vector<1280x128xf32>
    %get3A_15 = arith.constant 0 : index
    %get3A_16 = arith.constant 0 : index
    %get3A_17 = vector.load %arg2[%get3A_15, %get3A_16] : memref<128x32xf32, #tpu.memory_space<vmem>>, vector<128x32xf32>
    %dot_general3A = arith.constant dense<0.000000e+00> : vector<1280x32xf32>
    %dot_general3A_18 = tpu.matmul %get3A_14, %get3A_17, %dot_general3A {dimension_numbers = #tpu.dot_dimension_numbers<[1], [0], [0], [1], [0, 0, 1, 1], [], []>, transpose_lhs_hint = false} : vector<1280x128xf32>, vector<128x32xf32>, vector<1280x32xf32> -> vector<1280x32xf32>
    %mul3A = vector.broadcast %rsqrt3A : vector<1280x1xf32> to vector<1280x32xf32>
    %mul3A_19 = arith.mulf %dot_general3A_18, %mul3A : vector<1280x32xf32>
    %swap3A = arith.constant 0 : index
    %swap3A_20 = arith.constant 0 : index
    %swap3A_21 = vector.load %arg4[%swap3A, %swap3A_20] : memref<1280x32xf32, #tpu.memory_space<vmem>>, vector<1280x32xf32>
    tpu.vector_store %arg4[%swap3A, %swap3A_20], %mul3A_19 {strides = array<i32>} : memref<1280x32xf32, #tpu.memory_space<vmem>>, vector<1280x32xf32>,
    return
  }
  func.func @transform_0(%arg0: i32) -> (i32, i32) {
    %c0_i32 = arith.constant 0 : i32
    %c0_i32_0 = arith.constant 0 : i32
    return %arg0, %c0_i32 : i32, i32
  }
  func.func @transform_1(%arg0: i32) -> (i32, i32) {
    %c0_i32 = arith.constant 0 : i32
    %c0_i32_0 = arith.constant 0 : i32
    %c0_i32_1 = arith.constant 0 : i32
    return %c0_i32, %c0_i32_0 : i32, i32
  }
  func.func @transform_2(%arg0: i32) -> (i32, i32, i32) {
    %c0_i32 = arith.constant 0 : i32
    %c0_i32_0 = arith.constant 0 : i32
    %c0_i32_1 = arith.constant 0 : i32
    return %c0_i32, %arg0, %c0_i32_0 : i32, i32, i32
  }
  func.func @transform_3(%arg0: i32) -> (i32, i32) {
    %c0_i32 = arith.constant 0 : i32
    %c0_i32_0 = arith.constant 0 : i32
    return %arg0, %c0_i32 : i32, i32
  }
}

module attributes {stable_mosaic.version = 14 : i64} {
  func.func @_tc_x1_body(%arg0: i32, %arg1: memref<1xi32, #tpu.memory_space<smem>>, %arg2: memref<2x1280x32xf32, #tpu.memory_space<vmem>>, %arg3: memref<2x1280x32xf32, #tpu.memory_space<vmem>>, %arg4: memref<1280x32xf32, #tpu.memory_space<vmem>>, %arg5: memref<1x32xf32, #tpu.memory_space<vmem>>, %arg6: memref<32x64xf32, #tpu.memory_space<vmem>>, %arg7: memref<1x64xf32, #tpu.memory_space<vmem>>, %arg8: memref<1280x32xf32, #tpu.memory_space<vmem>>, %arg9: memref<1x64xf32, #tpu.memory_space<vmem>>) attributes {dimension_semantics = [#tpu.dimension_semantics<arbitrary>], iteration_bounds = array<i64: 8>, scalar_prefetch = 1 : i64, scratch_operands = 0 : i64, tpu.core_type = #tpu.core_type<tc>, window_params = [{transform_indices = @transform_0, window_bounds = array<i64: 2, 1280, 32>}, {transform_indices = @transform_1, window_bounds = array<i64: 2, 1280, 32>}, {transform_indices = @transform_2, window_bounds = array<i64: 1280, 32>}, {pipeline_mode = #tpu.pipeline_mode<synchronous>, transform_indices = @transform_3, window_bounds = array<i64: 1, 32>}, {pipeline_mode = #tpu.pipeline_mode<synchronous>, transform_indices = @transform_4, window_bounds = array<i64: 32, 64>}, {pipeline_mode = #tpu.pipeline_mode<synchronous>, transform_indices = @transform_5, window_bounds = array<i64: 1, 64>}, {transform_indices = @transform_6, window_bounds = array<i64: 1280, 32>}, {pipeline_mode = #tpu.pipeline_mode<synchronous>, transform_indices = @transform_7, window_bounds = array<i64: 1, 64>}]} {
    %get3A = arith.constant 0 : index
    %get3A_0 = memref.load %arg1[%get3A] : memref<1xi32, #tpu.memory_space<smem>>
    %get3A_1 = arith.constant 0 : index
    %get3A_2 = arith.constant 0 : index
    %get3A_3 = arith.constant 0 : index
    %get3A_4 = vector.load %arg2[%get3A_1, %get3A_2, %get3A_3] : memref<2x1280x32xf32, #tpu.memory_space<vmem>>, vector<1x1280x1xf32>
    %get3A_5 = vector.shape_cast %get3A_4 : vector<1x1280x1xf32> to vector<1280x1xf32>
    %get3A_6 = arith.constant 1 : index
    %get3A_7 = arith.constant 0 : index
    %get3A_8 = arith.constant 0 : index
    %get3A_9 = vector.load %arg2[%get3A_6, %get3A_7, %get3A_8] : memref<2x1280x32xf32, #tpu.memory_space<vmem>>, vector<1x1280x1xf32>
    %get3A_10 = vector.shape_cast %get3A_9 : vector<1x1280x1xf32> to vector<1280x1xf32>
    %add3A = arith.addf %get3A_5, %get3A_10 : vector<1280x1xf32>
    %add3A_11 = arith.constant 1.000000e+00 : f32
    %add3A_12 = vector.broadcast %add3A_11 : f32 to vector<1280x1xf32>
    %add3A_13 = arith.addf %add3A, %add3A_12 : vector<1280x1xf32>
    %rsqrt3A = math.rsqrt %add3A_13 : vector<1280x1xf32>
    %get3A_14 = arith.constant 0 : index
    %get3A_15 = arith.constant 0 : index
    %get3A_16 = arith.constant 0 : index
    %get3A_17 = vector.load %arg3[%get3A_14, %get3A_15, %get3A_16] : memref<2x1280x32xf32, #tpu.memory_space<vmem>>, vector<1x1280x32xf32>
    %get3A_18 = vector.shape_cast %get3A_17 : vector<1x1280x32xf32> to vector<1280x32xf32>
    %get3A_19 = arith.constant 1 : index
    %get3A_20 = arith.constant 0 : index
    %get3A_21 = arith.constant 0 : index
    %get3A_22 = vector.load %arg3[%get3A_19, %get3A_20, %get3A_21] : memref<2x1280x32xf32, #tpu.memory_space<vmem>>, vector<1x1280x32xf32>
    %get3A_23 = vector.shape_cast %get3A_22 : vector<1x1280x32xf32> to vector<1280x32xf32>
    %add3A_24 = arith.addf %get3A_18, %get3A_23 : vector<1280x32xf32>
    %get3A_25 = arith.constant 0 : index
    %get3A_26 = arith.constant 0 : index
    %get3A_27 = vector.load %arg4[%get3A_25, %get3A_26] : memref<1280x32xf32, #tpu.memory_space<vmem>>, vector<1280x32xf32>
    %add3A_28 = arith.addf %add3A_24, %get3A_27 : vector<1280x32xf32>
    %mul3A = vector.broadcast %rsqrt3A : vector<1280x1xf32> to vector<1280x32xf32>
    %mul3A_29 = arith.mulf %mul3A, %add3A_28 : vector<1280x32xf32>
    %get3A_30 = arith.constant 0 : index
    %get3A_31 = arith.constant 0 : index
    %get3A_32 = vector.load %arg5[%get3A_30, %get3A_31] : memref<1x32xf32, #tpu.memory_space<vmem>>, vector<1x32xf32>
    %add3A_33 = vector.broadcast %get3A_32 : vector<1x32xf32> to vector<1280x32xf32>
    %add3A_34 = arith.addf %mul3A_29, %add3A_33 : vector<1280x32xf32>
    %max3A = arith.constant 0.000000e+00 : f32
    %max3A_35 = vector.broadcast %max3A : f32 to vector<1280x32xf32>
    %max3A_36 = arith.maximumf %add3A_34, %max3A_35 : vector<1280x32xf32>
    %swap3A = arith.constant 0 : index
    %swap3A_37 = arith.constant 0 : index
    %swap3A_38 = vector.load %arg8[%swap3A, %swap3A_37] : memref<1280x32xf32, #tpu.memory_space<vmem>>, vector<1280x32xf32>
    tpu.vector_store %arg8[%swap3A, %swap3A_37], %max3A_36 {strides = array<i32>} : memref<1280x32xf32, #tpu.memory_space<vmem>>, vector<1280x32xf32>,
    %get3A_39 = arith.constant 0 : index
    %get3A_40 = arith.constant 0 : index
    %get3A_41 = vector.load %arg6[%get3A_39, %get3A_40] : memref<32x64xf32, #tpu.memory_space<vmem>>, vector<32x64xf32>
    %dot_general3A = arith.constant dense<0.000000e+00> : vector<1280x64xf32>
    %dot_general3A_42 = tpu.matmul %max3A_36, %get3A_41, %dot_general3A {dimension_numbers = #tpu.dot_dimension_numbers<[1], [0], [0], [1], [0, 0, 1, 1], [], []>, transpose_lhs_hint = false} : vector<1280x32xf32>, vector<32x64xf32>, vector<1280x64xf32> -> vector<1280x64xf32>
    %jit3A = arith.constant 1280 : i32
    %div3A = arith.divsi %get3A_0, %jit3A : i32
    %sign3A = arith.constant 0 : i32
    %sign3A_43 = arith.cmpi sgt, %get3A_0, %sign3A : i32
    %sign3A_44 = arith.extui %sign3A_43 : i1 to i32
    %sign3A_45 = arith.constant 0 : i32
    %sign3A_46 = arith.cmpi slt, %get3A_0, %sign3A_45 : i32
    %sign3A_47 = arith.extui %sign3A_46 : i1 to i32
    %sign3A_48 = arith.subi %sign3A_44, %sign3A_47 : i32
    %sign3A_49 = arith.constant 0 : i32
    %sign3A_50 = arith.cmpi sgt, %jit3A, %sign3A_49 : i32
    %sign3A_51 = arith.extui %sign3A_50 : i1 to i32
    %sign3A_52 = arith.constant 0 : i32
    %sign3A_53 = arith.cmpi slt, %jit3A, %sign3A_52 : i32
    %sign3A_54 = arith.extui %sign3A_53 : i1 to i32
    %sign3A_55 = arith.subi %sign3A_51, %sign3A_54 : i32
    %ne3A = arith.cmpi ne, %sign3A_48, %sign3A_55 : i32
    %rem3A = arith.remsi %get3A_0, %jit3A : i32
    %ne3A_56 = arith.constant 0 : i32
    %ne3A_57 = arith.cmpi ne, %rem3A, %ne3A_56 : i32
    %and3A = arith.andi %ne3A, %ne3A_57 : i1
    %sub3A = arith.constant 1 : i32
    %sub3A_58 = arith.subi %div3A, %sub3A : i32
    %select_n3A = arith.select %and3A, %sub3A_58, %div3A : i32
    %eq3A = arith.cmpi eq, %arg0, %select_n3A : i32
    %convert_element_type3A = arith.extui %eq3A : i1 to i32
    %cond3A = arith.constant 0 : i32
    %cond3A_59 = arith.cmpi ne, %convert_element_type3A, %cond3A : i32
    scf.if %cond3A_59 {
      %jit3A_60 = arith.constant 1280 : i32
      %div3A_61 = arith.divsi %get3A_0, %jit3A_60 : i32
      %sign3A_62 = arith.constant 0 : i32
      %sign3A_63 = arith.cmpi sgt, %get3A_0, %sign3A_62 : i32
      %sign3A_64 = arith.extui %sign3A_63 : i1 to i32
      %sign3A_65 = arith.constant 0 : i32
      %sign3A_66 = arith.cmpi slt, %get3A_0, %sign3A_65 : i32
      %sign3A_67 = arith.extui %sign3A_66 : i1 to i32
      %sign3A_68 = arith.subi %sign3A_64, %sign3A_67 : i32
      %sign3A_69 = arith.constant 0 : i32
      %sign3A_70 = arith.cmpi sgt, %jit3A_60, %sign3A_69 : i32
      %sign3A_71 = arith.extui %sign3A_70 : i1 to i32
      %sign3A_72 = arith.constant 0 : i32
      %sign3A_73 = arith.cmpi slt, %jit3A_60, %sign3A_72 : i32
      %sign3A_74 = arith.extui %sign3A_73 : i1 to i32
      %sign3A_75 = arith.subi %sign3A_71, %sign3A_74 : i32
      %ne3A_76 = arith.cmpi ne, %sign3A_68, %sign3A_75 : i32
      %rem3A_77 = arith.remsi %get3A_0, %jit3A_60 : i32
      %ne3A_78 = arith.constant 0 : i32
      %ne3A_79 = arith.cmpi ne, %rem3A_77, %ne3A_78 : i32
      %and3A_80 = arith.andi %ne3A_76, %ne3A_79 : i1
      %sub3A_81 = arith.constant 1 : i32
      %sub3A_82 = arith.subi %div3A_61, %sub3A_81 : i32
      %select_n3A_83 = arith.select %and3A_80, %sub3A_82, %div3A_61 : i32
      %mul3A_84 = arith.constant 1280 : i32
      %mul3A_85 = arith.muli %select_n3A_83, %mul3A_84 : i32
      %sub3A_86 = arith.subi %get3A_0, %mul3A_85 : i32
      %iota3A = tpu.iota {dimensions = array<i32: 0>} : vector<1280x1xi32>
      %eq3A_87 = vector.broadcast %sub3A_86 : i32 to vector<1280x1xi32>
      %eq3A_88 = arith.cmpi eq, %iota3A, %eq3A_87 : vector<1280x1xi32>
      %jit3A_89 = arith.constant 1.000000e+00 : f32
      %jit3A_90 = arith.constant 0.000000e+00 : f32
      %broadcast_in_dim3A = vector.broadcast %jit3A_89 : f32 to vector<1280x1xf32>
      %broadcast_in_dim3A_91 = vector.broadcast %jit3A_90 : f32 to vector<1280x1xf32>
      %select_n3A_92 = arith.select %eq3A_88, %broadcast_in_dim3A, %broadcast_in_dim3A_91 : vector<1280x1xi1>, vector<1280x1xf32>
      %mul3A_93 = vector.broadcast %select_n3A_92 : vector<1280x1xf32> to vector<1280x64xf32>
      %mul3A_94 = arith.mulf %dot_general3A_42, %mul3A_93 : vector<1280x64xf32>
      %reduce_sum3A = arith.constant dense<0.000000e+00> : vector<64xf32>
      %reduce_sum3A_95 = vector.multi_reduction <add>, %mul3A_94, %reduce_sum3A [0] : vector<1280x64xf32> to vector<64xf32>
      %broadcast_in_dim3A_96 = vector.shape_cast %reduce_sum3A_95 : vector<64xf32> to vector<1x64xf32>
      %get3A_97 = arith.constant 0 : index
      %get3A_98 = arith.constant 0 : index
      %get3A_99 = vector.load %arg7[%get3A_97, %get3A_98] : memref<1x64xf32, #tpu.memory_space<vmem>>, vector<1x64xf32>
      %add3A_100 = arith.addf %broadcast_in_dim3A_96, %get3A_99 : vector<1x64xf32>
      %swap3A_101 = arith.constant 0 : index
      %swap3A_102 = arith.constant 0 : index
      %swap3A_103 = vector.load %arg9[%swap3A_101, %swap3A_102] : memref<1x64xf32, #tpu.memory_space<vmem>>, vector<1x64xf32>
      tpu.vector_store %arg9[%swap3A_101, %swap3A_102], %add3A_100 {strides = array<i32>} : memref<1x64xf32, #tpu.memory_space<vmem>>, vector<1x64xf32>,
    } else {
    }
    return
  }
  func.func @transform_0(%arg0: i32, %arg1: memref<1xi32, #tpu.memory_space<smem>>) -> (i32, i32, i32) {
    %c0_i32 = arith.constant 0 : i32
    %c0_i32_0 = arith.constant 0 : i32
    %c0_i32_1 = arith.constant 0 : i32
    return %c0_i32, %arg0, %c0_i32_0 : i32, i32, i32
  }
  func.func @transform_1(%arg0: i32, %arg1: memref<1xi32, #tpu.memory_space<smem>>) -> (i32, i32, i32) {
    %c0_i32 = arith.constant 0 : i32
    %c0_i32_0 = arith.constant 0 : i32
    %c0_i32_1 = arith.constant 0 : i32
    return %c0_i32, %arg0, %c0_i32_0 : i32, i32, i32
  }
  func.func @transform_2(%arg0: i32, %arg1: memref<1xi32, #tpu.memory_space<smem>>) -> (i32, i32) {
    %c0_i32 = arith.constant 0 : i32
    %c0_i32_0 = arith.constant 0 : i32
    return %arg0, %c0_i32 : i32, i32
  }
  func.func @transform_3(%arg0: i32, %arg1: memref<1xi32, #tpu.memory_space<smem>>) -> (i32, i32) {
    %c0_i32 = arith.constant 0 : i32
    %c0_i32_0 = arith.constant 0 : i32
    %c0_i32_1 = arith.constant 0 : i32
    return %c0_i32, %c0_i32_0 : i32, i32
  }
  func.func @transform_4(%arg0: i32, %arg1: memref<1xi32, #tpu.memory_space<smem>>) -> (i32, i32) {
    %c0_i32 = arith.constant 0 : i32
    %c0_i32_0 = arith.constant 0 : i32
    %c0_i32_1 = arith.constant 0 : i32
    return %c0_i32, %c0_i32_0 : i32, i32
  }
  func.func @transform_5(%arg0: i32, %arg1: memref<1xi32, #tpu.memory_space<smem>>) -> (i32, i32) {
    %c0_i32 = arith.constant 0 : i32
    %c0_i32_0 = arith.constant 0 : i32
    %c0_i32_1 = arith.constant 0 : i32
    return %c0_i32, %c0_i32_0 : i32, i32
  }
  func.func @transform_6(%arg0: i32, %arg1: memref<1xi32, #tpu.memory_space<smem>>) -> (i32, i32) {
    %c0_i32 = arith.constant 0 : i32
    %c0_i32_0 = arith.constant 0 : i32
    return %arg0, %c0_i32 : i32, i32
  }
  func.func @transform_7(%arg0: i32, %arg1: memref<1xi32, #tpu.memory_space<smem>>) -> (i32, i32) {
    %c0_i32 = arith.constant 0 : i32
    %c0_i32_0 = arith.constant 0 : i32
    %c0_i32_1 = arith.constant 0 : i32
    return %c0_i32, %c0_i32_0 : i32, i32
  }
}

module attributes {stable_mosaic.version = 14 : i64} {
  func.func @_tc_dec_body(%arg0: i32, %arg1: memref<512x128xf32, #tpu.memory_space<vmem>>, %arg2: memref<512x128xf32, #tpu.memory_space<vmem>>, %arg3: memref<1x64xf32, #tpu.memory_space<vmem>>, %arg4: memref<128x256xf32, #tpu.memory_space<vmem>>, %arg5: memref<128x256xf32, #tpu.memory_space<vmem>>, %arg6: memref<4x256xf32, #tpu.memory_space<vmem>>, %arg7: memref<1x1xf32, #tpu.memory_space<vmem>>, %arg8: memref<4x512xf32, #tpu.memory_space<vmem>>, %arg9: memref<4x512xf32, #tpu.memory_space<vmem>>) attributes {dimension_semantics = [#tpu.dimension_semantics<arbitrary>], iteration_bounds = array<i64: 160>, scalar_prefetch = 0 : i64, scratch_operands = 0 : i64, tpu.core_type = #tpu.core_type<tc>, window_params = [{transform_indices = @transform_0, window_bounds = array<i64: 512, 128>}, {transform_indices = @transform_1, window_bounds = array<i64: 512, 128>}, {pipeline_mode = #tpu.pipeline_mode<synchronous>, transform_indices = @transform_2, window_bounds = array<i64: 1, 64>}, {pipeline_mode = #tpu.pipeline_mode<synchronous>, transform_indices = @transform_3, window_bounds = array<i64: 128, 256>}, {pipeline_mode = #tpu.pipeline_mode<synchronous>, transform_indices = @transform_4, window_bounds = array<i64: 128, 256>}, {pipeline_mode = #tpu.pipeline_mode<synchronous>, transform_indices = @transform_5, window_bounds = array<i64: 4, 256>}, {pipeline_mode = #tpu.pipeline_mode<synchronous>, transform_indices = @transform_6, window_bounds = array<i64: 1, 1>}, {transform_indices = @transform_7, window_bounds = array<i64: 4, 512>}, {transform_indices = @transform_8, window_bounds = array<i64: 4, 512>}]} {
    %get3A = arith.constant 0 : index
    %get3A_0 = arith.constant 0 : index
    %get3A_1 = vector.load %arg3[%get3A, %get3A_0] : memref<1x64xf32, #tpu.memory_space<vmem>>, vector<1x64xf32>
    %concatenate3A = tpu.concatenate %get3A_1, %get3A_1, %get3A_1, %get3A_1 in 1 : vector<1x64xf32>, vector<1x64xf32>, vector<1x64xf32>, vector<1x64xf32> -> vector<1x256xf32>
    %get3A_2 = arith.constant 0 : index
    %get3A_3 = arith.constant 0 : index
    %get3A_4 = vector.load %arg1[%get3A_2, %get3A_3] : memref<512x128xf32, #tpu.memory_space<vmem>>, vector<512x128xf32>
    %get3A_5 = arith.constant 0 : index
    %get3A_6 = arith.constant 0 : index
    %get3A_7 = vector.load %arg4[%get3A_5, %get3A_6] : memref<128x256xf32, #tpu.memory_space<vmem>>, vector<128x256xf32>
    %dot_general3A = arith.constant dense<0.000000e+00> : vector<512x256xf32>
    %dot_general3A_8 = tpu.matmul %get3A_4, %get3A_7, %dot_general3A {dimension_numbers = #tpu.dot_dimension_numbers<[1], [0], [0], [1], [0, 0, 1, 1], [], []>, transpose_lhs_hint = false} : vector<512x128xf32>, vector<128x256xf32>, vector<512x256xf32> -> vector<512x256xf32>
    %get3A_9 = arith.constant 0 : index
    %get3A_10 = arith.constant 0 : index
    %get3A_11 = vector.load %arg2[%get3A_9, %get3A_10] : memref<512x128xf32, #tpu.memory_space<vmem>>, vector<512x128xf32>
    %get3A_12 = arith.constant 0 : index
    %get3A_13 = arith.constant 0 : index
    %get3A_14 = vector.load %arg5[%get3A_12, %get3A_13] : memref<128x256xf32, #tpu.memory_space<vmem>>, vector<128x256xf32>
    %dot_general3A_15 = arith.constant dense<0.000000e+00> : vector<512x256xf32>
    %dot_general3A_16 = tpu.matmul %get3A_11, %get3A_14, %dot_general3A_15 {dimension_numbers = #tpu.dot_dimension_numbers<[1], [0], [0], [1], [0, 0, 1, 1], [], []>, transpose_lhs_hint = false} : vector<512x128xf32>, vector<128x256xf32>, vector<512x256xf32> -> vector<512x256xf32>
    %add3A = arith.addf %dot_general3A_8, %dot_general3A_16 : vector<512x256xf32>
    %add3A_17 = vector.broadcast %concatenate3A : vector<1x256xf32> to vector<512x256xf32>
    %add3A_18 = arith.addf %add3A, %add3A_17 : vector<512x256xf32>
    %max3A = arith.constant 0.000000e+00 : f32
    %max3A_19 = vector.broadcast %max3A : f32 to vector<512x256xf32>
    %max3A_20 = arith.maximumf %add3A_18, %max3A_19 : vector<512x256xf32>
    %get3A_21 = arith.constant 0 : index
    %get3A_22 = arith.constant 0 : index
    %get3A_23 = vector.load %arg6[%get3A_21, %get3A_22] : memref<4x256xf32, #tpu.memory_space<vmem>>, vector<4x256xf32>
    %dot_general3A_24 = arith.constant dense<0.000000e+00> : vector<4x512xf32>
    %dot_general3A_25 = tpu.matmul %get3A_23, %max3A_20, %dot_general3A_24 {dimension_numbers = #tpu.dot_dimension_numbers<[1], [1], [0], [0], [0, 0, 1, 0], [], []>, transpose_lhs_hint = false} : vector<4x256xf32>, vector<512x256xf32>, vector<4x512xf32> -> vector<4x512xf32>
    %get3A_26 = arith.constant 0 : index
    %get3A_27 = arith.constant 0 : index
    %get3A_28 = vector.load %arg7[%get3A_26, %get3A_27] : memref<1x1xf32, #tpu.memory_space<vmem>>, vector<1x1xf32>
    %get3A_29 = vector.extract %get3A_28[0, 0] : f32 from vector<1x1xf32>
    %add3A_30 = vector.broadcast %get3A_29 : f32 to vector<4x512xf32>
    %add3A_31 = arith.addf %dot_general3A_25, %add3A_30 : vector<4x512xf32>
    %get3A_32 = arith.constant 0 : index
    %get3A_33 = arith.constant 0 : index
    %get3A_34 = vector.load %arg8[%get3A_32, %get3A_33] : memref<4x512xf32, #tpu.memory_space<vmem>>, vector<4x512xf32>
    %mul3A = arith.constant -9.998000e-01 : f32
    %mul3A_35 = vector.broadcast %mul3A : f32 to vector<4x512xf32>
    %mul3A_36 = arith.mulf %mul3A_35, %get3A_34 : vector<4x512xf32>
    %add3A_37 = arith.constant 0.999899983 : f32
    %add3A_38 = vector.broadcast %add3A_37 : f32 to vector<4x512xf32>
    %add3A_39 = arith.addf %mul3A_36, %add3A_38 : vector<4x512xf32>
    %log3A = math.log %add3A_39 : vector<4x512xf32>
    %sub3A = arith.constant 1.000000e+00 : f32
    %sub3A_40 = vector.broadcast %sub3A : f32 to vector<4x512xf32>
    %sub3A_41 = arith.subf %sub3A_40, %add3A_39 : vector<4x512xf32>
    %log3A_42 = math.log %sub3A_41 : vector<4x512xf32>
    %sub3A_43 = arith.subf %log3A, %log3A_42 : vector<4x512xf32>
    %add3A_44 = arith.addf %sub3A_43, %add3A_31 : vector<4x512xf32>
    %logistic3A = arith.negf %add3A_44 : vector<4x512xf32>
    %logistic3A_45 = math.exp %logistic3A : vector<4x512xf32>
    %logistic3A_46 = arith.constant 1.000000e+00 : f32
    %logistic3A_47 = vector.broadcast %logistic3A_46 : f32 to vector<4x512xf32>
    %logistic3A_48 = arith.addf %logistic3A_47, %logistic3A_45 : vector<4x512xf32>
    %logistic3A_49 = arith.divf %logistic3A_47, %logistic3A_48 : vector<4x512xf32>
    %swap3A = arith.constant 0 : index
    %swap3A_50 = arith.constant 0 : index
    %swap3A_51 = vector.load %arg9[%swap3A, %swap3A_50] : memref<4x512xf32, #tpu.memory_space<vmem>>, vector<4x512xf32>
    tpu.vector_store %arg9[%swap3A, %swap3A_50], %logistic3A_49 {strides = array<i32>} : memref<4x512xf32, #tpu.memory_space<vmem>>, vector<4x512xf32>,
    return
  }
  func.func @transform_0(%arg0: i32) -> (i32, i32) {
    %c0_i32 = arith.constant 0 : i32
    %c0_i32_0 = arith.constant 0 : i32
    return %arg0, %c0_i32 : i32, i32
  }
  func.func @transform_1(%arg0: i32) -> (i32, i32) {
    %c0_i32 = arith.constant 0 : i32
    %c0_i32_0 = arith.constant 0 : i32
    return %arg0, %c0_i32 : i32, i32
  }
  func.func @transform_2(%arg0: i32) -> (i32, i32) {
    %c0_i32 = arith.constant 0 : i32
    %c0_i32_0 = arith.constant 0 : i32
    %c0_i32_1 = arith.constant 0 : i32
    return %c0_i32, %c0_i32_0 : i32, i32
  }
  func.func @transform_3(%arg0: i32) -> (i32, i32) {
    %c0_i32 = arith.constant 0 : i32
    %c0_i32_0 = arith.constant 0 : i32
    %c0_i32_1 = arith.constant 0 : i32
    return %c0_i32, %c0_i32_0 : i32, i32
  }
  func.func @transform_4(%arg0: i32) -> (i32, i32) {
    %c0_i32 = arith.constant 0 : i32
    %c0_i32_0 = arith.constant 0 : i32
    %c0_i32_1 = arith.constant 0 : i32
    return %c0_i32, %c0_i32_0 : i32, i32
  }
  func.func @transform_5(%arg0: i32) -> (i32, i32) {
    %c0_i32 = arith.constant 0 : i32
    %c0_i32_0 = arith.constant 0 : i32
    %c0_i32_1 = arith.constant 0 : i32
    return %c0_i32, %c0_i32_0 : i32, i32
  }
  func.func @transform_6(%arg0: i32) -> (i32, i32) {
    %c0_i32 = arith.constant 0 : i32
    %c0_i32_0 = arith.constant 0 : i32
    %c0_i32_1 = arith.constant 0 : i32
    return %c0_i32, %c0_i32_0 : i32, i32
  }
  func.func @transform_7(%arg0: i32) -> (i32, i32) {
    %c0_i32 = arith.constant 0 : i32
    %c0_i32_0 = arith.constant 0 : i32
    return %c0_i32, %arg0 : i32, i32
  }
  func.func @transform_8(%arg0: i32) -> (i32, i32) {
    %c0_i32 = arith.constant 0 : i32
    %c0_i32_0 = arith.constant 0 : i32
    return %c0_i32, %arg0 : i32, i32
  }
}

</mosaic_0001>

<sc_bundles>
// kernel: kernel.11.cloned.1.call-start
scs
__scs_entry_jumppad:
0x0: {  	(pc) =	sbr.rel $0x88, $3  }
0x1: {  	(tag) =	ssettag $0x0;
	lr =	simm.s32 $0x1  }
0x2: {  	[smem:$0x3F98] =	sst lr;
	_ =	strace $0xD0000000  }
0x3: {  	_ = 	snop  }
0x4: {  	_ = 	snop  }
0x5: {  	_ = 	snop  }
0x6: {  	_ = 	snop  }
0x7: {  	_ = 	snop  }
__scs_overlays_trampoline_lowered:
0x8: {  	[smem:$0x3FA7] =	sst s0  }
0x9: {  	[smem:$0x3FA8] =	sst s1  }
0xa: {  	[smem:$0x3FA9] =	sst s2  }
0xb: {  	[smem:$0x3FAA] =	sst s3  }
0xc: {  	[smem:$0x3FAB] =	sst s4  }
0xd: {  	[smem:$0x3FAC] =	sst s5  }
0xe: {  	[smem:$0x3FAD] =	sst s6  }
0xf: {  	[smem:$0x3FAE] =	sst s7  }
0x10: {  	[smem:$0x3FAF] =	sst s8  }
0x11: {  	[smem:$0x3FB0] =	sst s9;
	s0 =	simm.s32 @!p0 $0x0  }
0x12: {  	s1 =	sld [smem:$0x3F96];
	s0 =	simm.s32 @p0 $0x1  }
0x13: {  	[smem:$0x3FB1] =	sst s0;
	s0 =	simm.s32 @!p1 $0x0  }
0x14: {  	s2 =	sld [smem:$0x3F95];
	s0 =	simm.s32 @p1 $0x1  }
0x15: {  	[smem:$0x3FB2] =	sst s0;
	s0 =	simm.s32 @!p2 $0x0  }
0x16: {  	s3 =	sld [smem:$0x3FDB];
	s0 =	simm.s32 @p2 $0x1  }
0x17: {  	s4 =	simm.s32 $0x1BF5;
	[smem:$0x3FB4] =	sst s0  }
0x18: {  	s0 =	sld [smem:$0x3F97];
	_ =	swait.ge [sflag:s4], $0x0  }
0x19: {  	s7 =	sld [smem:$0x3F98]  }
0x1a: {  	s8 =	sadd.s32 $0xFFFFE003, lr  }
0x1b: {  	s9 =	sadd.s32 $0xFFFFFEF7, lr;
	s5 =	simm.s32 $0xFFFFFFFF;
	p2 =	slt.u32 s8, $0xFFFFF086  }
0x1c: {  	p1 =	slt.u32 s9, $0xF7A;
	s5 =	simm.s32 @!p2 $0x0  }
0x1d: {  	s5 =	simm.s32 @p1 $0x1;
	p0 =	seq.s32 s7, s2  }
0x1e: {  	s7 =	smul.u32 @!p0 $0xF7A, s2;
	p2 =	seq.s32 @!p0 s5, $0x0  }
0x1f: {  	s9 =	smul.u32 $0xF7A, s1;
	s8 =	simm.s32 @!p0 $0x1BF5;
	p2 =	por !p2, p0  }
0x20: {  	[sflag:s8] =	ssyncset.s32 @!p0 $0xFFFFF086;
	s6 =	sadd.s32 @!p0 s3, s7;
	s7 =	simm.s32 @!p0 $0x108  }
0x21: {  	s3 =	sadd.s32 s3, s9;
	s6 =	sadd.s32 @!p0 $0x88, s6;
	s7 =	simm.s32 @p2 $0x1082  }
0x22: {  	[simem:s7], [sflag:s8] =	dma.local @!p0 [hbm:s6], $0xF7A  }
0x23: {  	s9 =	sor.u32 $0xD0000000, s2;
	s6 =	simm.s32 $0x108;
	_ =	swait.ge @!p0 [sflag:s8], $0x0  }
0x24: {  	s3 =	sadd.s32 $0x88, s3;
	s6 =	simm.s32 @!p1 $0x1082;
	[sflag:s4] =	ssyncset.s32 $0xFFFFF086  }
0x25: {  	[simem:s6], [sflag:s4] =	dma.local [hbm:s3], $0xF7A  }
0x26: {  	[smem:$0x3F98] =	sst s1;
	(tag) =	ssettag s2;
	_ =	strace s9  }
0x27: {  	s1 =	sld [smem:$0x3FA8]  }
0x28: {  	s2 =	sld [smem:$0x3FA9]  }
0x29: {  	s4 =	sld [smem:$0x3FAB]  }
0x2a: {  	p0 =	seq.s32 s5, $0x0;
	s5 =	sld [smem:$0x3FAC]  }
0x2b: {  	s6 =	sld [smem:$0x3FAD]  }
0x2c: {  	s7 =	sld [smem:$0x3FAE]  }
0x2d: {  	s3 =	simm.s32 $0x108;
	s8 =	sld [smem:$0x3FAF]  }
0x2e: {  	s3 =	simm.s32 @!p0 $0x1082;
	s9 =	sld [smem:$0x3FB0]  }
0x2f: {  	lr =	sadd.s32 s0, s3;
	s0 =	sld [smem:$0x3FA7]  }
0x30: {  	s3 =	sld [smem:$0x3FAA]  }
0x31: {  	[smem:$0x3FB3] =	sst s10  }
0x32: {  	s10 =	sld [smem:$0x3FB1];
	_ =	sdelay $0x3  }
0x33: {  	p0 =	seq.s32 s10, $0x1;
	s10 =	sld [smem:$0x3FB3];
	_ =	sdelay $0x3  }
0x34: {  	[smem:$0x3FB3] =	sst s10  }
0x35: {  	s10 =	sld [smem:$0x3FB2];
	_ =	sdelay $0x3  }
0x36: {  	p1 =	seq.s32 s10, $0x1;
	s10 =	sld [smem:$0x3FB3];
	_ =	sdelay $0x3  }
0x37: {  	[smem:$0x3FB3] =	sst s10  }
0x38: {  	s10 =	sld [smem:$0x3FB4]  }
0x39: {  	_ = 	snop;
	(pc) =	sbr.ind lr, $3  }
0x3a: {  	_ = 	snop  }
0x3b: {  	_ = 	snop  }
0x3c: {  	p2 =	seq.s32 s10, $0x1;
	s10 =	sld [smem:$0x3FB3]  }
0x3d: {  	_ =	shalt  }
0x3e: {  	_ =	shalt  }
0x3f: {  	_ =	shalt  }
0x40: {  	_ =	shalt  }
0x41: {  	_ =	shalt  }
0x42: {  	_ =	shalt  }
0x43: {  	_ =	shalt  }
0x44: {  	_ =	shalt  }
0x45: {  	_ =	shalt  }
0x46: {  	_ =	shalt  }
0x47: {  	_ =	shalt  }
0x48: {  	_ =	shalt  }
0x49: {  	_ =	shalt  }
0x4a: {  	_ =	shalt  }
0x4b: {  	_ =	shalt  }
0x4c: {  	_ =	shalt  }
0x4d: {  	_ =	shalt  }
0x4e: {  	_ =	shalt  }
0x4f: {  	_ =	shalt  }
0x50: {  	_ =	shalt  }
0x51: {  	_ =	shalt  }
0x52: {  	_ =	shalt  }
0x53: {  	_ =	shalt  }
0x54: {  	_ =	shalt  }
0x55: {  	_ =	shalt  }
0x56: {  	_ =	shalt  }
0x57: {  	_ =	shalt  }
0x58: {  	_ =	shalt  }
0x59: {  	_ =	shalt  }
0x5a: {  	_ =	shalt  }
0x5b: {  	_ =	shalt  }
0x5c: {  	_ =	shalt  }
0x5d: {  	_ =	shalt  }
0x5e: {  	_ =	shalt  }
0x5f: {  	_ =	shalt  }
0x60: {  	_ =	shalt  }
0x61: {  	_ =	shalt  }
0x62: {  	_ =	shalt  }
0x63: {  	_ =	shalt  }
0x64: {  	_ =	shalt  }
0x65: {  	_ =	shalt  }
0x66: {  	_ =	shalt  }
0x67: {  	_ =	shalt  }
0x68: {  	_ =	shalt  }
0x69: {  	_ =	shalt  }
0x6a: {  	_ =	shalt  }
0x6b: {  	_ =	shalt  }
0x6c: {  	_ =	shalt  }
0x6d: {  	_ =	shalt  }
0x6e: {  	_ =	shalt  }
0x6f: {  	_ =	shalt  }
0x70: {  	_ =	shalt  }
0x71: {  	_ =	shalt  }
0x72: {  	_ =	shalt  }
0x73: {  	_ =	shalt  }
0x74: {  	_ =	shalt  }
0x75: {  	_ =	shalt  }
0x76: {  	_ =	shalt  }
0x77: {  	_ =	shalt  }
0x78: {  	_ =	shalt  }
0x79: {  	_ =	shalt  }
0x7a: {  	_ =	shalt  }
0x7b: {  	_ =	shalt  }
0x7c: {  	_ =	shalt  }
0x7d: {  	_ =	shalt  }
0x7e: {  	_ =	shalt  }
0x7f: {  	_ =	shalt  }
0x80: {  	_ =	shalt  }
0x81: {  	_ =	shalt  }
0x82: {  	_ =	shalt  }
0x83: {  	_ =	shalt  }
0x84: {  	_ =	shalt  }
0x85: {  	_ =	shalt  }
0x86: {  	_ =	shalt  }
0x87: {  	_ =	shalt  }
.Lfunc_end0:
.L_simem_size_0:
called_computation.1_lowered:
.L_overlay_start_0:
0x88: {  	s2 =	sld [smem:$0x3FD9]  }
0x89: {  	s3 =	sld [smem:$0x3FFE];
	_ =	sdelay $0x1  }
0x8a: {  	s1 =	srdreg.scid  }
0x8b: {  	s0 =	sand.u32 $0x1, s1  }
0x8c: {  	s16 =	sshll.u32 s0, $0xA;
	s2 =	sadd.s32 s3, s2  }
0x8d: {  	s2 =	sadd.s32 s2, s16  }
0x8e: {  	[smem:$0x3FBF] =	sst s2  }
0x8f: {  	_ = 	snop  }
0x90: {  	(tm) =	ssettm $0x1  }
0x91: {  	s17 =	sld [smem:$0x3FFB];
	_ =	sdelay $0x3  }
0x92: {  	_ =	strace s17  }
0x93: {  	s2 =	sld [smem:$0x3FFC];
	_ =	sdelay $0x3  }
0x94: {  	_ =	strace s2  }
0x95: {  	s2 =	sld [smem:$0x3FFD];
	_ =	sdelay $0x3  }
0x96: {  	_ =	strace s2  }
0x97: {  	_ =	strace $0x8FFFFFFF  }
0x98: {  	s18 =	sld [smem:$0x3FDB];
	_ =	sdelay $0x1  }
0x99: {  	s19 =	simm.s32 $_scs_section_size  }
0x9a: {  	s4 =	simm.s32 $_size__tile_overlayer_lowered;
	s5 =	simm.s32 $_tile_overlayer_lowered  }
0x9b: {  	s22 =	simm.s32 $0x1BFF;
	s21 =	sshll.u32 s5, $0x1;
	s2 =	sadd.s32 s19, s18  }
0x9c: {  	s6 =	simm.s32 $0x0;
	s20 =	sshll.u32 s4, $0x1;
	s4 =	sadd.s32 s21, s2  }
0x9d: {  	[timem:s6], [sflag:s22] =	dma.local [hbm:s4], s20  }
0x9e: {  	_ =	swait.ge [sflag:s22], s20  }
0x9f: {  	s3 =	ssub.s32 $0x0, s20;
	[sflag:s22] =	ssyncset.done $0x0  }
0xa0: {  	[sflag:s22] =	ssyncadd.s32 s3;
	_ =	sdelay $0x1  }
0xa1: {  	s23 =	simm.s32 $0x1B8B  }
0xa2: {  	_ =	swait.ge [sflag:s23], $0x1  }
0xa3: {  	[sflag:s23] =	ssyncset.done $0x0  }
0xa4: {  	s25 =	simm.s32 $0x1B8E;
	s24 =	sld [smem:$0x3FFE];
	[sflag:s23] =	ssyncadd.s32 $0xFFFFFFFF  }
0xa5: {  	s26 =	simm.s32 $execute0_lowered;
	[smem:$0x3FD2] =	sst s25  }
0xa6: {  	s4 =	sshll.u32 s26, $0x1;
	_ =	strace $0x80000049;
	[dreg:$0x1] =	wrdreg $0xFFFFFFFF  }
0xa7: {  	s28 =	simm.s32 $_size_execute0_lowered;
	s2 =	sadd.s32 s2, s4;
	[dreg:$0x0] =	wrdreg $0x0  }
0xa8: {  	s4 =	sshll.u32 s28, $0x1;
	[dreg:$0x2] =	wrdreg s2  }
0xa9: {  	[dreg:$0x3] =	wrdreg s4  }
0xaa: {  	[dreg:$0x4] =	wrdreg $0xC0  }
0xab: {  	_ =	task [dreg:s6], $0x5FFFF  }
0xac: {  	[dreg:$0x1] =	wrdreg $0xFFFFFFFF  }
0xad: {  	[dreg:$0x0] =	wrdreg $0x60  }
0xae: {  	[dreg:$0x2] =	wrdreg s24  }
0xaf: {  	[dreg:$0x3] =	wrdreg $0xD0000  }
0xb0: {  	[dreg:$0x4] =	wrdreg $0x9  }
0xb1: {  	_ =	task.clear_ibuf [dreg:s6], $0x5FFFF;
	_ =	strace $0x90000049  }
0xb2: {  	s29 =	simm.s32 $0x9;
	_ =	strace $0x8000004B  }
0xb3: {  	_ =	swait.ge [sflag:s29], $0x1  }
0xb4: {  	[sflag:s29] =	ssyncadd.s32 $0xFFFFFFFF  }
0xb5: {  	_ =	strace $0x9000004B  }
0xb6: {  	_ =	sfence  }
0xb7: {  	s30 =	sld [smem:$0x0];
	_ =	sdelay $0x2  }
0xb8: {  	s31 =	sshll.u32 s1, $0xD;
	s1 =	sshrl.u32 s1, $0x2  }
0xb9: {  	s3 =	sand.u32 $0x4000, s31;
	s1 =	sadd.s32 s1, s30  }
0xba: {  	s0 =	sor.u32 s3, s0;
	s1 =	sshll.u32 s1, $0x11  }
0xbb: {  	s0 =	sor.u32 s1, s0  }
0xbc: {  	s0 =	sadd.s32 $0x8F2B, s0  }
0xbd: {  	[sflag:s0] =	ssyncadd.remote.s32 $0x1  }
0xbe: {  	_ =	sfence.sel $0xFFFF  }
0xbf: {  	[dreg:$0x0] =	wrdreg $0xFFFFFFFF;
	(pc) =	sbr.abs _section_cstart, $3  }
0xc0: {  	[dreg:$0x1] =	wrdreg $0xFFFFFFFF  }
0xc1: {  	_ =	task.clear_ibuf [dreg:s6], $0x2FFFF;
	_ =	strace $0x9FFFFFFF  }
0xc2: {  	(tm) =	ssettm $0x7FFFFFFF  }
0xc3: {  	_ =	shalt  }
tec
execute0_lowered:
.L_overlay_start_1:
0x0: {  	(tag) =	ssettag $0x1  }
0x1: {  	s0 =	srdreg.scid  }
0x2: {  	s11 =	stileid.u32;
	s5 =	rddreg [dreg:$0x0]  }
0x3: {  	s2 =	rddreg [dreg:$0x1];
	s3 =	simm.s32 $0x0;
	s12 =	simm.s32 $0x3  }
0x4: {  	s14 =	simm.s32 $0x80;
	s15 =	simm.s32 $0x5000;
	s16 =	simm.s32 $0x6000  }
0x5: {  	s18 =	simm.s32 $0x7000;
	s20 =	simm.s32 $0x8000;
	s21 =	simm.s32 $0x9000  }
0x6: {  	s22 =	simm.s32 $0xA000;
	s23 =	simm.s32 $0xB000;
	s24 =	simm.s32 $0xC000  }
0x7: {  	s28 =	simm.s32 $0x4E80;
	s29 =	simm.s32 $0x4F00;
	s30 =	simm.s32 $0x4F80  }
0x8: {  	s31 =	simm.s32 $0x0;
	s0 =	sand.u32 $0x1, s0;
	s6 =	smul.u32 $0x5000, s11  }
0x9: {  	[smem:$0x7FF] =	sst s3;
	s4 =	sadd.s32 $0x15400, s5;
	s25 =	sshll.u32 s11, $0x6  }
0xa: {  	s1 =	sshll.u32 s0, $0x4;
	s7 =	smul.u32 $0x50000, s0;
	_ =	strace $0x8000004A  }
0xb: {  	s0 =	ssub.s32 $0x2, s0;
	s1 =	sor.u32 s11, s1;
	s8 =	sshrl.u32 s6, $0x3  }
0xc: {  	s9 =	sshrl.u32 s0, $0x1;
	s26 =	sadd.s32 s6, s2;
	s1 =	smul.u32 $0x500, s1  }
0xd: {  	s7 =	sadd.s32 s6, s7;
	s8 =	sadd.s32 s8, s5;
	s0 =	ssub.s32 s0, s9  }
0xe: {  	s6 =	sor.u32 $0x1C03, s25;
	s11 =	sshrl.u32 s26, $0x3;
	s25 =	simm.s32 $0x1  }
0xf: {  	s26 =	simm.s32 $0x2;
	s7 =	sshrl.u32 s7, $0x3;
	s1 =	sadd.s32 s1, s5  }
0x10: {  	s10 =	sadd.s32 s7, s5;
	s5 =	sadd.s32 $0xB400, s8;
	s7 =	sadd.s32 $0x29600, s1  }
0x11: {  	s8 =	sadd.s32 $0x1400, s1;
	s9 =	sadd.s32 $0x33600, s10;
	s10 =	smax.u32 s0, $0x1  }
.LBB2_1:
0x12: {  	[spmem:s11], [sflag:s6] =	dma.local [hbm:s5], $0xA00  }
0x13: {  	_ =	swait.ge [sflag:s12], $0xA00  }
0x14: {  	[sflag:s12] =	ssyncset.done $0x0  }
0x15: {  	[sflag:s12] =	ssyncadd.s32 $0xFFFFF600  }
0x16: {  	[tilespmem:s3], [sflag:$0x3] =	stream.linear.gather [hbm4b:s7+s3], $0x2800, $0x38;
	[tilespmem:$0x12000] =	vst v63  }
0x17: {  	_ =	swait.ge [sflag:s12], $0x2800  }
0x18: {  	[sflag:s12] =	ssyncset.done $0x0  }
0x19: {  	s0 =	simm.s32 $0x2800;
	[sflag:s12] =	ssyncadd.s32 $0xFFFFD800  }
0x1a: {  	[tilespmem:s0], [sflag:$0x3] =	stream.linear.gather [hbm4b:s8+s3], $0x2800, $0x38;
	[tilespmem:$0x12000] =	vst v63  }
0x1b: {  	_ =	swait.ge [sflag:s12], $0x2800  }
0x1c: {  	[sflag:s12] =	ssyncset.done $0x0  }
0x1d: {  	[sflag:s12] =	ssyncadd.s32 $0xFFFFD800  }
0x1e: {  	[bflag:$0x0] =	sbarrier.arrive $0xFFFF  }
0x1f: {  	[tilespmem:s15], [sflag:$0x1] =	stream.indirect.gather [hbm4b:s4+s14], $0x20, s3, s14, $0xb8;
	[tilespmem:$0x12000] =	vst v63  }
0x20: {  	_ = 	snop  }
0x21: {  	[tilespmem:s16], [sflag:$0x1] =	stream.indirect.gather [hbm4b:s4+s14], $0x20, s14, s14, $0xb8;
	[tilespmem:$0x12000] =	vst v63  }
0x22: {  	s17 =	simm.s32 $0x100  }
0x23: {  	[tilespmem:s18], [sflag:$0x1] =	stream.indirect.gather [hbm4b:s4+s14], $0x20, s17, s14, $0xb8;
	[tilespmem:$0x12000] =	vst v63  }
0x24: {  	s19 =	simm.s32 $0x180  }
0x25: {  	[tilespmem:s20], [sflag:$0x1] =	stream.indirect.gather [hbm4b:s4+s14], $0x20, s19, s14, $0xb8;
	[tilespmem:$0x12000] =	vst v63  }
0x26: {  	s1 =	simm.s32 $0x200  }
0x27: {  	[tilespmem:s21], [sflag:$0x2] =	stream.indirect.gather [hbm4b:s4+s14], $0x20, s1, s14, $0xb8;
	[tilespmem:$0x12000] =	vst v63  }
0x28: {  	s13 =	simm.s32 $0x280  }
0x29: {  	[tilespmem:s22], [sflag:$0x2] =	stream.indirect.gather [hbm4b:s4+s14], $0x20, s13, s14, $0xb8;
	[tilespmem:$0x12000] =	vst v63  }
0x2a: {  	s17 =	simm.s32 $0x300  }
0x2b: {  	[tilespmem:s23], [sflag:$0x2] =	stream.indirect.gather [hbm4b:s4+s14], $0x20, s17, s14, $0xb8;
	[tilespmem:$0x12000] =	vst v63  }
0x2c: {  	s19 =	simm.s32 $0x380  }
0x2d: {  	[tilespmem:s24], [sflag:$0x2] =	stream.indirect.gather [hbm4b:s4+s14], $0x20, s19, s14, $0xb8;
	[tilespmem:$0x12000] =	vst v63  }
0x2e: {  	_ =	swait.ge [sflag:s25], $0x4000  }
0x2f: {  	[sflag:s25] =	ssyncset.done $0x0  }
0x30: {  	s1 =	simm.s32 $0x2800;
	[sflag:s25] =	ssyncadd.s32 $0xFFFFC000  }
0x31: {  	[spmem:s2] =	stream.indirect.scatter.add.f32 [tilespmem:s15], [sflag:$0x3], $0x20, s1, s14, $0xb8;
	[tilespmem:$0x12000] =	vst v63  }
0x32: {  	_ =	swait.ge [sflag:s12], $0x1000  }
0x33: {  	[sflag:s12] =	ssyncset.done $0x0  }
0x34: {  	s13 =	simm.s32 $0x2880;
	[sflag:s12] =	ssyncadd.s32 $0xFFFFF000  }
0x35: {  	[spmem:s2] =	stream.indirect.scatter.add.f32 [tilespmem:s16], [sflag:$0x3], $0x20, s13, s14, $0xb8;
	[tilespmem:$0x12000] =	vst v63  }
0x36: {  	_ =	swait.ge [sflag:s12], $0x1000  }
0x37: {  	[sflag:s12] =	ssyncset.done $0x0  }
0x38: {  	s17 =	simm.s32 $0x2900;
	[sflag:s12] =	ssyncadd.s32 $0xFFFFF000  }
0x39: {  	[spmem:s2] =	stream.indirect.scatter.add.f32 [tilespmem:s18], [sflag:$0x3], $0x20, s17, s14, $0xb8;
	[tilespmem:$0x12000] =	vst v63  }
0x3a: {  	_ =	swait.ge [sflag:s12], $0x1000  }
0x3b: {  	[sflag:s12] =	ssyncset.done $0x0  }
0x3c: {  	s19 =	simm.s32 $0x2980;
	[sflag:s12] =	ssyncadd.s32 $0xFFFFF000  }
0x3d: {  	[spmem:s2] =	stream.indirect.scatter.add.f32 [tilespmem:s20], [sflag:$0x3], $0x20, s19, s14, $0xb8;
	[tilespmem:$0x12000] =	vst v63  }
0x3e: {  	_ =	swait.ge [sflag:s12], $0x1000  }
0x3f: {  	[sflag:s12] =	ssyncset.done $0x0  }
0x40: {  	s1 =	simm.s32 $0x400;
	[sflag:s12] =	ssyncadd.s32 $0xFFFFF000  }
0x41: {  	[tilespmem:s15], [sflag:$0x1] =	stream.indirect.gather [hbm4b:s4+s14], $0x20, s1, s14, $0xb8;
	[tilespmem:$0x12000] =	vst v63  }
0x42: {  	s13 =	simm.s32 $0x480  }
0x43: {  	[tilespmem:s16], [sflag:$0x1] =	stream.indirect.gather [hbm4b:s4+s14], $0x20, s13, s14, $0xb8;
	[tilespmem:$0x12000] =	vst v63  }
0x44: {  	s17 =	simm.s32 $0x500  }
0x45: {  	[tilespmem:s18], [sflag:$0x1] =	stream.indirect.gather [hbm4b:s4+s14], $0x20, s17, s14, $0xb8;
	[tilespmem:$0x12000] =	vst v63  }
0x46: {  	s19 =	simm.s32 $0x580  }
0x47: {  	[tilespmem:s20], [sflag:$0x1] =	stream.indirect.gather [hbm4b:s4+s14], $0x20, s19, s14, $0xb8;
	[tilespmem:$0x12000] =	vst v63  }
0x48: {  	_ =	swait.ge [sflag:s26], $0x4000  }
0x49: {  	[sflag:s26] =	ssyncset.done $0x0  }
0x4a: {  	s1 =	simm.s32 $0x2A00;
	[sflag:s26] =	ssyncadd.s32 $0xFFFFC000  }
0x4b: {  	[spmem:s2] =	stream.indirect.scatter.add.f32 [tilespmem:s21], [sflag:$0x3], $0x20, s1, s14, $0xb8;
	[tilespmem:$0x12000] =	vst v63  }
0x4c: {  	_ =	swait.ge [sflag:s12], $0x1000  }
0x4d: {  	[sflag:s12] =	ssyncset.done $0x0  }
0x4e: {  	s13 =	simm.s32 $0x2A80;
	[sflag:s12] =	ssyncadd.s32 $0xFFFFF000  }
0x4f: {  	[spmem:s2] =	stream.indirect.scatter.add.f32 [tilespmem:s22], [sflag:$0x3], $0x20, s13, s14, $0xb8;
	[tilespmem:$0x12000] =	vst v63  }
0x50: {  	_ =	swait.ge [sflag:s12], $0x1000  }
0x51: {  	[sflag:s12] =	ssyncset.done $0x0  }
0x52: {  	s17 =	simm.s32 $0x2B00;
	[sflag:s12] =	ssyncadd.s32 $0xFFFFF000  }
0x53: {  	[spmem:s2] =	stream.indirect.scatter.add.f32 [tilespmem:s23], [sflag:$0x3], $0x20, s17, s14, $0xb8;
	[tilespmem:$0x12000] =	vst v63  }
0x54: {  	_ =	swait.ge [sflag:s12], $0x1000  }
0x55: {  	[sflag:s12] =	ssyncset.done $0x0  }
0x56: {  	s19 =	simm.s32 $0x2B80;
	[sflag:s12] =	ssyncadd.s32 $0xFFFFF000  }
0x57: {  	[spmem:s2] =	stream.indirect.scatter.add.f32 [tilespmem:s24], [sflag:$0x3], $0x20, s19, s14, $0xb8;
	[tilespmem:$0x12000] =	vst v63  }
0x58: {  	_ =	swait.ge [sflag:s12], $0x1000  }
0x59: {  	s0 =	simm.s32 $0x2000;
	s1 =	simm.s32 $0x400;
	[sflag:s12] =	ssyncset.done $0x0  }
.LBB2_2:
0x5a: {  	s19 =	sadd.s32 $0x200, s1  }
0x5b: {  	[sflag:s12] =	ssyncadd.s32 $0xFFFFF000;
	s13 =	smov.u32 s0;
	s17 =	sadd.s32 $0x1000, s0  }
0x5c: {  	[tilespmem:s21], [sflag:$0x2] =	stream.indirect.gather [hbm4b:s4+s14], $0x20, s19, s14, $0xb8;
	[tilespmem:$0x12000] =	vst v63  }
0x5d: {  	p0 =	sne.s32 s0, $0x8000;
	s0 =	sadd.s32 $0x280, s1  }
0x5e: {  	[tilespmem:s22], [sflag:$0x2] =	stream.indirect.gather [hbm4b:s4+s14], $0x20, s0, s14, $0xb8;
	[tilespmem:$0x12000] =	vst v63  }
0x5f: {  	s0 =	sadd.s32 $0x300, s1  }
0x60: {  	[tilespmem:s23], [sflag:$0x2] =	stream.indirect.gather [hbm4b:s4+s14], $0x20, s0, s14, $0xb8;
	[tilespmem:$0x12000] =	vst v63  }
0x61: {  	s0 =	sadd.s32 $0x380, s1  }
0x62: {  	[tilespmem:s24], [sflag:$0x2] =	stream.indirect.gather [hbm4b:s4+s14], $0x20, s0, s14, $0xb8;
	[tilespmem:$0x12000] =	vst v63  }
0x63: {  	_ =	swait.ge [sflag:s25], $0x4000  }
0x64: {  	[sflag:s25] =	ssyncset.done $0x0  }
0x65: {  	s0 =	sadd.s32 $0x2800, s1;
	[sflag:s25] =	ssyncadd.s32 $0xFFFFC000  }
0x66: {  	[spmem:s2] =	stream.indirect.scatter.add.f32 [tilespmem:s15], [sflag:$0x3], $0x20, s0, s14, $0xb8;
	[tilespmem:$0x12000] =	vst v63  }
0x67: {  	_ =	swait.ge [sflag:s12], $0x1000  }
0x68: {  	[sflag:s12] =	ssyncset.done $0x0  }
0x69: {  	s0 =	sadd.s32 $0x2880, s1;
	[sflag:s12] =	ssyncadd.s32 $0xFFFFF000  }
0x6a: {  	[spmem:s2] =	stream.indirect.scatter.add.f32 [tilespmem:s16], [sflag:$0x3], $0x20, s0, s14, $0xb8;
	[tilespmem:$0x12000] =	vst v63  }
0x6b: {  	_ =	swait.ge [sflag:s12], $0x1000  }
0x6c: {  	[sflag:s12] =	ssyncset.done $0x0  }
0x6d: {  	s0 =	sadd.s32 $0x2900, s1;
	[sflag:s12] =	ssyncadd.s32 $0xFFFFF000  }
0x6e: {  	[spmem:s2] =	stream.indirect.scatter.add.f32 [tilespmem:s18], [sflag:$0x3], $0x20, s0, s14, $0xb8;
	[tilespmem:$0x12000] =	vst v63  }
0x6f: {  	_ =	swait.ge [sflag:s12], $0x1000  }
0x70: {  	[sflag:s12] =	ssyncset.done $0x0  }
0x71: {  	s0 =	sadd.s32 $0x2980, s1;
	[sflag:s12] =	ssyncadd.s32 $0xFFFFF000  }
0x72: {  	[spmem:s2] =	stream.indirect.scatter.add.f32 [tilespmem:s20], [sflag:$0x3], $0x20, s0, s14, $0xb8;
	[tilespmem:$0x12000] =	vst v63  }
0x73: {  	_ =	swait.ge [sflag:s12], $0x1000  }
0x74: {  	[sflag:s12] =	ssyncset.done $0x0  }
0x75: {  	s0 =	sadd.s32 $0x400, s1;
	[sflag:s12] =	ssyncadd.s32 $0xFFFFF000  }
0x76: {  	[tilespmem:s15], [sflag:$0x1] =	stream.indirect.gather [hbm4b:s4+s14], $0x20, s0, s14, $0xb8;
	[tilespmem:$0x12000] =	vst v63  }
0x77: {  	s0 =	sadd.s32 $0x480, s1  }
0x78: {  	[tilespmem:s16], [sflag:$0x1] =	stream.indirect.gather [hbm4b:s4+s14], $0x20, s0, s14, $0xb8;
	[tilespmem:$0x12000] =	vst v63  }
0x79: {  	s0 =	sadd.s32 $0x500, s1  }
0x7a: {  	[tilespmem:s18], [sflag:$0x1] =	stream.indirect.gather [hbm4b:s4+s14], $0x20, s0, s14, $0xb8;
	[tilespmem:$0x12000] =	vst v63  }
0x7b: {  	s0 =	sadd.s32 $0x580, s1  }
0x7c: {  	[tilespmem:s20], [sflag:$0x1] =	stream.indirect.gather [hbm4b:s4+s14], $0x20, s0, s14, $0xb8;
	[tilespmem:$0x12000] =	vst v63  }
0x7d: {  	_ =	swait.ge [sflag:s26], $0x4000  }
0x7e: {  	[sflag:s26] =	ssyncset.done $0x0  }
0x7f: {  	s0 =	sadd.s32 $0x2A00, s1;
	[sflag:s26] =	ssyncadd.s32 $0xFFFFC000  }
0x80: {  	[spmem:s2] =	stream.indirect.scatter.add.f32 [tilespmem:s21], [sflag:$0x3], $0x20, s0, s14, $0xb8;
	[tilespmem:$0x12000] =	vst v63  }
0x81: {  	_ =	swait.ge [sflag:s12], $0x1000  }
0x82: {  	[sflag:s12] =	ssyncset.done $0x0  }
0x83: {  	s0 =	sadd.s32 $0x2A80, s1;
	[sflag:s12] =	ssyncadd.s32 $0xFFFFF000  }
0x84: {  	[spmem:s2] =	stream.indirect.scatter.add.f32 [tilespmem:s22], [sflag:$0x3], $0x20, s0, s14, $0xb8;
	[tilespmem:$0x12000] =	vst v63  }
0x85: {  	_ =	swait.ge [sflag:s12], $0x1000  }
0x86: {  	[sflag:s12] =	ssyncset.done $0x0  }
0x87: {  	s0 =	sadd.s32 $0x2B00, s1;
	[sflag:s12] =	ssyncadd.s32 $0xFFFFF000  }
0x88: {  	[spmem:s2] =	stream.indirect.scatter.add.f32 [tilespmem:s23], [sflag:$0x3], $0x20, s0, s14, $0xb8;
	[tilespmem:$0x12000] =	vst v63  }
0x89: {  	_ =	swait.ge [sflag:s12], $0x1000  }
.Ltmp0:
0x8a: {  	[sflag:s12] =	ssyncset.done $0x0;
	(pc) =	sbr.rel @p0 .LBB2_2-.Ltmp0, $4  }
0x8b: {  	s0 =	sadd.s32 $0x2B80, s1;
	[sflag:s12] =	ssyncadd.s32 $0xFFFFF000  }
0x8c: {  	[spmem:s2] =	stream.indirect.scatter.add.f32 [tilespmem:s24], [sflag:$0x3], $0x20, s0, s14, $0xb8;
	[tilespmem:$0x12000] =	vst v63  }
0x8d: {  	_ =	swait.ge [sflag:s12], $0x1000  }
0x8e: {  	s1 =	sshra.s32 s13, $0x2;
	s0 =	smov.u32 s17;
	[sflag:s12] =	ssyncset.done $0x0  }
0x8f: {  	s0 =	sadd.s32 $0x200, s1;
	[sflag:s12] =	ssyncadd.s32 $0xFFFFF000  }
0x90: {  	[tilespmem:s21], [sflag:$0x2] =	stream.indirect.gather [hbm4b:s4+s14], $0x20, s0, s14, $0xb8;
	[tilespmem:$0x12000] =	vst v63  }
0x91: {  	s19 =	sadd.s32 $0x280, s1  }
0x92: {  	[tilespmem:s22], [sflag:$0x2] =	stream.indirect.gather [hbm4b:s4+s14], $0x20, s19, s14, $0xb8;
	[tilespmem:$0x12000] =	vst v63  }
0x93: {  	s13 =	sadd.s32 $0x300, s1  }
0x94: {  	[tilespmem:s23], [sflag:$0x2] =	stream.indirect.gather [hbm4b:s4+s14], $0x20, s13, s14, $0xb8;
	[tilespmem:$0x12000] =	vst v63  }
0x95: {  	s17 =	sadd.s32 $0x380, s1  }
0x96: {  	[tilespmem:s24], [sflag:$0x2] =	stream.indirect.gather [hbm4b:s4+s14], $0x20, s17, s14, $0xb8;
	[tilespmem:$0x12000] =	vst v63  }
0x97: {  	_ =	swait.ge [sflag:s25], $0x4000  }
0x98: {  	[sflag:s25] =	ssyncset.done $0x0  }
0x99: {  	s19 =	sadd.s32 $0x2800, s1;
	[sflag:s25] =	ssyncadd.s32 $0xFFFFC000  }
0x9a: {  	[spmem:s2] =	stream.indirect.scatter.add.f32 [tilespmem:s15], [sflag:$0x3], $0x20, s19, s14, $0xb8;
	[tilespmem:$0x12000] =	vst v63  }
0x9b: {  	_ =	swait.ge [sflag:s12], $0x1000  }
0x9c: {  	[sflag:s12] =	ssyncset.done $0x0  }
0x9d: {  	s13 =	sadd.s32 $0x2880, s1;
	[sflag:s12] =	ssyncadd.s32 $0xFFFFF000  }
0x9e: {  	[spmem:s2] =	stream.indirect.scatter.add.f32 [tilespmem:s16], [sflag:$0x3], $0x20, s13, s14, $0xb8;
	[tilespmem:$0x12000] =	vst v63  }
0x9f: {  	_ =	swait.ge [sflag:s12], $0x1000  }
0xa0: {  	[sflag:s12] =	ssyncset.done $0x0  }
0xa1: {  	s17 =	sadd.s32 $0x2900, s1;
	[sflag:s12] =	ssyncadd.s32 $0xFFFFF000  }
0xa2: {  	[spmem:s2] =	stream.indirect.scatter.add.f32 [tilespmem:s18], [sflag:$0x3], $0x20, s17, s14, $0xb8;
	[tilespmem:$0x12000] =	vst v63  }
0xa3: {  	_ =	swait.ge [sflag:s12], $0x1000  }
0xa4: {  	[sflag:s12] =	ssyncset.done $0x0  }
0xa5: {  	s19 =	sadd.s32 $0x2980, s1;
	[sflag:s12] =	ssyncadd.s32 $0xFFFFF000  }
0xa6: {  	[spmem:s2] =	stream.indirect.scatter.add.f32 [tilespmem:s20], [sflag:$0x3], $0x20, s19, s14, $0xb8;
	[tilespmem:$0x12000] =	vst v63  }
0xa7: {  	_ =	swait.ge [sflag:s12], $0x1000  }
0xa8: {  	[sflag:s12] =	ssyncset.done $0x0  }
0xa9: {  	s13 =	sadd.s32 $0x400, s1;
	[sflag:s12] =	ssyncadd.s32 $0xFFFFF000  }
0xaa: {  	[tilespmem:s15], [sflag:$0x1] =	stream.indirect.gather [hbm4b:s4+s14], $0x20, s13, s14, $0xb8;
	[tilespmem:$0x12000] =	vst v63  }
0xab: {  	s17 =	sadd.s32 $0x480, s1  }
0xac: {  	[tilespmem:s16], [sflag:$0x1] =	stream.indirect.gather [hbm4b:s4+s14], $0x20, s17, s14, $0xb8;
	[tilespmem:$0x12000] =	vst v63  }
0xad: {  	s19 =	sadd.s32 $0x500, s1  }
0xae: {  	[tilespmem:s18], [sflag:$0x1] =	stream.indirect.gather [hbm4b:s4+s14], $0x20, s19, s14, $0xb8;
	[tilespmem:$0x12000] =	vst v63  }
0xaf: {  	s13 =	sadd.s32 $0x580, s1  }
0xb0: {  	[tilespmem:s20], [sflag:$0x1] =	stream.indirect.gather [hbm4b:s4+s14], $0x20, s13, s14, $0xb8;
	[tilespmem:$0x12000] =	vst v63  }
0xb1: {  	_ =	swait.ge [sflag:s26], $0x4000  }
0xb2: {  	[sflag:s26] =	ssyncset.done $0x0  }
0xb3: {  	s17 =	sadd.s32 $0x2A00, s1;
	[sflag:s26] =	ssyncadd.s32 $0xFFFFC000  }
0xb4: {  	[spmem:s2] =	stream.indirect.scatter.add.f32 [tilespmem:s21], [sflag:$0x3], $0x20, s17, s14, $0xb8;
	[tilespmem:$0x12000] =	vst v63  }
0xb5: {  	_ =	swait.ge [sflag:s12], $0x1000  }
0xb6: {  	[sflag:s12] =	ssyncset.done $0x0  }
0xb7: {  	s19 =	sadd.s32 $0x2A80, s1;
	[sflag:s12] =	ssyncadd.s32 $0xFFFFF000  }
0xb8: {  	[spmem:s2] =	stream.indirect.scatter.add.f32 [tilespmem:s22], [sflag:$0x3], $0x20, s19, s14, $0xb8;
	[tilespmem:$0x12000] =	vst v63  }
0xb9: {  	_ =	swait.ge [sflag:s12], $0x1000  }
0xba: {  	[sflag:s12] =	ssyncset.done $0x0  }
0xbb: {  	s13 =	sadd.s32 $0x2B00, s1;
	[sflag:s12] =	ssyncadd.s32 $0xFFFFF000  }
0xbc: {  	[spmem:s2] =	stream.indirect.scatter.add.f32 [tilespmem:s23], [sflag:$0x3], $0x20, s13, s14, $0xb8;
	[tilespmem:$0x12000] =	vst v63  }
0xbd: {  	_ =	swait.ge [sflag:s12], $0x1000  }
0xbe: {  	[sflag:s12] =	ssyncset.done $0x0  }
0xbf: {  	s17 =	sadd.s32 $0x2B80, s1;
	[sflag:s12] =	ssyncadd.s32 $0xFFFFF000  }
0xc0: {  	[spmem:s2] =	stream.indirect.scatter.add.f32 [tilespmem:s24], [sflag:$0x3], $0x20, s17, s14, $0xb8;
	[tilespmem:$0x12000] =	vst v63  }
0xc1: {  	_ =	swait.ge [sflag:s12], $0x1000  }
0xc2: {  	[sflag:s12] =	ssyncset.done $0x0  }
0xc3: {  	s19 =	simm.s32 $0x2600;
	[sflag:s12] =	ssyncadd.s32 $0xFFFFF000  }
0xc4: {  	[tilespmem:s21], [sflag:$0x2] =	stream.indirect.gather [hbm4b:s4+s14], $0x20, s19, s14, $0xb8;
	[tilespmem:$0x12000] =	vst v63  }
0xc5: {  	s1 =	simm.s32 $0x2680  }
0xc6: {  	[tilespmem:s22], [sflag:$0x2] =	stream.indirect.gather [hbm4b:s4+s14], $0x20, s1, s14, $0xb8;
	[tilespmem:$0x12000] =	vst v63  }
0xc7: {  	s13 =	simm.s32 $0x2700  }
0xc8: {  	[tilespmem:s23], [sflag:$0x2] =	stream.indirect.gather [hbm4b:s4+s14], $0x20, s13, s14, $0xb8;
	[tilespmem:$0x12000] =	vst v63  }
0xc9: {  	s17 =	simm.s32 $0x2780  }
0xca: {  	[tilespmem:s24], [sflag:$0x2] =	stream.indirect.gather [hbm4b:s4+s14], $0x20, s17, s14, $0xb8;
	[tilespmem:$0x12000] =	vst v63  }
0xcb: {  	_ =	swait.ge [sflag:s25], $0x4000  }
0xcc: {  	[sflag:s25] =	ssyncset.done $0x0  }
0xcd: {  	s19 =	simm.s32 $0x4C00;
	[sflag:s25] =	ssyncadd.s32 $0xFFFFC000  }
0xce: {  	[spmem:s2] =	stream.indirect.scatter.add.f32 [tilespmem:s15], [sflag:$0x3], $0x20, s19, s14, $0xb8;
	[tilespmem:$0x12000] =	vst v63  }
0xcf: {  	_ =	swait.ge [sflag:s12], $0x1000  }
0xd0: {  	[sflag:s12] =	ssyncset.done $0x0  }
0xd1: {  	s1 =	simm.s32 $0x4C80;
	[sflag:s12] =	ssyncadd.s32 $0xFFFFF000  }
0xd2: {  	[spmem:s2] =	stream.indirect.scatter.add.f32 [tilespmem:s16], [sflag:$0x3], $0x20, s1, s14, $0xb8;
	[tilespmem:$0x12000] =	vst v63  }
0xd3: {  	_ =	swait.ge [sflag:s12], $0x1000  }
0xd4: {  	[sflag:s12] =	ssyncset.done $0x0  }
0xd5: {  	s13 =	simm.s32 $0x4D00;
	[sflag:s12] =	ssyncadd.s32 $0xFFFFF000  }
0xd6: {  	[spmem:s2] =	stream.indirect.scatter.add.f32 [tilespmem:s18], [sflag:$0x3], $0x20, s13, s14, $0xb8;
	[tilespmem:$0x12000] =	vst v63  }
0xd7: {  	_ =	swait.ge [sflag:s12], $0x1000  }
0xd8: {  	[sflag:s12] =	ssyncset.done $0x0  }
0xd9: {  	s17 =	simm.s32 $0x4D80;
	[sflag:s12] =	ssyncadd.s32 $0xFFFFF000  }
0xda: {  	[spmem:s2] =	stream.indirect.scatter.add.f32 [tilespmem:s20], [sflag:$0x3], $0x20, s17, s14, $0xb8;
	[tilespmem:$0x12000] =	vst v63  }
0xdb: {  	_ =	swait.ge [sflag:s12], $0x1000  }
0xdc: {  	[sflag:s12] =	ssyncset.done $0x0  }
0xdd: {  	[sflag:s12] =	ssyncadd.s32 $0xFFFFF000  }
0xde: {  	_ =	swait.ge [sflag:s26], $0x4000  }
0xdf: {  	[sflag:s26] =	ssyncset.done $0x0  }
0xe0: {  	s19 =	simm.s32 $0x4E00;
	[sflag:s26] =	ssyncadd.s32 $0xFFFFC000  }
0xe1: {  	[spmem:s2] =	stream.indirect.scatter.add.f32 [tilespmem:s21], [sflag:$0x3], $0x20, s19, s14, $0xb8;
	[tilespmem:$0x12000] =	vst v63  }
0xe2: {  	_ =	swait.ge [sflag:s12], $0x1000  }
0xe3: {  	[sflag:s12] =	ssyncset.done $0x0  }
0xe4: {  	[sflag:s12] =	ssyncadd.s32 $0xFFFFF000  }
0xe5: {  	[spmem:s2] =	stream.indirect.scatter.add.f32 [tilespmem:s22], [sflag:$0x3], $0x20, s28, s14, $0xb8;
	[tilespmem:$0x12000] =	vst v63  }
0xe6: {  	_ =	swait.ge [sflag:s12], $0x1000  }
0xe7: {  	[sflag:s12] =	ssyncset.done $0x0  }
0xe8: {  	[sflag:s12] =	ssyncadd.s32 $0xFFFFF000  }
0xe9: {  	[spmem:s2] =	stream.indirect.scatter.add.f32 [tilespmem:s23], [sflag:$0x3], $0x20, s29, s14, $0xb8;
	[tilespmem:$0x12000] =	vst v63  }
0xea: {  	_ =	swait.ge [sflag:s12], $0x1000  }
0xeb: {  	[sflag:s12] =	ssyncset.done $0x0  }
0xec: {  	[sflag:s12] =	ssyncadd.s32 $0xFFFFF000  }
0xed: {  	[spmem:s2] =	stream.indirect.scatter.add.f32 [tilespmem:s24], [sflag:$0x3], $0x20, s30, s14, $0xb8;
	[tilespmem:$0x12000] =	vst v63  }
0xee: {  	_ =	swait.ge [sflag:s12], $0x1000  }
0xef: {  	s31 =	sadd.s32 $0x1, s31;
	[sflag:s12] =	ssyncset.done $0x0  }
0xf0: {  	p0 =	sne.s32 s31, s10;
	[sflag:s12] =	ssyncadd.s32 $0xFFFFF000  }
.Ltmp1:
0xf1: {  	[bflag:$0x0] =	sbarrier.arrive $0xFFFF;
	(pc) =	sbr.rel @p0 .LBB2_1-.Ltmp1, $4  }
0xf2: {  	[hbm:s9], [sflag:s6] =	dma.local [spmem:s11], $0xA00  }
0xf3: {  	_ =	swait.ge [sflag:s12], $0xA00  }
0xf4: {  	[sflag:s12] =	ssyncset.done $0x0  }
0xf5: {  	[sflag:s12] =	ssyncadd.s32 $0xFFFFF600  }
0xf6: {  	_ =	sfence.sel $0x180000  }
0xf7: {  	[bflag:$0x0] =	sbarrier.arrive $0xFFFF  }
0xf8: {  	_ =	strace $0x9000004A  }
0xf9: {  	s0 =	stileid.u32;
	[bflag:$0x2] =	sbarrier.arrive $0xFFFF  }
0xfa: {  	p0 =	sne.s32 s0, $0x0;
	s0 =	rddreg [dreg:$0x2]  }
0xfb: {  	s0 =	sadd.s32 @!p0 $0x100000, s0  }
0xfc: {  	[sflag:s0] =	ssyncadd.tile.s32 @!p0 $0x1;
	_ =	shalt  }
.Lfunc_end2:
_tile_overlayer_lowered:
.L_overlay_start_2:
0xfd: {  	(tag) =	ssettag $0x2  }
0xfe: {  	s0 =	rddreg [dreg:$0x0];
	s2 =	stileid.u32  }
0xff: {  	s1 =	rddreg [dreg:$0x1];
	p0 =	sne.s32 s2, $0x0  }
0x100: {  	s3 =	rddreg [dreg:$0x2];
	[bflag:$0x3] =	sbarrier.arrive $0xFFFF;
	s2 =	simm.s32 @!p0 $0x1C03  }
0x101: {  	[timem:s3], [sflag:s2] =	dma.local @!p0 [hbm:s0], s1  }
0x102: {  	s0 =	simm.s32 @!p0 $0x3  }
0x103: {  	_ =	swait.ge @!p0 [sflag:s0], s1  }
0x104: {  	s1 =	ssub.s32 @!p0 $0x0, s1;
	[sflag:s0] =	ssyncset.done @!p0 $0x0  }
0x105: {  	[sflag:s0] =	ssyncadd.s32 @!p0 s1  }
0x106: {  	[bflag:$0x3] =	sbarrier.arrive $0xFFFF  }
0x107: {  	_ =	shalt  }

// kernel: kernel.14.cloned.1.call-start
scs
__scs_entry_jumppad:
0x0: {  	(pc) =	sbr.rel $0x88, $3  }
0x1: {  	(tag) =	ssettag $0x0;
	lr =	simm.s32 $0x1  }
0x2: {  	[smem:$0x3F98] =	sst lr;
	_ =	strace $0xD0000000  }
0x3: {  	_ = 	snop  }
0x4: {  	_ = 	snop  }
0x5: {  	_ = 	snop  }
0x6: {  	_ = 	snop  }
0x7: {  	_ = 	snop  }
__scs_overlays_trampoline_lowered:
0x8: {  	[smem:$0x3FA7] =	sst s0  }
0x9: {  	[smem:$0x3FA8] =	sst s1  }
0xa: {  	[smem:$0x3FA9] =	sst s2  }
0xb: {  	[smem:$0x3FAA] =	sst s3  }
0xc: {  	[smem:$0x3FAB] =	sst s4  }
0xd: {  	[smem:$0x3FAC] =	sst s5  }
0xe: {  	[smem:$0x3FAD] =	sst s6  }
0xf: {  	[smem:$0x3FAE] =	sst s7  }
0x10: {  	[smem:$0x3FAF] =	sst s8  }
0x11: {  	[smem:$0x3FB0] =	sst s9;
	s0 =	simm.s32 @!p0 $0x0  }
0x12: {  	s1 =	sld [smem:$0x3F96];
	s0 =	simm.s32 @p0 $0x1  }
0x13: {  	[smem:$0x3FB1] =	sst s0;
	s0 =	simm.s32 @!p1 $0x0  }
0x14: {  	s2 =	sld [smem:$0x3F95];
	s0 =	simm.s32 @p1 $0x1  }
0x15: {  	[smem:$0x3FB2] =	sst s0;
	s0 =	simm.s32 @!p2 $0x0  }
0x16: {  	s3 =	sld [smem:$0x3FDB];
	s0 =	simm.s32 @p2 $0x1  }
0x17: {  	s4 =	simm.s32 $0x1BF5;
	[smem:$0x3FB4] =	sst s0  }
0x18: {  	s0 =	sld [smem:$0x3F97];
	_ =	swait.ge [sflag:s4], $0x0  }
0x19: {  	s7 =	sld [smem:$0x3F98]  }
0x1a: {  	s8 =	sadd.s32 $0xFFFFE003, lr  }
0x1b: {  	s9 =	sadd.s32 $0xFFFFFEF7, lr;
	s5 =	simm.s32 $0xFFFFFFFF;
	p2 =	slt.u32 s8, $0xFFFFF086  }
0x1c: {  	p1 =	slt.u32 s9, $0xF7A;
	s5 =	simm.s32 @!p2 $0x0  }
0x1d: {  	s5 =	simm.s32 @p1 $0x1;
	p0 =	seq.s32 s7, s2  }
0x1e: {  	s7 =	smul.u32 @!p0 $0xF7A, s2;
	p2 =	seq.s32 @!p0 s5, $0x0  }
0x1f: {  	s9 =	smul.u32 $0xF7A, s1;
	s8 =	simm.s32 @!p0 $0x1BF5;
	p2 =	por !p2, p0  }
0x20: {  	[sflag:s8] =	ssyncset.s32 @!p0 $0xFFFFF086;
	s6 =	sadd.s32 @!p0 s3, s7;
	s7 =	simm.s32 @!p0 $0x108  }
0x21: {  	s3 =	sadd.s32 s3, s9;
	s6 =	sadd.s32 @!p0 $0x88, s6;
	s7 =	simm.s32 @p2 $0x1082  }
0x22: {  	[simem:s7], [sflag:s8] =	dma.local @!p0 [hbm:s6], $0xF7A  }
0x23: {  	s9 =	sor.u32 $0xD0000000, s2;
	s6 =	simm.s32 $0x108;
	_ =	swait.ge @!p0 [sflag:s8], $0x0  }
0x24: {  	s3 =	sadd.s32 $0x88, s3;
	s6 =	simm.s32 @!p1 $0x1082;
	[sflag:s4] =	ssyncset.s32 $0xFFFFF086  }
0x25: {  	[simem:s6], [sflag:s4] =	dma.local [hbm:s3], $0xF7A  }
0x26: {  	[smem:$0x3F98] =	sst s1;
	(tag) =	ssettag s2;
	_ =	strace s9  }
0x27: {  	s1 =	sld [smem:$0x3FA8]  }
0x28: {  	s2 =	sld [smem:$0x3FA9]  }
0x29: {  	s4 =	sld [smem:$0x3FAB]  }
0x2a: {  	p0 =	seq.s32 s5, $0x0;
	s5 =	sld [smem:$0x3FAC]  }
0x2b: {  	s6 =	sld [smem:$0x3FAD]  }
0x2c: {  	s7 =	sld [smem:$0x3FAE]  }
0x2d: {  	s3 =	simm.s32 $0x108;
	s8 =	sld [smem:$0x3FAF]  }
0x2e: {  	s3 =	simm.s32 @!p0 $0x1082;
	s9 =	sld [smem:$0x3FB0]  }
0x2f: {  	lr =	sadd.s32 s0, s3;
	s0 =	sld [smem:$0x3FA7]  }
0x30: {  	s3 =	sld [smem:$0x3FAA]  }
0x31: {  	[smem:$0x3FB3] =	sst s10  }
0x32: {  	s10 =	sld [smem:$0x3FB1];
	_ =	sdelay $0x3  }
0x33: {  	p0 =	seq.s32 s10, $0x1;
	s10 =	sld [smem:$0x3FB3];
	_ =	sdelay $0x3  }
0x34: {  	[smem:$0x3FB3] =	sst s10  }
0x35: {  	s10 =	sld [smem:$0x3FB2];
	_ =	sdelay $0x3  }
0x36: {  	p1 =	seq.s32 s10, $0x1;
	s10 =	sld [smem:$0x3FB3];
	_ =	sdelay $0x3  }
0x37: {  	[smem:$0x3FB3] =	sst s10  }
0x38: {  	s10 =	sld [smem:$0x3FB4]  }
0x39: {  	_ = 	snop;
	(pc) =	sbr.ind lr, $3  }
0x3a: {  	_ = 	snop  }
0x3b: {  	_ = 	snop  }
0x3c: {  	p2 =	seq.s32 s10, $0x1;
	s10 =	sld [smem:$0x3FB3]  }
0x3d: {  	_ =	shalt  }
0x3e: {  	_ =	shalt  }
0x3f: {  	_ =	shalt  }
0x40: {  	_ =	shalt  }
0x41: {  	_ =	shalt  }
0x42: {  	_ =	shalt  }
0x43: {  	_ =	shalt  }
0x44: {  	_ =	shalt  }
0x45: {  	_ =	shalt  }
0x46: {  	_ =	shalt  }
0x47: {  	_ =	shalt  }
0x48: {  	_ =	shalt  }
0x49: {  	_ =	shalt  }
0x4a: {  	_ =	shalt  }
0x4b: {  	_ =	shalt  }
0x4c: {  	_ =	shalt  }
0x4d: {  	_ =	shalt  }
0x4e: {  	_ =	shalt  }
0x4f: {  	_ =	shalt  }
0x50: {  	_ =	shalt  }
0x51: {  	_ =	shalt  }
0x52: {  	_ =	shalt  }
0x53: {  	_ =	shalt  }
0x54: {  	_ =	shalt  }
0x55: {  	_ =	shalt  }
0x56: {  	_ =	shalt  }
0x57: {  	_ =	shalt  }
0x58: {  	_ =	shalt  }
0x59: {  	_ =	shalt  }
0x5a: {  	_ =	shalt  }
0x5b: {  	_ =	shalt  }
0x5c: {  	_ =	shalt  }
0x5d: {  	_ =	shalt  }
0x5e: {  	_ =	shalt  }
0x5f: {  	_ =	shalt  }
0x60: {  	_ =	shalt  }
0x61: {  	_ =	shalt  }
0x62: {  	_ =	shalt  }
0x63: {  	_ =	shalt  }
0x64: {  	_ =	shalt  }
0x65: {  	_ =	shalt  }
0x66: {  	_ =	shalt  }
0x67: {  	_ =	shalt  }
0x68: {  	_ =	shalt  }
0x69: {  	_ =	shalt  }
0x6a: {  	_ =	shalt  }
0x6b: {  	_ =	shalt  }
0x6c: {  	_ =	shalt  }
0x6d: {  	_ =	shalt  }
0x6e: {  	_ =	shalt  }
0x6f: {  	_ =	shalt  }
0x70: {  	_ =	shalt  }
0x71: {  	_ =	shalt  }
0x72: {  	_ =	shalt  }
0x73: {  	_ =	shalt  }
0x74: {  	_ =	shalt  }
0x75: {  	_ =	shalt  }
0x76: {  	_ =	shalt  }
0x77: {  	_ =	shalt  }
0x78: {  	_ =	shalt  }
0x79: {  	_ =	shalt  }
0x7a: {  	_ =	shalt  }
0x7b: {  	_ =	shalt  }
0x7c: {  	_ =	shalt  }
0x7d: {  	_ =	shalt  }
0x7e: {  	_ =	shalt  }
0x7f: {  	_ =	shalt  }
0x80: {  	_ =	shalt  }
0x81: {  	_ =	shalt  }
0x82: {  	_ =	shalt  }
0x83: {  	_ =	shalt  }
0x84: {  	_ =	shalt  }
0x85: {  	_ =	shalt  }
0x86: {  	_ =	shalt  }
0x87: {  	_ =	shalt  }
.Lfunc_end0:
.L_simem_size_0:
called_computation.2_lowered:
.L_overlay_start_0:
0x88: {  	s2 =	sld [smem:$0x3FD9]  }
0x89: {  	s3 =	sld [smem:$0x3FFE];
	_ =	sdelay $0x1  }
0x8a: {  	s1 =	srdreg.scid  }
0x8b: {  	s0 =	sand.u32 $0x1, s1  }
0x8c: {  	s16 =	sshll.u32 s0, $0xA;
	s2 =	sadd.s32 s3, s2  }
0x8d: {  	s2 =	sadd.s32 s2, s16  }
0x8e: {  	[smem:$0x3FBF] =	sst s2  }
0x8f: {  	_ = 	snop  }
0x90: {  	(tm) =	ssettm $0x1  }
0x91: {  	s17 =	sld [smem:$0x3FFB];
	_ =	sdelay $0x3  }
0x92: {  	_ =	strace s17  }
0x93: {  	s2 =	sld [smem:$0x3FFC];
	_ =	sdelay $0x3  }
0x94: {  	_ =	strace s2  }
0x95: {  	s2 =	sld [smem:$0x3FFD];
	_ =	sdelay $0x3  }
0x96: {  	_ =	strace s2  }
0x97: {  	_ =	strace $0x8FFFFFFF  }
0x98: {  	s18 =	sld [smem:$0x3FDB];
	_ =	sdelay $0x1  }
0x99: {  	s19 =	simm.s32 $_scs_section_size  }
0x9a: {  	s4 =	simm.s32 $_size__tile_overlayer_lowered;
	s5 =	simm.s32 $_tile_overlayer_lowered  }
0x9b: {  	s22 =	simm.s32 $0x1BFF;
	s21 =	sshll.u32 s5, $0x1;
	s2 =	sadd.s32 s19, s18  }
0x9c: {  	s6 =	simm.s32 $0x0;
	s20 =	sshll.u32 s4, $0x1;
	s4 =	sadd.s32 s21, s2  }
0x9d: {  	[timem:s6], [sflag:s22] =	dma.local [hbm:s4], s20  }
0x9e: {  	_ =	swait.ge [sflag:s22], s20  }
0x9f: {  	s3 =	ssub.s32 $0x0, s20;
	[sflag:s22] =	ssyncset.done $0x0  }
0xa0: {  	[sflag:s22] =	ssyncadd.s32 s3;
	_ =	sdelay $0x1  }
0xa1: {  	s23 =	simm.s32 $0x1B8B  }
0xa2: {  	_ =	swait.ge [sflag:s23], $0x1  }
0xa3: {  	[sflag:s23] =	ssyncset.done $0x0  }
0xa4: {  	s25 =	simm.s32 $0x1B8E;
	s24 =	sld [smem:$0x3FFE];
	[sflag:s23] =	ssyncadd.s32 $0xFFFFFFFF  }
0xa5: {  	s26 =	simm.s32 $execute0_lowered;
	[smem:$0x3FD2] =	sst s25  }
0xa6: {  	s4 =	sshll.u32 s26, $0x1;
	_ =	strace $0x8000004C;
	[dreg:$0x1] =	wrdreg $0xFFFFFFFF  }
0xa7: {  	s28 =	simm.s32 $_size_execute0_lowered;
	s2 =	sadd.s32 s2, s4;
	[dreg:$0x0] =	wrdreg $0x0  }
0xa8: {  	s4 =	sshll.u32 s28, $0x1;
	[dreg:$0x2] =	wrdreg s2  }
0xa9: {  	[dreg:$0x3] =	wrdreg s4  }
0xaa: {  	[dreg:$0x4] =	wrdreg $0xC0  }
0xab: {  	_ =	task [dreg:s6], $0x5FFFF  }
0xac: {  	[dreg:$0x1] =	wrdreg $0xFFFFFFFF  }
0xad: {  	[dreg:$0x0] =	wrdreg $0x60  }
0xae: {  	[dreg:$0x2] =	wrdreg s24  }
0xaf: {  	[dreg:$0x3] =	wrdreg $0x9  }
0xb0: {  	_ =	task.clear_ibuf [dreg:s6], $0x4FFFF;
	_ =	strace $0x9000004C  }
0xb1: {  	s29 =	simm.s32 $0x9;
	_ =	strace $0x8000004E  }
0xb2: {  	_ =	swait.ge [sflag:s29], $0x1  }
0xb3: {  	[sflag:s29] =	ssyncadd.s32 $0xFFFFFFFF  }
0xb4: {  	_ =	strace $0x9000004E  }
0xb5: {  	_ =	sfence  }
0xb6: {  	s30 =	sld [smem:$0x0];
	_ =	sdelay $0x2  }
0xb7: {  	s31 =	sshll.u32 s1, $0xD;
	s1 =	sshrl.u32 s1, $0x2  }
0xb8: {  	s3 =	sand.u32 $0x4000, s31;
	s1 =	sadd.s32 s1, s30  }
0xb9: {  	s0 =	sor.u32 s3, s0;
	s1 =	sshll.u32 s1, $0x11  }
0xba: {  	s0 =	sor.u32 s1, s0  }
0xbb: {  	s0 =	sadd.s32 $0x8F2B, s0  }
0xbc: {  	[sflag:s0] =	ssyncadd.remote.s32 $0x1  }
0xbd: {  	_ =	sfence.sel $0xFFFF  }
0xbe: {  	[dreg:$0x0] =	wrdreg $0xFFFFFFFF;
	(pc) =	sbr.abs _section_cstart, $3  }
0xbf: {  	[dreg:$0x1] =	wrdreg $0xFFFFFFFF  }
0xc0: {  	_ =	task.clear_ibuf [dreg:s6], $0x2FFFF;
	_ =	strace $0x9FFFFFFF  }
0xc1: {  	(tm) =	ssettm $0x7FFFFFFF  }
tec
execute0_lowered:
.L_overlay_start_1:
0x0: {  	(tag) =	ssettag $0x1  }
0x1: {  	s0 =	srdreg.scid  }
0x2: {  	s3 =	stileid.u32;
	s4 =	rddreg [dreg:$0x0];
	s2 =	simm.s32 $0x0  }
0x3: {  	s10 =	simm.s32 $0x5000;
	s11 =	simm.s32 $0xD000;
	s21 =	simm.s32 $0xA000  }
0x4: {  	s22 =	simm.s32 $0x12000;
	s23 =	simm.s32 $0xB000;
	s24 =	simm.s32 $0x13000  }
0x5: {  	s25 =	simm.s32 $0xC000;
	s26 =	simm.s32 $0x14000;
	[smem:$0x7FF] =	sst s2  }
0x6: {  	s28 =	simm.s32 $0x2;
	_ =	strace $0x8000004D;
	[dreg:$0x6] =	wrdreg s21  }
0x7: {  	s29 =	simm.s32 $0x4;
	s30 =	simm.s32 $0x5;
	[dreg:$0x7] =	wrdreg s22  }
0x8: {  	s31 =	simm.s32 $0x7;
	s0 =	sand.u32 $0x1, s0;
	[dreg:$0x8] =	wrdreg s23  }
0x9: {  	s6 =	smul.u32 $0x50000, s3;
	s7 =	sadd.s32 $0x33600, s4;
	[dreg:$0x9] =	wrdreg s24  }
0xa: {  	s1 =	sshll.u32 s0, $0x4;
	s5 =	smul.u32 $0x500000, s0;
	[dreg:$0xa] =	wrdreg s25  }
0xb: {  	s0 =	ssub.s32 $0x2, s0;
	[dreg:$0xb] =	wrdreg s26;
	s1 =	sor.u32 s3, s1  }
0xc: {  	s8 =	sshrl.u32 s0, $0x1;
	s1 =	smul.u32 $0x500, s1;
	s5 =	sadd.s32 s6, s5  }
0xd: {  	s3 =	sadd.s32 $0xB400, s4;
	s0 =	ssub.s32 s0, s8;
	s6 =	sshrl.u32 s5, $0x3  }
0xe: {  	s0 =	smax.u32 s0, $0x1;
	s1 =	sadd.s32 s1, s4;
	s4 =	sadd.s32 $0x173600, s4  }
0xf: {  	s12 =	simm.s32 $0x0;
	[dreg:$0xe] =	wrdreg s0;
	s9 =	sadd.s32 s6, s4  }
0x10: {  	s5 =	sor.u32 $0x4000, s5;
	s6 =	sadd.s32 s6, s7;
	[dreg:$0x2] =	wrdreg s9  }
0x11: {  	s5 =	sshrl.u32 s5, $0x3;
	s20 =	sadd.s32 $0x29600, s1;
	[dreg:$0x3] =	wrdreg s6  }
0x12: {  	s23 =	simm.s32 $0x9000;
	s19 =	sadd.s32 s5, s4;
	[dreg:$0xc] =	wrdreg s20  }
0x13: {  	s24 =	simm.s32 $0x11000;
	s1 =	sadd.s32 $0x1400, s1;
	[dreg:$0x4] =	wrdreg s19  }
0x14: {  	s25 =	simm.s32 $0x1;
	s7 =	sadd.s32 s5, s7;
	[dreg:$0xd] =	wrdreg s1  }
0x15: {  	s26 =	simm.s32 $0x3;
	s0 =	simm.s32 $0x8;
	[dreg:$0x5] =	wrdreg s7  }
0x16: {  	s7 =	simm.s32 $0x9;
	s9 =	simm.s32 $0x80;
	s1 =	simm.s32 $0x6  }
.LBB2_1:
0x17: {  	s4 =	rddreg [dreg:$0xc]  }
0x18: {  	[tilespmem:s2], [sflag:$0x9] =	stream.linear.gather [hbm4b:s4+s2], $0x2800, $0x38;
	[tilespmem:$0x15000] =	vst v63  }
0x19: {  	_ =	swait.ge [sflag:s7], $0x2800  }
0x1a: {  	[sflag:s7] =	ssyncset.done $0x0  }
0x1b: {  	s5 =	simm.s32 $0x2800;
	s19 =	rddreg [dreg:$0xd];
	[sflag:s7] =	ssyncadd.s32 $0xFFFFD800  }
0x1c: {  	[tilespmem:s5], [sflag:$0x9] =	stream.linear.gather [hbm4b:s19+s2], $0x2800, $0x38;
	[tilespmem:$0x15000] =	vst v63  }
0x1d: {  	_ =	swait.ge [sflag:s7], $0x2800  }
0x1e: {  	[sflag:s7] =	ssyncset.done $0x0  }
0x1f: {  	[sflag:s7] =	ssyncadd.s32 $0xFFFFD800  }
0x20: {  	[tilespmem:s10], [sflag:$0x1] =	stream.indirect.gather [hbm4b:s3+s9], $0x20, s2, s9, $0xb8;
	[tilespmem:$0x15000] =	vst v63  }
0x21: {  	_ = 	snop  }
0x22: {  	[tilespmem:s11], [sflag:$0x3] =	stream.indirect.gather [hbm4b:s3+s9], $0x20, s5, s9, $0xb8;
	[tilespmem:$0x15000] =	vst v63  }
0x23: {  	s20 =	simm.s32 $0x6000  }
0x24: {  	[tilespmem:s20], [sflag:$0x1] =	stream.indirect.gather [hbm4b:s3+s9], $0x20, s9, s9, $0xb8;
	[tilespmem:$0x15000] =	vst v63  }
0x25: {  	s21 =	simm.s32 $0x2880;
	s22 =	simm.s32 $0xE000  }
0x26: {  	[tilespmem:s22], [sflag:$0x3] =	stream.indirect.gather [hbm4b:s3+s9], $0x20, s21, s9, $0xb8;
	[tilespmem:$0x15000] =	vst v63  }
0x27: {  	s6 =	simm.s32 $0x7000;
	s5 =	simm.s32 $0x100  }
0x28: {  	[tilespmem:s6], [sflag:$0x1] =	stream.indirect.gather [hbm4b:s3+s9], $0x20, s5, s9, $0xb8;
	[tilespmem:$0x15000] =	vst v63  }
0x29: {  	s8 =	simm.s32 $0x2900;
	s13 =	simm.s32 $0xF000;
	p0 =	por $0x1, $0x1  }
0x2a: {  	[tilespmem:s13], [sflag:$0x3] =	stream.indirect.gather [hbm4b:s3+s9], $0x20, s8, s9, $0xb8;
	[tilespmem:$0x15000] =	vst v63  }
0x2b: {  	s14 =	simm.s32 $0x180;
	s15 =	simm.s32 $0x8000;
	p0 =	por p0, p0  }
0x2c: {  	[tilespmem:s15], [sflag:$0x1] =	stream.indirect.gather [hbm4b:s3+s9], $0x20, s14, s9, $0xb8;
	[tilespmem:$0x15000] =	vst v63  }
0x2d: {  	s16 =	simm.s32 $0x2980;
	s17 =	simm.s32 $0x10000;
	s13 =	simm.s32 @!p0 $0x6  }
0x2e: {  	[tilespmem:s17], [sflag:$0x3] =	stream.indirect.gather [hbm4b:s3+s9], $0x20, s16, s9, $0xb8;
	[tilespmem:$0x15000] =	vst v63  }
0x2f: {  	_ =	swait.ge @!p0 [sflag:s13], $0x4000  }
0x30: {  	[sflag:s13] =	ssyncset.done @!p0 $0x0  }
0x31: {  	[sflag:s13] =	ssyncadd.s32 @!p0 $0xFFFFC000;
	s13 =	simm.s32 @!p0 $0x8  }
0x32: {  	_ =	swait.ge @!p0 [sflag:s13], $0x4000  }
0x33: {  	[sflag:s13] =	ssyncset.done @!p0 $0x0  }
0x34: {  	s18 =	simm.s32 $0x200;
	[sflag:s13] =	ssyncadd.s32 @!p0 $0xFFFFC000  }
0x35: {  	[tilespmem:s23], [sflag:$0x2] =	stream.indirect.gather [hbm4b:s3+s9], $0x20, s18, s9, $0xb8;
	[tilespmem:$0x15000] =	vst v63  }
0x36: {  	s19 =	simm.s32 $0x2A00  }
0x37: {  	[tilespmem:s24], [sflag:$0x4] =	stream.indirect.gather [hbm4b:s3+s9], $0x20, s19, s9, $0xb8;
	[tilespmem:$0x15000] =	vst v63  }
0x38: {  	s20 =	simm.s32 $0x280;
	s14 =	rddreg [dreg:$0x6]  }
0x39: {  	[tilespmem:s14], [sflag:$0x2] =	stream.indirect.gather [hbm4b:s3+s9], $0x20, s20, s9, $0xb8;
	[tilespmem:$0x15000] =	vst v63  }
0x3a: {  	s21 =	simm.s32 $0x2A80;
	s15 =	rddreg [dreg:$0x7]  }
0x3b: {  	[tilespmem:s15], [sflag:$0x4] =	stream.indirect.gather [hbm4b:s3+s9], $0x20, s21, s9, $0xb8;
	[tilespmem:$0x15000] =	vst v63  }
0x3c: {  	s4 =	simm.s32 $0x300;
	s22 =	rddreg [dreg:$0x8]  }
0x3d: {  	[tilespmem:s22], [sflag:$0x2] =	stream.indirect.gather [hbm4b:s3+s9], $0x20, s4, s9, $0xb8;
	[tilespmem:$0x15000] =	vst v63  }
0x3e: {  	s6 =	simm.s32 $0x2B00;
	s5 =	rddreg [dreg:$0x9]  }
0x3f: {  	[tilespmem:s5], [sflag:$0x4] =	stream.indirect.gather [hbm4b:s3+s9], $0x20, s6, s9, $0xb8;
	[tilespmem:$0x15000] =	vst v63  }
0x40: {  	s16 =	simm.s32 $0x380;
	s8 =	rddreg [dreg:$0xa]  }
0x41: {  	[tilespmem:s8], [sflag:$0x2] =	stream.indirect.gather [hbm4b:s3+s9], $0x20, s16, s9, $0xb8;
	[tilespmem:$0x15000] =	vst v63  }
0x42: {  	s17 =	rddreg [dreg:$0xb];
	s18 =	simm.s32 $0x2B80  }
0x43: {  	[tilespmem:s17], [sflag:$0x4] =	stream.indirect.gather [hbm4b:s3+s9], $0x20, s18, s9, $0xb8;
	[tilespmem:$0x15000] =	vst v63  }
0x44: {  	_ =	swait.ge [sflag:s25], $0x4000  }
0x45: {  	[sflag:s25] =	ssyncset.done $0x0  }
0x46: {  	[sflag:s25] =	ssyncadd.s32 $0xFFFFC000  }
0x47: {  	_ =	swait.ge [sflag:s26], $0x4000  }
0x48: {  	p0 =	por $0x0, $0x0;
	s19 =	rddreg [dreg:$0x3];
	[sflag:s26] =	ssyncset.done $0x0  }
0x49: {  	s20 =	rddreg [dreg:$0x2];
	[sflag:s26] =	ssyncadd.s32 $0xFFFFC000;
	s13 =	sadd.s32 $0x0, s19  }
0x4a: {  	[hbm4b:s13+s2] =	stream.linear.scatter [tilespmem:s10], [sflag:$0x5], $0x4000, $0x38;
	[tilespmem:$0x15000] =	vst v63  }
0x4b: {  	s21 =	sadd.s32 $0x0, s20;
	s13 =	simm.s32 @!p0 $0x5  }
0x4c: {  	[hbm4b:s21+s2] =	stream.linear.scatter [tilespmem:s11], [sflag:$0x7], $0x4000, $0x38;
	[tilespmem:$0x15000] =	vst v63  }
0x4d: {  	_ =	swait.ge @!p0 [sflag:s13], $0x4000  }
0x4e: {  	[sflag:s13] =	ssyncset.done @!p0 $0x0  }
0x4f: {  	s14 =	simm.s32 @!p0 $0x7;
	[sflag:s13] =	ssyncadd.s32 @!p0 $0xFFFFC000  }
0x50: {  	_ =	swait.ge @!p0 [sflag:s14], $0x4000  }
0x51: {  	s15 =	simm.s32 @!p0 $0x80;
	[sflag:s14] =	ssyncset.done @!p0 $0x0  }
0x52: {  	s16 =	simm.s32 @!p0 $0x5000;
	s13 =	simm.s32 @!p0 $0x400;
	[sflag:s14] =	ssyncadd.s32 @!p0 $0xFFFFC000  }
0x53: {  	[tilespmem:s16], [sflag:$0x1] =	stream.indirect.gather @!p0 [hbm4b:s3+s15], $0x20, s13, s15, $0xb8;
	[tilespmem:$0x15000] =	vst v63  }
0x54: {  	s14 =	simm.s32 @!p0 $0xD000;
	s13 =	simm.s32 @!p0 $0x2C00  }
0x55: {  	[tilespmem:s14], [sflag:$0x3] =	stream.indirect.gather @!p0 [hbm4b:s3+s15], $0x20, s13, s15, $0xb8;
	[tilespmem:$0x15000] =	vst v63  }
0x56: {  	s13 =	simm.s32 @!p0 $0x480;
	s14 =	simm.s32 @!p0 $0x6000  }
0x57: {  	[tilespmem:s14], [sflag:$0x1] =	stream.indirect.gather @!p0 [hbm4b:s3+s15], $0x20, s13, s15, $0xb8;
	[tilespmem:$0x15000] =	vst v63  }
0x58: {  	s13 =	simm.s32 @!p0 $0x2C80;
	s14 =	simm.s32 @!p0 $0xE000  }
0x59: {  	[tilespmem:s14], [sflag:$0x3] =	stream.indirect.gather @!p0 [hbm4b:s3+s15], $0x20, s13, s15, $0xb8;
	[tilespmem:$0x15000] =	vst v63  }
0x5a: {  	s13 =	simm.s32 @!p0 $0x500;
	s14 =	simm.s32 @!p0 $0x7000  }
0x5b: {  	[tilespmem:s14], [sflag:$0x1] =	stream.indirect.gather @!p0 [hbm4b:s3+s15], $0x20, s13, s15, $0xb8;
	[tilespmem:$0x15000] =	vst v63  }
0x5c: {  	s13 =	simm.s32 @!p0 $0x2D00;
	s14 =	simm.s32 @!p0 $0xF000  }
0x5d: {  	[tilespmem:s14], [sflag:$0x3] =	stream.indirect.gather @!p0 [hbm4b:s3+s15], $0x20, s13, s15, $0xb8;
	[tilespmem:$0x15000] =	vst v63  }
0x5e: {  	s13 =	simm.s32 @!p0 $0x580;
	s14 =	simm.s32 @!p0 $0x8000  }
0x5f: {  	[tilespmem:s14], [sflag:$0x1] =	stream.indirect.gather @!p0 [hbm4b:s3+s15], $0x20, s13, s15, $0xb8;
	[tilespmem:$0x15000] =	vst v63  }
0x60: {  	s13 =	simm.s32 @!p0 $0x2D80;
	s14 =	simm.s32 @!p0 $0x10000  }
0x61: {  	[tilespmem:s14], [sflag:$0x3] =	stream.indirect.gather @!p0 [hbm4b:s3+s15], $0x20, s13, s15, $0xb8;
	[tilespmem:$0x15000] =	vst v63  }
0x62: {  	_ =	swait.ge [sflag:s28], $0x4000  }
0x63: {  	[sflag:s28] =	ssyncset.done $0x0  }
0x64: {  	[sflag:s28] =	ssyncadd.s32 $0xFFFFC000  }
0x65: {  	p6 =	por $0x0, $0x0;
	_ =	swait.ge [sflag:s29], $0x4000  }
0x66: {  	s14 =	simm.s32 $0x2000;
	s22 =	rddreg [dreg:$0x5];
	[sflag:s29] =	ssyncset.done $0x0  }
0x67: {  	p0 =	por p6, p6;
	[sflag:s29] =	ssyncadd.s32 $0xFFFFC000;
	s13 =	sadd.s32 $0x0, s22  }
0x68: {  	[hbm4b:s13+s2] =	stream.linear.scatter [tilespmem:s23], [sflag:$0x6], $0x4000, $0x38;
	[tilespmem:$0x15000] =	vst v63  }
0x69: {  	s15 =	simm.s32 $0x0;
	s16 =	rddreg [dreg:$0x4];
	s13 =	simm.s32 $0x1000  }
.LBB2_2:
0x6a: {  	s17 =	simm.s32 @!p0 $0x6;
	s16 =	sadd.s32 s15, s16  }
0x6b: {  	[hbm4b:s16+s2] =	stream.linear.scatter [tilespmem:s24], [sflag:$0x8], $0x4000, $0x38;
	[tilespmem:$0x15000] =	vst v63  }
0x6c: {  	_ =	swait.ge @!p0 [sflag:s17], $0x4000  }
0x6d: {  	[sflag:s17] =	ssyncset.done @!p0 $0x0  }
0x6e: {  	s16 =	simm.s32 @!p0 $0x8;
	[sflag:s17] =	ssyncadd.s32 @!p0 $0xFFFFC000  }
0x6f: {  	s15 =	smov.u32 s13;
	_ =	swait.ge @!p0 [sflag:s16], $0x4000  }
0x70: {  	s17 =	sshra.s32 s15, $0x2;
	[sflag:s16] =	ssyncset.done @!p0 $0x0  }
0x71: {  	s5 =	sadd.s32 $0x200, s17;
	[sflag:s16] =	ssyncadd.s32 @!p0 $0xFFFFC000  }
0x72: {  	[tilespmem:s23], [sflag:$0x2] =	stream.indirect.gather [hbm4b:s3+s9], $0x20, s5, s9, $0xb8;
	[tilespmem:$0x15000] =	vst v63  }
0x73: {  	s6 =	sadd.s32 $0x2A00, s17  }
0x74: {  	[tilespmem:s24], [sflag:$0x4] =	stream.indirect.gather [hbm4b:s3+s9], $0x20, s6, s9, $0xb8;
	[tilespmem:$0x15000] =	vst v63  }
0x75: {  	s8 =	sadd.s32 $0x280, s17;
	s18 =	rddreg [dreg:$0x6]  }
0x76: {  	[tilespmem:s18], [sflag:$0x2] =	stream.indirect.gather [hbm4b:s3+s9], $0x20, s8, s9, $0xb8;
	[tilespmem:$0x15000] =	vst v63  }
0x77: {  	s19 =	rddreg [dreg:$0x7];
	s18 =	sadd.s32 $0x2A80, s17  }
0x78: {  	[tilespmem:s19], [sflag:$0x4] =	stream.indirect.gather [hbm4b:s3+s9], $0x20, s18, s9, $0xb8;
	[tilespmem:$0x15000] =	vst v63  }
0x79: {  	s21 =	sadd.s32 $0x300, s17;
	s20 =	rddreg [dreg:$0x8]  }
0x7a: {  	[tilespmem:s20], [sflag:$0x2] =	stream.indirect.gather [hbm4b:s3+s9], $0x20, s21, s9, $0xb8;
	[tilespmem:$0x15000] =	vst v63  }
0x7b: {  	s4 =	sadd.s32 $0x2B00, s17;
	s22 =	rddreg [dreg:$0x9]  }
0x7c: {  	[tilespmem:s22], [sflag:$0x4] =	stream.indirect.gather [hbm4b:s3+s9], $0x20, s4, s9, $0xb8;
	[tilespmem:$0x15000] =	vst v63  }
0x7d: {  	s5 =	rddreg [dreg:$0xa];
	s6 =	sadd.s32 $0x380, s17  }
0x7e: {  	[tilespmem:s5], [sflag:$0x2] =	stream.indirect.gather [hbm4b:s3+s9], $0x20, s6, s9, $0xb8;
	[tilespmem:$0x15000] =	vst v63  }
0x7f: {  	s8 =	rddreg [dreg:$0xb];
	s18 =	sadd.s32 $0x2B80, s17  }
0x80: {  	[tilespmem:s8], [sflag:$0x4] =	stream.indirect.gather [hbm4b:s3+s9], $0x20, s18, s9, $0xb8;
	[tilespmem:$0x15000] =	vst v63  }
0x81: {  	_ =	swait.ge [sflag:s25], $0x4000  }
0x82: {  	[sflag:s25] =	ssyncset.done $0x0  }
0x83: {  	p2 =	seq.s32 s14, $0x0;
	[sflag:s25] =	ssyncadd.s32 $0xFFFFC000  }
0x84: {  	p0 =	por p2, p2;
	_ =	swait.ge [sflag:s26], $0x4000  }
0x85: {  	p2 =	seq.s32 s15, $0x9000;
	s19 =	rddreg [dreg:$0x3];
	[sflag:s26] =	ssyncset.done $0x0  }
0x86: {  	s20 =	rddreg [dreg:$0x2];
	[sflag:s26] =	ssyncadd.s32 $0xFFFFC000;
	s16 =	sadd.s32 s15, s19  }
0x87: {  	[hbm4b:s16+s2] =	stream.linear.scatter [tilespmem:s10], [sflag:$0x5], $0x4000, $0x38;
	[tilespmem:$0x15000] =	vst v63  }
0x88: {  	s21 =	sadd.s32 s15, s20;
	s16 =	simm.s32 @!p2 $0x5  }
0x89: {  	[hbm4b:s21+s2] =	stream.linear.scatter [tilespmem:s11], [sflag:$0x7], $0x4000, $0x38;
	[tilespmem:$0x15000] =	vst v63  }
0x8a: {  	_ =	swait.ge @!p2 [sflag:s16], $0x4000  }
0x8b: {  	[sflag:s16] =	ssyncset.done @!p2 $0x0  }
0x8c: {  	s20 =	simm.s32 @!p2 $0x7;
	[sflag:s16] =	ssyncadd.s32 @!p2 $0xFFFFC000  }
0x8d: {  	_ =	swait.ge @!p2 [sflag:s20], $0x4000  }
0x8e: {  	s17 =	sshra.s32 @!p2 s15, $0x2;
	s5 =	simm.s32 @!p2 $0x80;
	[sflag:s20] =	ssyncset.done @!p2 $0x0  }
0x8f: {  	s6 =	simm.s32 @!p2 $0x5000;
	s18 =	sadd.s32 @!p2 $0x400, s17;
	[sflag:s20] =	ssyncadd.s32 @!p2 $0xFFFFC000  }
0x90: {  	[tilespmem:s6], [sflag:$0x1] =	stream.indirect.gather @!p2 [hbm4b:s3+s5], $0x20, s18, s5, $0xb8;
	[tilespmem:$0x15000] =	vst v63  }
0x91: {  	s19 =	sadd.s32 @!p2 $0x2C00, s17;
	s20 =	simm.s32 @!p2 $0xD000  }
0x92: {  	[tilespmem:s20], [sflag:$0x3] =	stream.indirect.gather @!p2 [hbm4b:s3+s5], $0x20, s19, s5, $0xb8;
	[tilespmem:$0x15000] =	vst v63  }
0x93: {  	s21 =	sadd.s32 @!p2 $0x480, s17;
	s6 =	simm.s32 @!p2 $0x6000  }
0x94: {  	[tilespmem:s6], [sflag:$0x1] =	stream.indirect.gather @!p2 [hbm4b:s3+s5], $0x20, s21, s5, $0xb8;
	[tilespmem:$0x15000] =	vst v63  }
0x95: {  	s16 =	sadd.s32 @!p2 $0x2C80, s17;
	s18 =	simm.s32 @!p2 $0xE000  }
0x96: {  	[tilespmem:s18], [sflag:$0x3] =	stream.indirect.gather @!p2 [hbm4b:s3+s5], $0x20, s16, s5, $0xb8;
	[tilespmem:$0x15000] =	vst v63  }
0x97: {  	s22 =	sadd.s32 @!p2 $0x500, s17;
	s6 =	simm.s32 @!p2 $0x7000  }
0x98: {  	[tilespmem:s6], [sflag:$0x1] =	stream.indirect.gather @!p2 [hbm4b:s3+s5], $0x20, s22, s5, $0xb8;
	[tilespmem:$0x15000] =	vst v63  }
0x99: {  	s4 =	sadd.s32 @!p2 $0x2D00, s17;
	s16 =	simm.s32 @!p2 $0xF000  }
0x9a: {  	[tilespmem:s16], [sflag:$0x3] =	stream.indirect.gather @!p2 [hbm4b:s3+s5], $0x20, s4, s5, $0xb8;
	[tilespmem:$0x15000] =	vst v63  }
0x9b: {  	s8 =	sadd.s32 @!p2 $0x580, s17;
	s6 =	simm.s32 @!p2 $0x8000  }
0x9c: {  	[tilespmem:s6], [sflag:$0x1] =	stream.indirect.gather @!p2 [hbm4b:s3+s5], $0x20, s8, s5, $0xb8;
	[tilespmem:$0x15000] =	vst v63  }
0x9d: {  	s17 =	sadd.s32 @!p2 $0x2D80, s17;
	s4 =	simm.s32 @!p2 $0x10000  }
0x9e: {  	[tilespmem:s4], [sflag:$0x3] =	stream.indirect.gather @!p2 [hbm4b:s3+s5], $0x20, s17, s5, $0xb8;
	[tilespmem:$0x15000] =	vst v63  }
0x9f: {  	s13 =	smov.u32 s14;
	s14 =	sadd.s32 $0x1000, s14;
	_ =	swait.ge [sflag:s28], $0x4000  }
0xa0: {  	p1 =	sne.s32 s14, $0xA000;
	[sflag:s28] =	ssyncset.done $0x0  }
.Ltmp0:
0xa1: {  	[sflag:s28] =	ssyncadd.s32 $0xFFFFC000;
	(pc) =	sbr.rel @p1 .LBB2_2-.Ltmp0, $4  }
0xa2: {  	_ =	swait.ge [sflag:s29], $0x4000  }
0xa3: {  	s22 =	rddreg [dreg:$0x5];
	[sflag:s29] =	ssyncset.done $0x0  }
0xa4: {  	s16 =	rddreg [dreg:$0x4];
	[sflag:s29] =	ssyncadd.s32 $0xFFFFC000;
	s4 =	sadd.s32 s15, s22  }
0xa5: {  	[hbm4b:s4+s2] =	stream.linear.scatter [tilespmem:s23], [sflag:$0x6], $0x4000, $0x38;
	[tilespmem:$0x15000] =	vst v63  }
0xa6: {  	s4 =	simm.s32 @!p0 $0x6;
	s5 =	sadd.s32 s15, s16  }
0xa7: {  	[hbm4b:s5+s2] =	stream.linear.scatter [tilespmem:s24], [sflag:$0x8], $0x4000, $0x38;
	[tilespmem:$0x15000] =	vst v63  }
0xa8: {  	_ =	swait.ge @!p0 [sflag:s4], $0x4000  }
0xa9: {  	[sflag:s4] =	ssyncset.done @!p0 $0x0  }
0xaa: {  	[sflag:s4] =	ssyncadd.s32 @!p0 $0xFFFFC000;
	s4 =	simm.s32 @!p0 $0x8  }
0xab: {  	_ =	swait.ge @!p0 [sflag:s4], $0x4000  }
0xac: {  	s5 =	sshra.s32 s13, $0x2;
	[sflag:s4] =	ssyncset.done @!p0 $0x0  }
0xad: {  	s14 =	sadd.s32 $0x200, s5;
	[sflag:s4] =	ssyncadd.s32 @!p0 $0xFFFFC000  }
0xae: {  	[tilespmem:s23], [sflag:$0x2] =	stream.indirect.gather [hbm4b:s3+s9], $0x20, s14, s9, $0xb8;
	[tilespmem:$0x15000] =	vst v63  }
0xaf: {  	s15 =	sadd.s32 $0x2A00, s5  }
0xb0: {  	[tilespmem:s24], [sflag:$0x4] =	stream.indirect.gather [hbm4b:s3+s9], $0x20, s15, s9, $0xb8;
	[tilespmem:$0x15000] =	vst v63  }
0xb1: {  	s16 =	sadd.s32 $0x280, s5;
	s6 =	rddreg [dreg:$0x6]  }
0xb2: {  	[tilespmem:s6], [sflag:$0x2] =	stream.indirect.gather [hbm4b:s3+s9], $0x20, s16, s9, $0xb8;
	[tilespmem:$0x15000] =	vst v63  }
0xb3: {  	s17 =	sadd.s32 $0x2A80, s5;
	s8 =	rddreg [dreg:$0x7]  }
0xb4: {  	[tilespmem:s8], [sflag:$0x4] =	stream.indirect.gather [hbm4b:s3+s9], $0x20, s17, s9, $0xb8;
	[tilespmem:$0x15000] =	vst v63  }
0xb5: {  	s19 =	sadd.s32 $0x300, s5;
	s18 =	rddreg [dreg:$0x8]  }
0xb6: {  	[tilespmem:s18], [sflag:$0x2] =	stream.indirect.gather [hbm4b:s3+s9], $0x20, s19, s9, $0xb8;
	[tilespmem:$0x15000] =	vst v63  }
0xb7: {  	s21 =	sadd.s32 $0x2B00, s5;
	s20 =	rddreg [dreg:$0x9]  }
0xb8: {  	[tilespmem:s20], [sflag:$0x4] =	stream.indirect.gather [hbm4b:s3+s9], $0x20, s21, s9, $0xb8;
	[tilespmem:$0x15000] =	vst v63  }
0xb9: {  	s22 =	rddreg [dreg:$0xa];
	s8 =	sadd.s32 $0x380, s5  }
0xba: {  	[tilespmem:s22], [sflag:$0x2] =	stream.indirect.gather [hbm4b:s3+s9], $0x20, s8, s9, $0xb8;
	[tilespmem:$0x15000] =	vst v63  }
0xbb: {  	s14 =	rddreg [dreg:$0xb];
	s15 =	sadd.s32 $0x2B80, s5  }
0xbc: {  	[tilespmem:s14], [sflag:$0x4] =	stream.indirect.gather [hbm4b:s3+s9], $0x20, s15, s9, $0xb8;
	[tilespmem:$0x15000] =	vst v63  }
0xbd: {  	_ =	swait.ge [sflag:s25], $0x4000  }
0xbe: {  	[sflag:s25] =	ssyncset.done $0x0  }
0xbf: {  	[sflag:s25] =	ssyncadd.s32 $0xFFFFC000  }
0xc0: {  	_ =	swait.ge [sflag:s26], $0x4000  }
0xc1: {  	p0 =	seq.s32 s13, $0x9000;
	s16 =	rddreg [dreg:$0x3];
	[sflag:s26] =	ssyncset.done $0x0  }
0xc2: {  	s17 =	rddreg [dreg:$0x2];
	[sflag:s26] =	ssyncadd.s32 $0xFFFFC000;
	s4 =	sadd.s32 s13, s16  }
0xc3: {  	[hbm4b:s4+s2] =	stream.linear.scatter [tilespmem:s10], [sflag:$0x5], $0x4000, $0x38;
	[tilespmem:$0x15000] =	vst v63  }
0xc4: {  	s18 =	sadd.s32 s13, s17;
	s4 =	simm.s32 @!p0 $0x5  }
0xc5: {  	[hbm4b:s18+s2] =	stream.linear.scatter [tilespmem:s11], [sflag:$0x7], $0x4000, $0x38;
	[tilespmem:$0x15000] =	vst v63  }
0xc6: {  	_ =	swait.ge @!p0 [sflag:s4], $0x4000  }
0xc7: {  	[sflag:s4] =	ssyncset.done @!p0 $0x0  }
0xc8: {  	s5 =	simm.s32 @!p0 $0x7;
	[sflag:s4] =	ssyncadd.s32 @!p0 $0xFFFFC000  }
0xc9: {  	_ =	swait.ge @!p0 [sflag:s5], $0x4000  }
0xca: {  	s8 =	simm.s32 @!p0 $0x80;
	s4 =	sshra.s32 @!p0 s13, $0x2;
	[sflag:s5] =	ssyncset.done @!p0 $0x0  }
0xcb: {  	s6 =	sadd.s32 @!p0 $0x400, s4;
	[sflag:s5] =	ssyncadd.s32 @!p0 $0xFFFFC000;
	s5 =	simm.s32 @!p0 $0x5000  }
0xcc: {  	[tilespmem:s5], [sflag:$0x1] =	stream.indirect.gather @!p0 [hbm4b:s3+s8], $0x20, s6, s8, $0xb8;
	[tilespmem:$0x15000] =	vst v63  }
0xcd: {  	s5 =	sadd.s32 @!p0 $0x2C00, s4;
	s6 =	simm.s32 @!p0 $0xD000  }
0xce: {  	[tilespmem:s6], [sflag:$0x3] =	stream.indirect.gather @!p0 [hbm4b:s3+s8], $0x20, s5, s8, $0xb8;
	[tilespmem:$0x15000] =	vst v63  }
0xcf: {  	s5 =	sadd.s32 @!p0 $0x480, s4;
	s6 =	simm.s32 @!p0 $0x6000  }
0xd0: {  	[tilespmem:s6], [sflag:$0x1] =	stream.indirect.gather @!p0 [hbm4b:s3+s8], $0x20, s5, s8, $0xb8;
	[tilespmem:$0x15000] =	vst v63  }
0xd1: {  	s5 =	sadd.s32 @!p0 $0x2C80, s4;
	s6 =	simm.s32 @!p0 $0xE000  }
0xd2: {  	[tilespmem:s6], [sflag:$0x3] =	stream.indirect.gather @!p0 [hbm4b:s3+s8], $0x20, s5, s8, $0xb8;
	[tilespmem:$0x15000] =	vst v63  }
0xd3: {  	s5 =	sadd.s32 @!p0 $0x500, s4;
	s6 =	simm.s32 @!p0 $0x7000  }
0xd4: {  	[tilespmem:s6], [sflag:$0x1] =	stream.indirect.gather @!p0 [hbm4b:s3+s8], $0x20, s5, s8, $0xb8;
	[tilespmem:$0x15000] =	vst v63  }
0xd5: {  	s5 =	sadd.s32 @!p0 $0x2D00, s4;
	s6 =	simm.s32 @!p0 $0xF000  }
0xd6: {  	[tilespmem:s6], [sflag:$0x3] =	stream.indirect.gather @!p0 [hbm4b:s3+s8], $0x20, s5, s8, $0xb8;
	[tilespmem:$0x15000] =	vst v63  }
0xd7: {  	s5 =	sadd.s32 @!p0 $0x580, s4;
	s6 =	simm.s32 @!p0 $0x8000  }
0xd8: {  	[tilespmem:s6], [sflag:$0x1] =	stream.indirect.gather @!p0 [hbm4b:s3+s8], $0x20, s5, s8, $0xb8;
	[tilespmem:$0x15000] =	vst v63  }
0xd9: {  	s4 =	sadd.s32 @!p0 $0x2D80, s4;
	s5 =	simm.s32 @!p0 $0x10000  }
0xda: {  	[tilespmem:s5], [sflag:$0x3] =	stream.indirect.gather @!p0 [hbm4b:s3+s8], $0x20, s4, s8, $0xb8;
	[tilespmem:$0x15000] =	vst v63  }
0xdb: {  	_ =	swait.ge [sflag:s28], $0x4000  }
0xdc: {  	[sflag:s28] =	ssyncset.done $0x0  }
0xdd: {  	[sflag:s28] =	ssyncadd.s32 $0xFFFFC000  }
0xde: {  	_ =	swait.ge [sflag:s29], $0x4000  }
0xdf: {  	s19 =	rddreg [dreg:$0x5];
	[sflag:s29] =	ssyncset.done $0x0  }
0xe0: {  	s20 =	rddreg [dreg:$0x4];
	[sflag:s29] =	ssyncadd.s32 $0xFFFFC000;
	s4 =	sadd.s32 s13, s19  }
0xe1: {  	[hbm4b:s4+s2] =	stream.linear.scatter [tilespmem:s23], [sflag:$0x6], $0x4000, $0x38;
	[tilespmem:$0x15000] =	vst v63  }
0xe2: {  	s21 =	sadd.s32 s13, s20  }
0xe3: {  	[hbm4b:s21+s2] =	stream.linear.scatter [tilespmem:s24], [sflag:$0x8], $0x4000, $0x38;
	[tilespmem:$0x15000] =	vst v63  }
0xe4: {  	_ =	swait.ge [sflag:s30], $0x4000  }
0xe5: {  	[sflag:s30] =	ssyncset.done $0x0  }
0xe6: {  	[sflag:s30] =	ssyncadd.s32 $0xFFFFC000  }
0xe7: {  	_ =	swait.ge [sflag:s31], $0x4000  }
0xe8: {  	[sflag:s31] =	ssyncset.done $0x0  }
0xe9: {  	[sflag:s31] =	ssyncadd.s32 $0xFFFFC000  }
0xea: {  	_ =	swait.ge [sflag:s1], $0x4000  }
0xeb: {  	[sflag:s1] =	ssyncset.done $0x0  }
0xec: {  	[sflag:s1] =	ssyncadd.s32 $0xFFFFC000  }
0xed: {  	_ =	swait.ge [sflag:s0], $0x4000  }
0xee: {  	s12 =	sadd.s32 $0x1, s12;
	s22 =	rddreg [dreg:$0xe]  }
0xef: {  	p0 =	sne.s32 s12, s22  }
.Ltmp1:
0xf0: {  	_ = 	snop;
	(pc) =	sbr.rel @p0 .LBB2_1-.Ltmp1, $3  }
0xf1: {  	_ =	sdelay $0x1  }
0xf2: {  	[sflag:s0] =	ssyncset.done $0x0  }
0xf3: {  	[sflag:s0] =	ssyncadd.s32 $0xFFFFC000  }
0xf4: {  	_ =	sfence.sel $0x180000  }
0xf5: {  	[bflag:$0x0] =	sbarrier.arrive $0xFFFF  }
0xf6: {  	_ =	strace $0x9000004D  }
0xf7: {  	s0 =	stileid.u32;
	[bflag:$0x2] =	sbarrier.arrive $0xFFFF  }
0xf8: {  	p0 =	sne.s32 s0, $0x0;
	s0 =	rddreg [dreg:$0x1]  }
0xf9: {  	s0 =	sadd.s32 @!p0 $0x100000, s0  }
0xfa: {  	[sflag:s0] =	ssyncadd.tile.s32 @!p0 $0x1;
	_ =	shalt  }
.Lfunc_end2:
_tile_overlayer_lowered:
.L_overlay_start_2:
0xfb: {  	(tag) =	ssettag $0x2  }
0xfc: {  	s0 =	rddreg [dreg:$0x0];
	s2 =	stileid.u32  }
0xfd: {  	s1 =	rddreg [dreg:$0x1];
	p0 =	sne.s32 s2, $0x0  }
0xfe: {  	s3 =	rddreg [dreg:$0x2];
	[bflag:$0x3] =	sbarrier.arrive $0xFFFF;
	s2 =	simm.s32 @!p0 $0x1C09  }
0xff: {  	[timem:s3], [sflag:s2] =	dma.local @!p0 [hbm:s0], s1  }
0x100: {  	s0 =	simm.s32 @!p0 $0x9  }
0x101: {  	_ =	swait.ge @!p0 [sflag:s0], s1  }
0x102: {  	s1 =	ssub.s32 @!p0 $0x0, s1;
	[sflag:s0] =	ssyncset.done @!p0 $0x0  }
0x103: {  	[sflag:s0] =	ssyncadd.s32 @!p0 s1  }
0x104: {  	[bflag:$0x3] =	sbarrier.arrive $0xFFFF  }
0x105: {  	_ =	shalt  }

// kernel: kernel.8.cloned.1.call-start
scs
__scs_entry_jumppad:
0x0: {  	(pc) =	sbr.rel $0x88, $3  }
0x1: {  	(tag) =	ssettag $0x0;
	lr =	simm.s32 $0x1  }
0x2: {  	[smem:$0x3F98] =	sst lr;
	_ =	strace $0xD0000000  }
0x3: {  	_ = 	snop  }
0x4: {  	_ = 	snop  }
0x5: {  	_ = 	snop  }
0x6: {  	_ = 	snop  }
0x7: {  	_ = 	snop  }
__scs_overlays_trampoline_lowered:
0x8: {  	[smem:$0x3FA7] =	sst s0  }
0x9: {  	[smem:$0x3FA8] =	sst s1  }
0xa: {  	[smem:$0x3FA9] =	sst s2  }
0xb: {  	[smem:$0x3FAA] =	sst s3  }
0xc: {  	[smem:$0x3FAB] =	sst s4  }
0xd: {  	[smem:$0x3FAC] =	sst s5  }
0xe: {  	[smem:$0x3FAD] =	sst s6  }
0xf: {  	[smem:$0x3FAE] =	sst s7  }
0x10: {  	[smem:$0x3FAF] =	sst s8  }
0x11: {  	[smem:$0x3FB0] =	sst s9;
	s0 =	simm.s32 @!p0 $0x0  }
0x12: {  	s1 =	sld [smem:$0x3F96];
	s0 =	simm.s32 @p0 $0x1  }
0x13: {  	[smem:$0x3FB1] =	sst s0;
	s0 =	simm.s32 @!p1 $0x0  }
0x14: {  	s2 =	sld [smem:$0x3F95];
	s0 =	simm.s32 @p1 $0x1  }
0x15: {  	[smem:$0x3FB2] =	sst s0;
	s0 =	simm.s32 @!p2 $0x0  }
0x16: {  	s3 =	sld [smem:$0x3FDB];
	s0 =	simm.s32 @p2 $0x1  }
0x17: {  	s4 =	simm.s32 $0x1BF5;
	[smem:$0x3FB4] =	sst s0  }
0x18: {  	s0 =	sld [smem:$0x3F97];
	_ =	swait.ge [sflag:s4], $0x0  }
0x19: {  	s7 =	sld [smem:$0x3F98]  }
0x1a: {  	s8 =	sadd.s32 $0xFFFFE003, lr  }
0x1b: {  	s9 =	sadd.s32 $0xFFFFFEF7, lr;
	s5 =	simm.s32 $0xFFFFFFFF;
	p2 =	slt.u32 s8, $0xFFFFF086  }
0x1c: {  	p1 =	slt.u32 s9, $0xF7A;
	s5 =	simm.s32 @!p2 $0x0  }
0x1d: {  	s5 =	simm.s32 @p1 $0x1;
	p0 =	seq.s32 s7, s2  }
0x1e: {  	s7 =	smul.u32 @!p0 $0xF7A, s2;
	p2 =	seq.s32 @!p0 s5, $0x0  }
0x1f: {  	s9 =	smul.u32 $0xF7A, s1;
	s8 =	simm.s32 @!p0 $0x1BF5;
	p2 =	por !p2, p0  }
0x20: {  	[sflag:s8] =	ssyncset.s32 @!p0 $0xFFFFF086;
	s6 =	sadd.s32 @!p0 s3, s7;
	s7 =	simm.s32 @!p0 $0x108  }
0x21: {  	s3 =	sadd.s32 s3, s9;
	s6 =	sadd.s32 @!p0 $0x88, s6;
	s7 =	simm.s32 @p2 $0x1082  }
0x22: {  	[simem:s7], [sflag:s8] =	dma.local @!p0 [hbm:s6], $0xF7A  }
0x23: {  	s9 =	sor.u32 $0xD0000000, s2;
	s6 =	simm.s32 $0x108;
	_ =	swait.ge @!p0 [sflag:s8], $0x0  }
0x24: {  	s3 =	sadd.s32 $0x88, s3;
	s6 =	simm.s32 @!p1 $0x1082;
	[sflag:s4] =	ssyncset.s32 $0xFFFFF086  }
0x25: {  	[simem:s6], [sflag:s4] =	dma.local [hbm:s3], $0xF7A  }
0x26: {  	[smem:$0x3F98] =	sst s1;
	(tag) =	ssettag s2;
	_ =	strace s9  }
0x27: {  	s1 =	sld [smem:$0x3FA8]  }
0x28: {  	s2 =	sld [smem:$0x3FA9]  }
0x29: {  	s4 =	sld [smem:$0x3FAB]  }
0x2a: {  	p0 =	seq.s32 s5, $0x0;
	s5 =	sld [smem:$0x3FAC]  }
0x2b: {  	s6 =	sld [smem:$0x3FAD]  }
0x2c: {  	s7 =	sld [smem:$0x3FAE]  }
0x2d: {  	s3 =	simm.s32 $0x108;
	s8 =	sld [smem:$0x3FAF]  }
0x2e: {  	s3 =	simm.s32 @!p0 $0x1082;
	s9 =	sld [smem:$0x3FB0]  }
0x2f: {  	lr =	sadd.s32 s0, s3;
	s0 =	sld [smem:$0x3FA7]  }
0x30: {  	s3 =	sld [smem:$0x3FAA]  }
0x31: {  	[smem:$0x3FB3] =	sst s10  }
0x32: {  	s10 =	sld [smem:$0x3FB1];
	_ =	sdelay $0x3  }
0x33: {  	p0 =	seq.s32 s10, $0x1;
	s10 =	sld [smem:$0x3FB3];
	_ =	sdelay $0x3  }
0x34: {  	[smem:$0x3FB3] =	sst s10  }
0x35: {  	s10 =	sld [smem:$0x3FB2];
	_ =	sdelay $0x3  }
0x36: {  	p1 =	seq.s32 s10, $0x1;
	s10 =	sld [smem:$0x3FB3];
	_ =	sdelay $0x3  }
0x37: {  	[smem:$0x3FB3] =	sst s10  }
0x38: {  	s10 =	sld [smem:$0x3FB4]  }
0x39: {  	_ = 	snop;
	(pc) =	sbr.ind lr, $3  }
0x3a: {  	_ = 	snop  }
0x3b: {  	_ = 	snop  }
0x3c: {  	p2 =	seq.s32 s10, $0x1;
	s10 =	sld [smem:$0x3FB3]  }
0x3d: {  	_ =	shalt  }
0x3e: {  	_ =	shalt  }
0x3f: {  	_ =	shalt  }
0x40: {  	_ =	shalt  }
0x41: {  	_ =	shalt  }
0x42: {  	_ =	shalt  }
0x43: {  	_ =	shalt  }
0x44: {  	_ =	shalt  }
0x45: {  	_ =	shalt  }
0x46: {  	_ =	shalt  }
0x47: {  	_ =	shalt  }
0x48: {  	_ =	shalt  }
0x49: {  	_ =	shalt  }
0x4a: {  	_ =	shalt  }
0x4b: {  	_ =	shalt  }
0x4c: {  	_ =	shalt  }
0x4d: {  	_ =	shalt  }
0x4e: {  	_ =	shalt  }
0x4f: {  	_ =	shalt  }
0x50: {  	_ =	shalt  }
0x51: {  	_ =	shalt  }
0x52: {  	_ =	shalt  }
0x53: {  	_ =	shalt  }
0x54: {  	_ =	shalt  }
0x55: {  	_ =	shalt  }
0x56: {  	_ =	shalt  }
0x57: {  	_ =	shalt  }
0x58: {  	_ =	shalt  }
0x59: {  	_ =	shalt  }
0x5a: {  	_ =	shalt  }
0x5b: {  	_ =	shalt  }
0x5c: {  	_ =	shalt  }
0x5d: {  	_ =	shalt  }
0x5e: {  	_ =	shalt  }
0x5f: {  	_ =	shalt  }
0x60: {  	_ =	shalt  }
0x61: {  	_ =	shalt  }
0x62: {  	_ =	shalt  }
0x63: {  	_ =	shalt  }
0x64: {  	_ =	shalt  }
0x65: {  	_ =	shalt  }
0x66: {  	_ =	shalt  }
0x67: {  	_ =	shalt  }
0x68: {  	_ =	shalt  }
0x69: {  	_ =	shalt  }
0x6a: {  	_ =	shalt  }
0x6b: {  	_ =	shalt  }
0x6c: {  	_ =	shalt  }
0x6d: {  	_ =	shalt  }
0x6e: {  	_ =	shalt  }
0x6f: {  	_ =	shalt  }
0x70: {  	_ =	shalt  }
0x71: {  	_ =	shalt  }
0x72: {  	_ =	shalt  }
0x73: {  	_ =	shalt  }
0x74: {  	_ =	shalt  }
0x75: {  	_ =	shalt  }
0x76: {  	_ =	shalt  }
0x77: {  	_ =	shalt  }
0x78: {  	_ =	shalt  }
0x79: {  	_ =	shalt  }
0x7a: {  	_ =	shalt  }
0x7b: {  	_ =	shalt  }
0x7c: {  	_ =	shalt  }
0x7d: {  	_ =	shalt  }
0x7e: {  	_ =	shalt  }
0x7f: {  	_ =	shalt  }
0x80: {  	_ =	shalt  }
0x81: {  	_ =	shalt  }
0x82: {  	_ =	shalt  }
0x83: {  	_ =	shalt  }
0x84: {  	_ =	shalt  }
0x85: {  	_ =	shalt  }
0x86: {  	_ =	shalt  }
0x87: {  	_ =	shalt  }
.Lfunc_end0:
.L_simem_size_0:
called_computation_lowered:
.L_overlay_start_0:
0x88: {  	s2 =	sld [smem:$0x3FD9]  }
0x89: {  	s3 =	sld [smem:$0x3FFE];
	_ =	sdelay $0x1  }
0x8a: {  	s1 =	srdreg.scid  }
0x8b: {  	s0 =	sand.u32 $0x1, s1  }
0x8c: {  	s17 =	sshll.u32 s0, $0xA;
	s2 =	sadd.s32 s3, s2  }
0x8d: {  	s2 =	sadd.s32 s2, s17  }
0x8e: {  	[smem:$0x3FBF] =	sst s2  }
0x8f: {  	_ = 	snop  }
0x90: {  	s2 =	sld [smem:$0x3FD0];
	(tm) =	ssettm $0x1  }
0x91: {  	s18 =	sld [smem:$0x3FFB];
	_ =	sdelay $0x3  }
0x92: {  	_ =	strace s18  }
0x93: {  	s3 =	sld [smem:$0x3FFC];
	_ =	sdelay $0x3  }
0x94: {  	_ =	strace s3  }
0x95: {  	s3 =	sld [smem:$0x3FFD];
	_ =	sdelay $0x3  }
0x96: {  	_ =	strace s3  }
0x97: {  	_ =	strace $0x8FFFFFFF  }
0x98: {  	s19 =	sld [smem:$0x3FDB];
	_ =	sdelay $0x1  }
0x99: {  	s4 =	simm.s32 $_scs_section_size  }
0x9a: {  	s5 =	simm.s32 $_size__tile_overlayer_lowered;
	s6 =	simm.s32 $_tile_overlayer_lowered  }
0x9b: {  	s22 =	simm.s32 $0x1BFF;
	s21 =	sshll.u32 s6, $0x1;
	s3 =	sadd.s32 s4, s19  }
0x9c: {  	s7 =	simm.s32 $0x0;
	s20 =	sshll.u32 s5, $0x1;
	s5 =	sadd.s32 s21, s3  }
0x9d: {  	[timem:s7], [sflag:s22] =	dma.local [hbm:s5], s20  }
0x9e: {  	_ =	swait.ge [sflag:s22], s20  }
0x9f: {  	s4 =	ssub.s32 $0x0, s20;
	[sflag:s22] =	ssyncset.done $0x0  }
0xa0: {  	[sflag:s22] =	ssyncadd.s32 s4;
	_ =	sdelay $0x1  }
0xa1: {  	s23 =	simm.s32 $0x1B8B  }
0xa2: {  	_ =	swait.ge [sflag:s23], $0x1  }
0xa3: {  	[sflag:s23] =	ssyncset.done $0x0  }
0xa4: {  	s25 =	simm.s32 $0x1B8E;
	s24 =	sld [smem:$0x3FFE];
	[sflag:s23] =	ssyncadd.s32 $0xFFFFFFFF  }
0xa5: {  	s26 =	simm.s32 $execute0_lowered;
	[smem:$0x3FD2] =	sst s25  }
0xa6: {  	s5 =	sshll.u32 s26, $0x1;
	_ =	strace $0x80000046;
	[dreg:$0x1] =	wrdreg $0xFFFFFFFF  }
0xa7: {  	s28 =	simm.s32 $_size_execute0_lowered;
	s3 =	sadd.s32 s3, s5;
	[dreg:$0x0] =	wrdreg $0x0  }
0xa8: {  	s5 =	sshll.u32 s28, $0x1;
	[dreg:$0x2] =	wrdreg s3  }
0xa9: {  	[dreg:$0x3] =	wrdreg s5  }
0xaa: {  	[dreg:$0x4] =	wrdreg $0xC0  }
0xab: {  	_ =	task [dreg:s7], $0x5FFFF  }
0xac: {  	[dreg:$0x1] =	wrdreg $0xFFFFFFFF  }
0xad: {  	[dreg:$0x0] =	wrdreg $0x60  }
0xae: {  	[dreg:$0x2] =	wrdreg s24  }
0xaf: {  	[dreg:$0x3] =	wrdreg s2  }
0xb0: {  	[dreg:$0x4] =	wrdreg $0x38000  }
0xb1: {  	[dreg:$0x5] =	wrdreg $0x9  }
0xb2: {  	_ =	task.clear_ibuf [dreg:s7], $0x6FFFF;
	_ =	strace $0x90000046  }
0xb3: {  	s29 =	simm.s32 $0x9;
	_ =	strace $0x80000048  }
0xb4: {  	_ =	swait.ge [sflag:s29], $0x1  }
0xb5: {  	[sflag:s29] =	ssyncadd.s32 $0xFFFFFFFF  }
0xb6: {  	_ =	strace $0x90000048  }
0xb7: {  	_ =	sfence  }
0xb8: {  	s30 =	sld [smem:$0x0];
	_ =	sdelay $0x2  }
0xb9: {  	s31 =	sshll.u32 s1, $0xD;
	s1 =	sshrl.u32 s1, $0x2  }
0xba: {  	s3 =	sand.u32 $0x4000, s31;
	s1 =	sadd.s32 s1, s30  }
0xbb: {  	s0 =	sor.u32 s3, s0;
	s1 =	sshll.u32 s1, $0x11  }
0xbc: {  	s0 =	sor.u32 s1, s0  }
0xbd: {  	s0 =	sadd.s32 $0x8F2B, s0  }
0xbe: {  	[sflag:s0] =	ssyncadd.remote.s32 $0x1  }
0xbf: {  	_ =	sfence.sel $0xFFFF  }
0xc0: {  	[dreg:$0x0] =	wrdreg $0xFFFFFFFF;
	(pc) =	sbr.abs _section_cstart, $3  }
0xc1: {  	[dreg:$0x1] =	wrdreg $0xFFFFFFFF  }
0xc2: {  	_ =	task.clear_ibuf [dreg:s7], $0x2FFFF;
	_ =	strace $0x9FFFFFFF  }
0xc3: {  	(tm) =	ssettm $0x7FFFFFFF  }
tec
execute0_lowered:
.L_overlay_start_1:
0x0: {  	(tag) =	ssettag $0x1  }
0x1: {  	s6 =	rddreg [dreg:$0x0]  }
0x2: {  	s0 =	srdreg.scid;
	s2 =	rddreg [dreg:$0x1]  }
0x3: {  	s3 =	rddreg [dreg:$0x2];
	s4 =	simm.s32 $0x0;
	s13 =	simm.s32 $0x80  }
0x4: {  	s14 =	simm.s32 $0x0;
	s5 =	sand.u32 $0x1, s0;
	s0 =	stileid.u32  }
0x5: {  	[smem:$0x7FF] =	sst s4;
	s1 =	sshll.u32 s5, $0x4;
	s8 =	smul.u32 $0x5000, s0  }
0x6: {  	s9 =	smul.u32 $0x50000, s5;
	s5 =	ssub.s32 $0x2, s5;
	s1 =	sor.u32 s0, s1  }
0x7: {  	s31 =	sshll.u32 s0, $0x6;
	s11 =	sshrl.u32 s5, $0x1;
	s7 =	smul.u32 $0x500, s1  }
0x8: {  	s1 =	rddreg [dreg:$0x3];
	_ =	strace $0x80000047;
	s9 =	sadd.s32 s8, s9  }
0x9: {  	s10 =	sshrl.u32 s8, $0x3;
	s11 =	ssub.s32 s5, s11;
	s12 =	sadd.s32 s8, s3  }
0xa: {  	s9 =	sshrl.u32 s9, $0x3;
	s10 =	sadd.s32 s10, s6;
	s7 =	sadd.s32 s7, s6  }
0xb: {  	s9 =	sadd.s32 s9, s6;
	s5 =	sadd.s32 $0xB400, s10;
	s6 =	sor.u32 $0x1C01, s31  }
0xc: {  	s10 =	sshrl.u32 s12, $0x3;
	s12 =	simm.s32 $0x2800;
	s7 =	sadd.s32 $0x1400, s7  }
0xd: {  	s8 =	sadd.s32 $0x15400, s9;
	s9 =	smax.u32 s11, $0x1;
	s11 =	simm.s32 $0x1  }
.LBB2_1:
0xe: {  	[spmem:s10], [sflag:s6] =	dma.local [hbm:s5], $0xA00  }
0xf: {  	_ =	swait.ge [sflag:s11], $0xA00  }
0x10: {  	[sflag:s11] =	ssyncset.done $0x0  }
0x11: {  	[sflag:s11] =	ssyncadd.s32 $0xFFFFF600  }
0x12: {  	[tilespmem:s12], [sflag:$0x1] =	stream.linear.gather [hbm4b:s2+s4], $0x1000, $0x38;
	[tilespmem:$0x8800] =	vst v63  }
0x13: {  	_ =	swait.ge [sflag:s11], $0x1000  }
0x14: {  	[sflag:s11] =	ssyncset.done $0x0  }
0x15: {  	[sflag:s11] =	ssyncadd.s32 $0xFFFFF000  }
0x16: {  	[tilespmem:s4], [sflag:$0x1] =	stream.linear.gather [hbm4b:s7+s4], $0x2800, $0x38;
	[tilespmem:$0x8800] =	vst v63  }
0x17: {  	_ =	swait.ge [sflag:s11], $0x2800  }
0x18: {  	[sflag:s11] =	ssyncset.done $0x0  }
0x19: {  	[sflag:s11] =	ssyncadd.s32 $0xFFFFD800  }
0x1a: {  	s15 =	simm.s32 $0x0;
	[bflag:$0x0] =	sbarrier.arrive $0xFFFF  }
0x1b: {  	[spmem:s3] =	stream.indirect.scatter.add.f32 [tilespmem:s12], [sflag:$0x1], $0x20, s15, s13, $0xb8;
	[tilespmem:$0x8800] =	vst v63  }
0x1c: {  	_ =	swait.ge [sflag:s11], $0x1000  }
0x1d: {  	s15 =	simm.s32 $0x200;
	[sflag:s11] =	ssyncset.done $0x0  }
.LBB2_2:
0x1e: {  	s16 =	sshra.s32 s15, $0x2;
	[sflag:s11] =	ssyncadd.s32 $0xFFFFF000;
	p0 =	sne.s32 s15, $0x9E00  }
0x1f: {  	[spmem:s3] =	stream.indirect.scatter.add.f32 [tilespmem:s12], [sflag:$0x1], $0x20, s16, s13, $0xb8;
	[tilespmem:$0x8800] =	vst v63  }
.Ltmp0:
0x20: {  	_ = 	snop;
	(pc) =	sbr.rel @p0 .LBB2_2-.Ltmp0, $4  }
0x21: {  	_ = 	snop  }
0x22: {  	s15 =	sadd.s32 $0x200, s15  }
0x23: {  	_ =	swait.ge [sflag:s11], $0x1000  }
0x24: {  	[sflag:s11] =	ssyncset.done $0x0  }
0x25: {  	s14 =	sadd.s32 $0x1, s14  }
0x26: {  	[sflag:s11] =	ssyncadd.s32 $0xFFFFF000;
	p0 =	sne.s32 s14, s9  }
.Ltmp1:
0x27: {  	[bflag:$0x0] =	sbarrier.arrive $0xFFFF;
	(pc) =	sbr.rel @p0 .LBB2_1-.Ltmp1, $4  }
0x28: {  	[hbm:s8], [sflag:s6] =	dma.local [spmem:s10], $0xA00  }
0x29: {  	_ =	swait.ge [sflag:s11], $0xA00  }
0x2a: {  	[sflag:s11] =	ssyncset.done $0x0  }
0x2b: {  	[sflag:s11] =	ssyncadd.s32 $0xFFFFF600  }
0x2c: {  	_ =	sfence.sel $0x180000  }
0x2d: {  	[bflag:$0x0] =	sbarrier.arrive $0xFFFF  }
0x2e: {  	p0 =	sne.s32 s0, $0x0;
	_ =	strace $0x90000047  }
0x2f: {  	s0 =	sadd.s32 @!p0 $0x100000, s1;
	[bflag:$0x2] =	sbarrier.arrive $0xFFFF  }
0x30: {  	[sflag:s0] =	ssyncadd.tile.s32 @!p0 $0x1;
	_ =	shalt  }
.Lfunc_end2:
_tile_overlayer_lowered:
.L_overlay_start_2:
0x31: {  	(tag) =	ssettag $0x2  }
0x32: {  	s0 =	rddreg [dreg:$0x0];
	s2 =	stileid.u32  }
0x33: {  	s1 =	rddreg [dreg:$0x1];
	p0 =	sne.s32 s2, $0x0  }
0x34: {  	s3 =	rddreg [dreg:$0x2];
	[bflag:$0x3] =	sbarrier.arrive $0xFFFF;
	s2 =	simm.s32 @!p0 $0x1C01  }
0x35: {  	[timem:s3], [sflag:s2] =	dma.local @!p0 [hbm:s0], s1  }
0x36: {  	s0 =	simm.s32 @!p0 $0x1  }
0x37: {  	_ =	swait.ge @!p0 [sflag:s0], s1  }
0x38: {  	s1 =	ssub.s32 @!p0 $0x0, s1;
	[sflag:s0] =	ssyncset.done @!p0 $0x0  }
0x39: {  	[sflag:s0] =	ssyncadd.s32 @!p0 s1  }
0x3a: {  	[bflag:$0x3] =	sbarrier.arrive $0xFFFF  }
0x3b: {  	_ =	shalt  }

</sc_bundles>
